<compile_context>
chip_gen: v7x
topology: tpu7x:2x2x1
jax: 0.10.2.dev20260603
libtpu: 0.0.44.dev20260713+nightly
codegen_flags: <defaults>
</compile_context>

<pallas_src>
import jax
import jax.numpy as jnp
from jax import lax
from jax.experimental import pallas as pl
from jax.experimental.pallas import tpu as pltpu
from jax.experimental.pallas import tpu_sc as plsc

_G = 256
_VOX = 0.8
_NBOX = 20

_NW = 32
_CELLS = (_G * _G) // _NW
_KC = 8
_SC_CH = 16
_SC_C0 = 128 - _SC_CH

_TC_CHUNK = 16


def _sc_body(a_hbm, o_hbm, pa_hbm, po_hbm,
             ba0, ba1, bo0, bo1, acc_a, acc_o,
             sem_a0, sem_a1, sem_o0, sem_o1):
    wid = lax.axis_index("s") * 2 + lax.axis_index("c")
    cell0 = wid * _CELLS
    nchunks = _SC_CH // _KC

    for b in range(2):
        bufs_a = (ba0, ba1)
        bufs_o = (bo0, bo1)
        sems_a = (sem_a0, sem_a1)
        sems_o = (sem_o0, sem_o1)

        pltpu.async_copy(
            a_hbm.at[b, pl.ds(_SC_C0, _KC), pl.ds(cell0, _CELLS)],
            bufs_a[0], sems_a[0])
        pltpu.async_copy(
            o_hbm.at[b, pl.ds(_SC_C0, _KC), pl.ds(cell0, _CELLS)],
            bufs_o[0], sems_o[0])

        for k in range(nchunks):
            cur = k % 2
            nxt = (k + 1) % 2
            if k + 1 < nchunks:
                c0 = _SC_C0 + (k + 1) * _KC
                pltpu.async_copy(
                    a_hbm.at[b, pl.ds(c0, _KC), pl.ds(cell0, _CELLS)],
                    bufs_a[nxt], sems_a[nxt])
                pltpu.async_copy(
                    o_hbm.at[b, pl.ds(c0, _KC), pl.ds(cell0, _CELLS)],
                    bufs_o[nxt], sems_o[nxt])
            pltpu.make_async_copy(
                a_hbm.at[b, pl.ds(_SC_C0, _KC), pl.ds(cell0, _CELLS)],
                bufs_a[cur], sems_a[cur]).wait()
            pltpu.make_async_copy(
                o_hbm.at[b, pl.ds(_SC_C0, _KC), pl.ds(cell0, _CELLS)],
                bufs_o[cur], sems_o[cur]).wait()

            ba = bufs_a[cur]
            bo = bufs_o[cur]
            first = (k == 0)

            def mk_accum(ba=ba, bo=bo, first=first):
                @plsc.parallel_loop(0, _CELLS, step=16, unroll=4)
                def _(i):
                    sl = pl.ds(i, 16)
                    va = (ba[0, sl] + ba[1, sl]) + (ba[2, sl] + ba[3, sl])
                    va = va + ((ba[4, sl] + ba[5, sl]) + (ba[6, sl] + ba[7, sl]))
                    vo = (bo[0, sl] + bo[1, sl]) + (bo[2, sl] + bo[3, sl])
                    vo = vo + ((bo[4, sl] + bo[5, sl]) + (bo[6, sl] + bo[7, sl]))
                    if first:
                        acc_a[sl] = va
                        acc_o[sl] = vo
                    else:
                        acc_a[sl] = acc_a[sl] + va
                        acc_o[sl] = acc_o[sl] + vo

            mk_accum()

        pltpu.sync_copy(acc_a, pa_hbm.at[b, pl.ds(cell0, _CELLS)])
        pltpu.sync_copy(acc_o, po_hbm.at[b, pl.ds(cell0, _CELLS)])


def _sc_partial_maps(a3, o3):
    mesh = plsc.VectorSubcoreMesh(core_axis_name="c", subcore_axis_name="s")
    f = pl.kernel(
        _sc_body,
        out_type=[
            jax.ShapeDtypeStruct((2, _G * _G), jnp.float32),
            jax.ShapeDtypeStruct((2, _G * _G), jnp.float32),
        ],
        mesh=mesh,
        scratch_types=[
            pltpu.VMEM((_KC, _CELLS), jnp.float32),
            pltpu.VMEM((_KC, _CELLS), jnp.float32),
            pltpu.VMEM((_KC, _CELLS), jnp.float32),
            pltpu.VMEM((_KC, _CELLS), jnp.float32),
            pltpu.VMEM((_CELLS,), jnp.float32),
            pltpu.VMEM((_CELLS,), jnp.float32),
            pltpu.SemaphoreType.DMA,
            pltpu.SemaphoreType.DMA,
            pltpu.SemaphoreType.DMA,
            pltpu.SemaphoreType.DMA,
        ],
    )
    return f(a3, o3)


def _tc_partial_kernel(a_ref, o_ref, o_last_ref, ta_ref, to_ref, acc_a, acc_o):
    k = pl.program_id(1)
    nk = pl.num_programs(1)

    a_sum = jnp.sum(a_ref[0], axis=0)

    @pl.when(k == 0)
    def _():
        acc_a[...] = a_sum
        acc_o[...] = jnp.sum(o_ref[0, 1:], axis=0)

    @pl.when(k > 0)
    def _():
        acc_a[...] += a_sum
        acc_o[...] += jnp.sum(o_ref[0], axis=0)

    @pl.when(k == nk - 1)
    def _():
        ta_ref[0] = acc_a[...]
        to_ref[0] = acc_o[...] + o_last_ref[0, 0]


def _tc_partial_maps(added_points, original_points):
    B, C, H, W = added_points.shape
    nk = _SC_C0 // _TC_CHUNK
    return pl.pallas_call(
        _tc_partial_kernel,
        grid=(B, nk),
        in_specs=[
            pl.BlockSpec((1, _TC_CHUNK, H, W), lambda b, k: (b, k, 0, 0)),
            pl.BlockSpec((1, _TC_CHUNK, H, W), lambda b, k: (b, k, 0, 0)),
            pl.BlockSpec((1, 1, H, W), lambda b, k: (b, C, 0, 0)),
        ],
        out_specs=[
            pl.BlockSpec((1, H, W), lambda b, k: (b, 0, 0)),
            pl.BlockSpec((1, H, W), lambda b, k: (b, 0, 0)),
        ],
        out_shape=[
            jax.ShapeDtypeStruct((B, H, W), jnp.float32),
            jax.ShapeDtypeStruct((B, H, W), jnp.float32),
        ],
        scratch_shapes=[
            pltpu.VMEM((H, W), jnp.float32),
            pltpu.VMEM((H, W), jnp.float32),
        ],
    )(added_points, original_points, original_points)


def _combine_kernel(boxes_ref, ta_ref, pa_ref, to_ref, po_ref,
                    inter_ref, union_ref):
    pred_occ = (ta_ref[0] + pa_ref[0]) != 0.0
    orig_occ = (to_ref[0] + po_ref[0]) != 0.0
    ii = jax.lax.broadcasted_iota(jnp.int32, (_G, _G), 0)
    jj = jax.lax.broadcasted_iota(jnp.int32, (_G, _G), 1)
    x = (ii.astype(jnp.float32) - _G / 2.0) * _VOX
    y = (jj.astype(jnp.float32) - _G / 2.0) * _VOX
    boxes = boxes_ref[0]
    mask = jnp.zeros((_G, _G), dtype=jnp.bool_)
    for t in range(_NBOX):
        cx = boxes[t, 0]
        cy = boxes[t, 1]
        cz = boxes[t, 2]
        dx = boxes[t, 3]
        dy = boxes[t, 4]
        dz = boxes[t, 5]
        hd = boxes[t, 6]
        sx = x - cx
        sy = y - cy
        cth = jnp.cos(hd)
        sth = jnp.sin(hd)
        lx = sx * cth + sy * sth
        ly = sy * cth - sx * sth
        zin = jnp.abs(_VOX - cz) <= dz * 0.5
        inb = (jnp.abs(lx) <= dx * 0.5) & (jnp.abs(ly) <= dy * 0.5) & zin
        mask = mask | inb
    p = pred_occ & mask
    o = orig_occ & mask
    inter = jnp.sum(jnp.where(p & o, 1.0, 0.0))
    union = jnp.sum(jnp.where(p | o, 1.0, 0.0))
    inter_ref[0] = jnp.full((8, 128), inter, jnp.float32)
    union_ref[0] = jnp.full((8, 128), union, jnp.float32)


def _combine(boxes_p, ta, pa, to, po):
    B = ta.shape[0]
    return pl.pallas_call(
        _combine_kernel,
        grid=(B,),
        in_specs=[
            pl.BlockSpec((1, 24, 128), lambda b: (b, 0, 0)),
            pl.BlockSpec((1, _G, _G), lambda b: (b, 0, 0)),
            pl.BlockSpec((1, _G, _G), lambda b: (b, 0, 0)),
            pl.BlockSpec((1, _G, _G), lambda b: (b, 0, 0)),
            pl.BlockSpec((1, _G, _G), lambda b: (b, 0, 0)),
        ],
        out_specs=[
            pl.BlockSpec((1, 8, 128), lambda b: (b, 0, 0)),
            pl.BlockSpec((1, 8, 128), lambda b: (b, 0, 0)),
        ],
        out_shape=[
            jax.ShapeDtypeStruct((B, 8, 128), jnp.float32),
            jax.ShapeDtypeStruct((B, 8, 128), jnp.float32),
        ],
    )(boxes_p, ta, pa, to, po)


def kernel(added_points, original_points, boxes):
    B, C, H, W = added_points.shape
    a3 = added_points.reshape(B, C, H * W)
    o3 = original_points.reshape(B, C + 1, H * W)

    pa, po = _sc_partial_maps(a3, o3)
    ta, to = _tc_partial_maps(added_points, original_points)

    boxes_p = jnp.zeros((B, 24, 128), jnp.float32).at[:, :_NBOX, :7].set(boxes)
    inter, union = _combine(
        boxes_p, ta, pa.reshape(B, H, W), to, po.reshape(B, H, W))
    iou = inter[:, 0, 0] / jnp.maximum(union[:, 0, 0], 1.0)
    return jnp.mean(iou)

# --- scband reference (transcript-rebuilt; emitter-appended) ---
"""Pipeline reference for scband-points-loss-31748398252573 (READ-ONLY COPY).

The authoritative reference and input builder live on the scoring server;
editing this copy changes nothing except your own understanding.
"""

import jax, jax.numpy as jnp
import numpy as np

GRID = 256
VOX = 0.8


def _points_in_any_box_mask(boxes):
    # boxes: [B, T, 7] = (cx, cy, cz, dx, dy, dz, heading)
    # Evaluate, for every BEV grid cell (at world coords derived from the
    # inds = x/0.8 + 256/2 mapping in the original code, z fixed at 0.8),
    # whether it falls inside any box. Returns bool [B, GRID, GRID].
    coords = (jnp.arange(GRID, dtype=jnp.float32) - GRID / 2.0) * VOX
    X, Y = jnp.meshgrid(coords, coords, indexing='ij')  # [G, G]
    Z = jnp.full_like(X, VOX)
    cx = boxes[:, :, 0][:, :, None, None]
    cy = boxes[:, :, 1][:, :, None, None]
    cz = boxes[:, :, 2][:, :, None, None]
    dx = boxes[:, :, 3][:, :, None, None]
    dy = boxes[:, :, 4][:, :, None, None]
    dz = boxes[:, :, 5][:, :, None, None]
    heading = boxes[:, :, 6][:, :, None, None]
    sx = X[None, None, :, :] - cx
    sy = Y[None, None, :, :] - cy
    sz = Z[None, None, :, :] - cz
    c = jnp.cos(-heading)
    s = jnp.sin(-heading)
    lx = sx * c - sy * s
    ly = sx * s + sy * c
    in_box = (jnp.abs(lx) <= dx / 2.0) & (jnp.abs(ly) <= dy / 2.0) & (jnp.abs(sz) <= dz / 2.0)
    return jnp.any(in_box, axis=1)  # [B, G, G]


def setup_inputs(seed: int = 0) -> dict:
    key = jax.random.key(seed)
    k1, k2, k3 = jax.random.split(key, 3)
    added_points = jax.random.normal(k1, (2, 128, 256, 256), dtype=jnp.float32)
    original_points = jax.random.normal(k2, (2, 129, 256, 256), dtype=jnp.float32)
    boxes = jax.random.uniform(k3, (2, 20, 7), dtype=jnp.float32)
    return {"added_points": added_points, "original_points": original_points, "boxes": boxes}


def reference(added_points, original_points, boxes):
    # Faithful (executable) translation of PointsLoss.forward:
    # drop first channel of originals, sum over channels to get BEV maps,
    # binarize occupancy (torch.nonzero-style), keep only occupancy inside
    # the ground-truth boxes (points_in_boxes), then compute IoU between
    # the two 256x256 occupancy grids, averaged over the batch.
    orig = original_points[:, 1:, :, :]
    pred_map = jnp.sum(added_points, axis=1)   # [B, H, W]
    orig_map = jnp.sum(orig, axis=1)           # [B, H, W]
    pred_occ = (pred_map != 0).astype(jnp.float32)
    orig_occ = (orig_map != 0).astype(jnp.float32)
    mask = _points_in_any_box_mask(boxes).astype(jnp.float32)  # [B, G, G]
    p = pred_occ * mask
    o = orig_occ * mask
    inter = jnp.sum(p * o, axis=(1, 2))
    union = jnp.sum(jnp.clip(p + o, 0.0, 1.0), axis=(1, 2))
    iou = inter / jnp.maximum(union, 1.0)
    return jnp.mean(iou)

if __name__ == "__main__":
    import jax
    _d = setup_inputs()
    print(jax.jit(kernel)(*tuple(_d.values())))

</pallas_src>

<mosaic_0001>
#map = affine_map<(d0, d1) -> (0, 0, 0)>
#map1 = affine_map<(d0, d1) -> (0, 0)>
module attributes {stable_mosaic.version = 14 : i64} {
  func.func @_sc_body(%arg0: i32, %arg1: i32, %arg2: memref<2x128x65536xf32, #tpu.memory_space<hbm>>, %arg3: memref<2x129x65536xf32, #tpu.memory_space<hbm>>, %arg4: memref<2x65536xf32, #tpu.memory_space<hbm>>, %arg5: memref<2x65536xf32, #tpu.memory_space<hbm>>, %arg6: memref<8x2048xf32, #tpu.memory_space<vmem>>, %arg7: memref<8x2048xf32, #tpu.memory_space<vmem>>, %arg8: memref<8x2048xf32, #tpu.memory_space<vmem>>, %arg9: memref<8x2048xf32, #tpu.memory_space<vmem>>, %arg10: memref<2048xf32, #tpu.memory_space<vmem>>, %arg11: memref<2048xf32, #tpu.memory_space<vmem>>, %arg12: memref<!tpu.dma_semaphore, #tpu.memory_space<semaphore_mem>>, %arg13: memref<!tpu.dma_semaphore, #tpu.memory_space<semaphore_mem>>, %arg14: memref<!tpu.dma_semaphore, #tpu.memory_space<semaphore_mem>>, %arg15: memref<!tpu.dma_semaphore, #tpu.memory_space<semaphore_mem>>) attributes {dimension_semantics = [#tpu.dimension_semantics<core_parallel>, #tpu.dimension_semantics<subcore_parallel>], iteration_bounds = array<i64: 2, 16>, scalar_prefetch = 0 : i64, scratch_operands = 10 : i64, tpu.core_type = #tpu.core_type<sc_vector_subcore>, window_params = [{transform_indices = #map}, {transform_indices = #map}, {transform_indices = #map1}, {transform_indices = #map1}]} {
    %mul3A = arith.constant 2 : i32
    %mul3A_0 = arith.muli %arg1, %mul3A : i32
    %add3A = arith.addi %mul3A_0, %arg0 : i32
    %mul3A_1 = arith.constant 2048 : i32
    %mul3A_2 = arith.muli %add3A, %mul3A_1 : i32
    %dma_start3A = arith.constant 0 : i32
    %dma_start3A_3 = arith.constant 112 : i32
    %dma_start3A_4 = tpu.memref_slice %arg2[%dma_start3A, %dma_start3A_3, %mul3A_2] : memref<2x128x65536xf32, #tpu.memory_space<hbm>> -> memref<1x8x2048xf32, #tpu.memory_space<hbm>>
    %dma_start3A_5 = tpu.memref_squeeze %dma_start3A_4 : memref<1x8x2048xf32, #tpu.memory_space<hbm>> -> memref<8x2048xf32, #tpu.memory_space<hbm>>
    %dma_start3A_6 = arith.constant 112 : i32
    %dma_start3A_7 = tpu.memref_slice %arg2[%dma_start3A, %dma_start3A_6, %mul3A_2] : memref<2x128x65536xf32, #tpu.memory_space<hbm>> -> memref<1x8x2048xf32, #tpu.memory_space<hbm>>
    %dma_start3A_8 = tpu.memref_squeeze %dma_start3A_7 : memref<1x8x2048xf32, #tpu.memory_space<hbm>> -> memref<8x2048xf32, #tpu.memory_space<hbm>>
    tpu.enqueue_dma source(%dma_start3A_8 : memref<8x2048xf32, #tpu.memory_space<hbm>>) target(%arg6 : memref<8x2048xf32, #tpu.memory_space<vmem>>) target_semaphore(%arg12 : memref<!tpu.dma_semaphore, #tpu.memory_space<semaphore_mem>>)
    %dma_start3A_9 = arith.constant 0 : i32
    %dma_start3A_10 = arith.constant 112 : i32
    %dma_start3A_11 = tpu.memref_slice %arg3[%dma_start3A_9, %dma_start3A_10, %mul3A_2] : memref<2x129x65536xf32, #tpu.memory_space<hbm>> -> memref<1x8x2048xf32, #tpu.memory_space<hbm>>
    %dma_start3A_12 = tpu.memref_squeeze %dma_start3A_11 : memref<1x8x2048xf32, #tpu.memory_space<hbm>> -> memref<8x2048xf32, #tpu.memory_space<hbm>>
    %dma_start3A_13 = arith.constant 112 : i32
    %dma_start3A_14 = tpu.memref_slice %arg3[%dma_start3A_9, %dma_start3A_13, %mul3A_2] : memref<2x129x65536xf32, #tpu.memory_space<hbm>> -> memref<1x8x2048xf32, #tpu.memory_space<hbm>>
    %dma_start3A_15 = tpu.memref_squeeze %dma_start3A_14 : memref<1x8x2048xf32, #tpu.memory_space<hbm>> -> memref<8x2048xf32, #tpu.memory_space<hbm>>
    tpu.enqueue_dma source(%dma_start3A_15 : memref<8x2048xf32, #tpu.memory_space<hbm>>) target(%arg8 : memref<8x2048xf32, #tpu.memory_space<vmem>>) target_semaphore(%arg14 : memref<!tpu.dma_semaphore, #tpu.memory_space<semaphore_mem>>)
    %dma_start3A_16 = arith.constant 0 : i32
    %dma_start3A_17 = arith.constant 120 : i32
    %dma_start3A_18 = tpu.memref_slice %arg2[%dma_start3A_16, %dma_start3A_17, %mul3A_2] : memref<2x128x65536xf32, #tpu.memory_space<hbm>> -> memref<1x8x2048xf32, #tpu.memory_space<hbm>>
    %dma_start3A_19 = tpu.memref_squeeze %dma_start3A_18 : memref<1x8x2048xf32, #tpu.memory_space<hbm>> -> memref<8x2048xf32, #tpu.memory_space<hbm>>
    %dma_start3A_20 = arith.constant 120 : i32
    %dma_start3A_21 = tpu.memref_slice %arg2[%dma_start3A_16, %dma_start3A_20, %mul3A_2] : memref<2x128x65536xf32, #tpu.memory_space<hbm>> -> memref<1x8x2048xf32, #tpu.memory_space<hbm>>
    %dma_start3A_22 = tpu.memref_squeeze %dma_start3A_21 : memref<1x8x2048xf32, #tpu.memory_space<hbm>> -> memref<8x2048xf32, #tpu.memory_space<hbm>>
    tpu.enqueue_dma source(%dma_start3A_22 : memref<8x2048xf32, #tpu.memory_space<hbm>>) target(%arg7 : memref<8x2048xf32, #tpu.memory_space<vmem>>) target_semaphore(%arg13 : memref<!tpu.dma_semaphore, #tpu.memory_space<semaphore_mem>>)
    %dma_start3A_23 = arith.constant 0 : i32
    %dma_start3A_24 = arith.constant 120 : i32
    %dma_start3A_25 = tpu.memref_slice %arg3[%dma_start3A_23, %dma_start3A_24, %mul3A_2] : memref<2x129x65536xf32, #tpu.memory_space<hbm>> -> memref<1x8x2048xf32, #tpu.memory_space<hbm>>
    %dma_start3A_26 = tpu.memref_squeeze %dma_start3A_25 : memref<1x8x2048xf32, #tpu.memory_space<hbm>> -> memref<8x2048xf32, #tpu.memory_space<hbm>>
    %dma_start3A_27 = arith.constant 120 : i32
    %dma_start3A_28 = tpu.memref_slice %arg3[%dma_start3A_23, %dma_start3A_27, %mul3A_2] : memref<2x129x65536xf32, #tpu.memory_space<hbm>> -> memref<1x8x2048xf32, #tpu.memory_space<hbm>>
    %dma_start3A_29 = tpu.memref_squeeze %dma_start3A_28 : memref<1x8x2048xf32, #tpu.memory_space<hbm>> -> memref<8x2048xf32, #tpu.memory_space<hbm>>
    tpu.enqueue_dma source(%dma_start3A_29 : memref<8x2048xf32, #tpu.memory_space<hbm>>) target(%arg9 : memref<8x2048xf32, #tpu.memory_space<vmem>>) target_semaphore(%arg15 : memref<!tpu.dma_semaphore, #tpu.memory_space<semaphore_mem>>)
    %dma_wait3A = arith.constant 0 : i32
    %dma_wait3A_30 = arith.constant 112 : i32
    %dma_wait3A_31 = tpu.memref_slice %arg2[%dma_wait3A, %dma_wait3A_30, %mul3A_2] : memref<2x128x65536xf32, #tpu.memory_space<hbm>> -> memref<1x8x2048xf32, #tpu.memory_space<hbm>>
    %dma_wait3A_32 = tpu.memref_squeeze %dma_wait3A_31 : memref<1x8x2048xf32, #tpu.memory_space<hbm>> -> memref<8x2048xf32, #tpu.memory_space<hbm>>
    %dma_wait3A_33 = arith.constant 112 : i32
    %dma_wait3A_34 = tpu.memref_slice %arg2[%dma_wait3A, %dma_wait3A_33, %mul3A_2] : memref<2x128x65536xf32, #tpu.memory_space<hbm>> -> memref<1x8x2048xf32, #tpu.memory_space<hbm>>
    %dma_wait3A_35 = tpu.memref_squeeze %dma_wait3A_34 : memref<1x8x2048xf32, #tpu.memory_space<hbm>> -> memref<8x2048xf32, #tpu.memory_space<hbm>>
    tpu.wait_dma2 semaphore(%arg12 : memref<!tpu.dma_semaphore, #tpu.memory_space<semaphore_mem>>) src(%dma_wait3A_35 : memref<8x2048xf32, #tpu.memory_space<hbm>>) dst(%arg6 : memref<8x2048xf32, #tpu.memory_space<vmem>>)
    %dma_wait3A_36 = arith.constant 0 : i32
    %dma_wait3A_37 = arith.constant 112 : i32
    %dma_wait3A_38 = tpu.memref_slice %arg3[%dma_wait3A_36, %dma_wait3A_37, %mul3A_2] : memref<2x129x65536xf32, #tpu.memory_space<hbm>> -> memref<1x8x2048xf32, #tpu.memory_space<hbm>>
    %dma_wait3A_39 = tpu.memref_squeeze %dma_wait3A_38 : memref<1x8x2048xf32, #tpu.memory_space<hbm>> -> memref<8x2048xf32, #tpu.memory_space<hbm>>
    %dma_wait3A_40 = arith.constant 112 : i32
    %dma_wait3A_41 = tpu.memref_slice %arg3[%dma_wait3A_36, %dma_wait3A_40, %mul3A_2] : memref<2x129x65536xf32, #tpu.memory_space<hbm>> -> memref<1x8x2048xf32, #tpu.memory_space<hbm>>
    %dma_wait3A_42 = tpu.memref_squeeze %dma_wait3A_41 : memref<1x8x2048xf32, #tpu.memory_space<hbm>> -> memref<8x2048xf32, #tpu.memory_space<hbm>>
    tpu.wait_dma2 semaphore(%arg14 : memref<!tpu.dma_semaphore, #tpu.memory_space<semaphore_mem>>) src(%dma_wait3A_42 : memref<8x2048xf32, #tpu.memory_space<hbm>>) dst(%arg8 : memref<8x2048xf32, #tpu.memory_space<vmem>>)
    %parallel_loop3A = arith.constant 0 : i32
    %parallel_loop3A_43 = arith.constant 2048 : i32
    %parallel_loop3A_44 = arith.constant 16 : i32
    scf.for %parallel_loop3A_127 = %parallel_loop3A to %parallel_loop3A_43 step %parallel_loop3A_44  : i32 {
      %parallel_loop3A_128 = arith.constant 0 : i32
      %parallel_loop3A_129 = arith.index_cast %parallel_loop3A_128 : i32 to index
      %parallel_loop3A_130 = arith.index_cast %parallel_loop3A_127 : i32 to index
      %parallel_loop3A_131 = tpu.vector_load %arg6[%parallel_loop3A_129, %parallel_loop3A_130] {strides = array<i32>} : memref<8x2048xf32, #tpu.memory_space<vmem>>, vector<1x16xf32>,
      %parallel_loop3A_132 = vector.shape_cast %parallel_loop3A_131 : vector<1x16xf32> to vector<16xf32>
      %parallel_loop3A_133 = arith.constant 1 : i32
      %parallel_loop3A_134 = arith.index_cast %parallel_loop3A_133 : i32 to index
      %parallel_loop3A_135 = arith.index_cast %parallel_loop3A_127 : i32 to index
      %parallel_loop3A_136 = tpu.vector_load %arg6[%parallel_loop3A_134, %parallel_loop3A_135] {strides = array<i32>} : memref<8x2048xf32, #tpu.memory_space<vmem>>, vector<1x16xf32>,
      %parallel_loop3A_137 = vector.shape_cast %parallel_loop3A_136 : vector<1x16xf32> to vector<16xf32>
      %parallel_loop3A_138 = arith.addf %parallel_loop3A_132, %parallel_loop3A_137 : vector<16xf32>
      %parallel_loop3A_139 = arith.constant 2 : i32
      %parallel_loop3A_140 = arith.index_cast %parallel_loop3A_139 : i32 to index
      %parallel_loop3A_141 = arith.index_cast %parallel_loop3A_127 : i32 to index
      %parallel_loop3A_142 = tpu.vector_load %arg6[%parallel_loop3A_140, %parallel_loop3A_141] {strides = array<i32>} : memref<8x2048xf32, #tpu.memory_space<vmem>>, vector<1x16xf32>,
      %parallel_loop3A_143 = vector.shape_cast %parallel_loop3A_142 : vector<1x16xf32> to vector<16xf32>
      %parallel_loop3A_144 = arith.constant 3 : i32
      %parallel_loop3A_145 = arith.index_cast %parallel_loop3A_144 : i32 to index
      %parallel_loop3A_146 = arith.index_cast %parallel_loop3A_127 : i32 to index
      %parallel_loop3A_147 = tpu.vector_load %arg6[%parallel_loop3A_145, %parallel_loop3A_146] {strides = array<i32>} : memref<8x2048xf32, #tpu.memory_space<vmem>>, vector<1x16xf32>,
      %parallel_loop3A_148 = vector.shape_cast %parallel_loop3A_147 : vector<1x16xf32> to vector<16xf32>
      %parallel_loop3A_149 = arith.addf %parallel_loop3A_143, %parallel_loop3A_148 : vector<16xf32>
      %parallel_loop3A_150 = arith.addf %parallel_loop3A_138, %parallel_loop3A_149 : vector<16xf32>
      %parallel_loop3A_151 = arith.constant 4 : i32
      %parallel_loop3A_152 = arith.index_cast %parallel_loop3A_151 : i32 to index
      %parallel_loop3A_153 = arith.index_cast %parallel_loop3A_127 : i32 to index
      %parallel_loop3A_154 = tpu.vector_load %arg6[%parallel_loop3A_152, %parallel_loop3A_153] {strides = array<i32>} : memref<8x2048xf32, #tpu.memory_space<vmem>>, vector<1x16xf32>,
      %parallel_loop3A_155 = vector.shape_cast %parallel_loop3A_154 : vector<1x16xf32> to vector<16xf32>
      %parallel_loop3A_156 = arith.constant 5 : i32
      %parallel_loop3A_157 = arith.index_cast %parallel_loop3A_156 : i32 to index
      %parallel_loop3A_158 = arith.index_cast %parallel_loop3A_127 : i32 to index
      %parallel_loop3A_159 = tpu.vector_load %arg6[%parallel_loop3A_157, %parallel_loop3A_158] {strides = array<i32>} : memref<8x2048xf32, #tpu.memory_space<vmem>>, vector<1x16xf32>,
      %parallel_loop3A_160 = vector.shape_cast %parallel_loop3A_159 : vector<1x16xf32> to vector<16xf32>
      %parallel_loop3A_161 = arith.addf %parallel_loop3A_155, %parallel_loop3A_160 : vector<16xf32>
      %parallel_loop3A_162 = arith.constant 6 : i32
      %parallel_loop3A_163 = arith.index_cast %parallel_loop3A_162 : i32 to index
      %parallel_loop3A_164 = arith.index_cast %parallel_loop3A_127 : i32 to index
      %parallel_loop3A_165 = tpu.vector_load %arg6[%parallel_loop3A_163, %parallel_loop3A_164] {strides = array<i32>} : memref<8x2048xf32, #tpu.memory_space<vmem>>, vector<1x16xf32>,
      %parallel_loop3A_166 = vector.shape_cast %parallel_loop3A_165 : vector<1x16xf32> to vector<16xf32>
      %parallel_loop3A_167 = arith.constant 7 : i32
      %parallel_loop3A_168 = arith.index_cast %parallel_loop3A_167 : i32 to index
      %parallel_loop3A_169 = arith.index_cast %parallel_loop3A_127 : i32 to index
      %parallel_loop3A_170 = tpu.vector_load %arg6[%parallel_loop3A_168, %parallel_loop3A_169] {strides = array<i32>} : memref<8x2048xf32, #tpu.memory_space<vmem>>, vector<1x16xf32>,
      %parallel_loop3A_171 = vector.shape_cast %parallel_loop3A_170 : vector<1x16xf32> to vector<16xf32>
      %parallel_loop3A_172 = arith.addf %parallel_loop3A_166, %parallel_loop3A_171 : vector<16xf32>
      %parallel_loop3A_173 = arith.addf %parallel_loop3A_161, %parallel_loop3A_172 : vector<16xf32>
      %parallel_loop3A_174 = arith.addf %parallel_loop3A_150, %parallel_loop3A_173 : vector<16xf32>
      %parallel_loop3A_175 = arith.constant 0 : i32
      %parallel_loop3A_176 = arith.index_cast %parallel_loop3A_175 : i32 to index
      %parallel_loop3A_177 = arith.index_cast %parallel_loop3A_127 : i32 to index
      %parallel_loop3A_178 = tpu.vector_load %arg8[%parallel_loop3A_176, %parallel_loop3A_177] {strides = array<i32>} : memref<8x2048xf32, #tpu.memory_space<vmem>>, vector<1x16xf32>,
      %parallel_loop3A_179 = vector.shape_cast %parallel_loop3A_178 : vector<1x16xf32> to vector<16xf32>
      %parallel_loop3A_180 = arith.constant 1 : i32
      %parallel_loop3A_181 = arith.index_cast %parallel_loop3A_180 : i32 to index
      %parallel_loop3A_182 = arith.index_cast %parallel_loop3A_127 : i32 to index
      %parallel_loop3A_183 = tpu.vector_load %arg8[%parallel_loop3A_181, %parallel_loop3A_182] {strides = array<i32>} : memref<8x2048xf32, #tpu.memory_space<vmem>>, vector<1x16xf32>,
      %parallel_loop3A_184 = vector.shape_cast %parallel_loop3A_183 : vector<1x16xf32> to vector<16xf32>
      %parallel_loop3A_185 = arith.addf %parallel_loop3A_179, %parallel_loop3A_184 : vector<16xf32>
      %parallel_loop3A_186 = arith.constant 2 : i32
      %parallel_loop3A_187 = arith.index_cast %parallel_loop3A_186 : i32 to index
      %parallel_loop3A_188 = arith.index_cast %parallel_loop3A_127 : i32 to index
      %parallel_loop3A_189 = tpu.vector_load %arg8[%parallel_loop3A_187, %parallel_loop3A_188] {strides = array<i32>} : memref<8x2048xf32, #tpu.memory_space<vmem>>, vector<1x16xf32>,
      %parallel_loop3A_190 = vector.shape_cast %parallel_loop3A_189 : vector<1x16xf32> to vector<16xf32>
      %parallel_loop3A_191 = arith.constant 3 : i32
      %parallel_loop3A_192 = arith.index_cast %parallel_loop3A_191 : i32 to index
      %parallel_loop3A_193 = arith.index_cast %parallel_loop3A_127 : i32 to index
      %parallel_loop3A_194 = tpu.vector_load %arg8[%parallel_loop3A_192, %parallel_loop3A_193] {strides = array<i32>} : memref<8x2048xf32, #tpu.memory_space<vmem>>, vector<1x16xf32>,
      %parallel_loop3A_195 = vector.shape_cast %parallel_loop3A_194 : vector<1x16xf32> to vector<16xf32>
      %parallel_loop3A_196 = arith.addf %parallel_loop3A_190, %parallel_loop3A_195 : vector<16xf32>
      %parallel_loop3A_197 = arith.addf %parallel_loop3A_185, %parallel_loop3A_196 : vector<16xf32>
      %parallel_loop3A_198 = arith.constant 4 : i32
      %parallel_loop3A_199 = arith.index_cast %parallel_loop3A_198 : i32 to index
      %parallel_loop3A_200 = arith.index_cast %parallel_loop3A_127 : i32 to index
      %parallel_loop3A_201 = tpu.vector_load %arg8[%parallel_loop3A_199, %parallel_loop3A_200] {strides = array<i32>} : memref<8x2048xf32, #tpu.memory_space<vmem>>, vector<1x16xf32>,
      %parallel_loop3A_202 = vector.shape_cast %parallel_loop3A_201 : vector<1x16xf32> to vector<16xf32>
      %parallel_loop3A_203 = arith.constant 5 : i32
      %parallel_loop3A_204 = arith.index_cast %parallel_loop3A_203 : i32 to index
      %parallel_loop3A_205 = arith.index_cast %parallel_loop3A_127 : i32 to index
      %parallel_loop3A_206 = tpu.vector_load %arg8[%parallel_loop3A_204, %parallel_loop3A_205] {strides = array<i32>} : memref<8x2048xf32, #tpu.memory_space<vmem>>, vector<1x16xf32>,
      %parallel_loop3A_207 = vector.shape_cast %parallel_loop3A_206 : vector<1x16xf32> to vector<16xf32>
      %parallel_loop3A_208 = arith.addf %parallel_loop3A_202, %parallel_loop3A_207 : vector<16xf32>
      %parallel_loop3A_209 = arith.constant 6 : i32
      %parallel_loop3A_210 = arith.index_cast %parallel_loop3A_209 : i32 to index
      %parallel_loop3A_211 = arith.index_cast %parallel_loop3A_127 : i32 to index
      %parallel_loop3A_212 = tpu.vector_load %arg8[%parallel_loop3A_210, %parallel_loop3A_211] {strides = array<i32>} : memref<8x2048xf32, #tpu.memory_space<vmem>>, vector<1x16xf32>,
      %parallel_loop3A_213 = vector.shape_cast %parallel_loop3A_212 : vector<1x16xf32> to vector<16xf32>
      %parallel_loop3A_214 = arith.constant 7 : i32
      %parallel_loop3A_215 = arith.index_cast %parallel_loop3A_214 : i32 to index
      %parallel_loop3A_216 = arith.index_cast %parallel_loop3A_127 : i32 to index
      %parallel_loop3A_217 = tpu.vector_load %arg8[%parallel_loop3A_215, %parallel_loop3A_216] {strides = array<i32>} : memref<8x2048xf32, #tpu.memory_space<vmem>>, vector<1x16xf32>,
      %parallel_loop3A_218 = vector.shape_cast %parallel_loop3A_217 : vector<1x16xf32> to vector<16xf32>
      %parallel_loop3A_219 = arith.addf %parallel_loop3A_213, %parallel_loop3A_218 : vector<16xf32>
      %parallel_loop3A_220 = arith.addf %parallel_loop3A_208, %parallel_loop3A_219 : vector<16xf32>
      %parallel_loop3A_221 = arith.addf %parallel_loop3A_197, %parallel_loop3A_220 : vector<16xf32>
      %parallel_loop3A_222 = arith.index_cast %parallel_loop3A_127 : i32 to index
      %parallel_loop3A_223 = tpu.vector_load %arg10[%parallel_loop3A_222] {strides = array<i32>} : memref<2048xf32, #tpu.memory_space<vmem>>, vector<16xf32>,
      %parallel_loop3A_224 = vector.shape_cast %parallel_loop3A_223 : vector<16xf32> to vector<16xf32>
      %parallel_loop3A_225 = vector.shape_cast %parallel_loop3A_174 : vector<16xf32> to vector<16xf32>
      tpu.vector_store %arg10[%parallel_loop3A_222], %parallel_loop3A_225 {strides = array<i32>} : memref<2048xf32, #tpu.memory_space<vmem>>, vector<16xf32>,
      %parallel_loop3A_226 = arith.index_cast %parallel_loop3A_127 : i32 to index
      %parallel_loop3A_227 = tpu.vector_load %arg11[%parallel_loop3A_226] {strides = array<i32>} : memref<2048xf32, #tpu.memory_space<vmem>>, vector<16xf32>,
      %parallel_loop3A_228 = vector.shape_cast %parallel_loop3A_227 : vector<16xf32> to vector<16xf32>
      %parallel_loop3A_229 = vector.shape_cast %parallel_loop3A_221 : vector<16xf32> to vector<16xf32>
      tpu.vector_store %arg11[%parallel_loop3A_226], %parallel_loop3A_229 {strides = array<i32>} : memref<2048xf32, #tpu.memory_space<vmem>>, vector<16xf32>,
    } {sc.loop_unroll_factor = 4 : i64, sc.parallel_access}
    %dma_wait3A_45 = arith.constant 0 : i32
    %dma_wait3A_46 = arith.constant 112 : i32
    %dma_wait3A_47 = tpu.memref_slice %arg2[%dma_wait3A_45, %dma_wait3A_46, %mul3A_2] : memref<2x128x65536xf32, #tpu.memory_space<hbm>> -> memref<1x8x2048xf32, #tpu.memory_space<hbm>>
    %dma_wait3A_48 = tpu.memref_squeeze %dma_wait3A_47 : memref<1x8x2048xf32, #tpu.memory_space<hbm>> -> memref<8x2048xf32, #tpu.memory_space<hbm>>
    %dma_wait3A_49 = arith.constant 112 : i32
    %dma_wait3A_50 = tpu.memref_slice %arg2[%dma_wait3A_45, %dma_wait3A_49, %mul3A_2] : memref<2x128x65536xf32, #tpu.memory_space<hbm>> -> memref<1x8x2048xf32, #tpu.memory_space<hbm>>
    %dma_wait3A_51 = tpu.memref_squeeze %dma_wait3A_50 : memref<1x8x2048xf32, #tpu.memory_space<hbm>> -> memref<8x2048xf32, #tpu.memory_space<hbm>>
    tpu.wait_dma2 semaphore(%arg13 : memref<!tpu.dma_semaphore, #tpu.memory_space<semaphore_mem>>) src(%dma_wait3A_51 : memref<8x2048xf32, #tpu.memory_space<hbm>>) dst(%arg7 : memref<8x2048xf32, #tpu.memory_space<vmem>>)
    %dma_wait3A_52 = arith.constant 0 : i32
    %dma_wait3A_53 = arith.constant 112 : i32
    %dma_wait3A_54 = tpu.memref_slice %arg3[%dma_wait3A_52, %dma_wait3A_53, %mul3A_2] : memref<2x129x65536xf32, #tpu.memory_space<hbm>> -> memref<1x8x2048xf32, #tpu.memory_space<hbm>>
    %dma_wait3A_55 = tpu.memref_squeeze %dma_wait3A_54 : memref<1x8x2048xf32, #tpu.memory_space<hbm>> -> memref<8x2048xf32, #tpu.memory_space<hbm>>
    %dma_wait3A_56 = arith.constant 112 : i32
    %dma_wait3A_57 = tpu.memref_slice %arg3[%dma_wait3A_52, %dma_wait3A_56, %mul3A_2] : memref<2x129x65536xf32, #tpu.memory_space<hbm>> -> memref<1x8x2048xf32, #tpu.memory_space<hbm>>
    %dma_wait3A_58 = tpu.memref_squeeze %dma_wait3A_57 : memref<1x8x2048xf32, #tpu.memory_space<hbm>> -> memref<8x2048xf32, #tpu.memory_space<hbm>>
    tpu.wait_dma2 semaphore(%arg15 : memref<!tpu.dma_semaphore, #tpu.memory_space<semaphore_mem>>) src(%dma_wait3A_58 : memref<8x2048xf32, #tpu.memory_space<hbm>>) dst(%arg9 : memref<8x2048xf32, #tpu.memory_space<vmem>>)
    %parallel_loop3A_59 = arith.constant 0 : i32
    %parallel_loop3A_60 = arith.constant 2048 : i32
    %parallel_loop3A_61 = arith.constant 16 : i32
    scf.for %parallel_loop3A_127 = %parallel_loop3A_59 to %parallel_loop3A_60 step %parallel_loop3A_61  : i32 {
      %parallel_loop3A_128 = arith.constant 0 : i32
      %parallel_loop3A_129 = arith.index_cast %parallel_loop3A_128 : i32 to index
      %parallel_loop3A_130 = arith.index_cast %parallel_loop3A_127 : i32 to index
      %parallel_loop3A_131 = tpu.vector_load %arg7[%parallel_loop3A_129, %parallel_loop3A_130] {strides = array<i32>} : memref<8x2048xf32, #tpu.memory_space<vmem>>, vector<1x16xf32>,
      %parallel_loop3A_132 = vector.shape_cast %parallel_loop3A_131 : vector<1x16xf32> to vector<16xf32>
      %parallel_loop3A_133 = arith.constant 1 : i32
      %parallel_loop3A_134 = arith.index_cast %parallel_loop3A_133 : i32 to index
      %parallel_loop3A_135 = arith.index_cast %parallel_loop3A_127 : i32 to index
      %parallel_loop3A_136 = tpu.vector_load %arg7[%parallel_loop3A_134, %parallel_loop3A_135] {strides = array<i32>} : memref<8x2048xf32, #tpu.memory_space<vmem>>, vector<1x16xf32>,
      %parallel_loop3A_137 = vector.shape_cast %parallel_loop3A_136 : vector<1x16xf32> to vector<16xf32>
      %parallel_loop3A_138 = arith.addf %parallel_loop3A_132, %parallel_loop3A_137 : vector<16xf32>
      %parallel_loop3A_139 = arith.constant 2 : i32
      %parallel_loop3A_140 = arith.index_cast %parallel_loop3A_139 : i32 to index
      %parallel_loop3A_141 = arith.index_cast %parallel_loop3A_127 : i32 to index
      %parallel_loop3A_142 = tpu.vector_load %arg7[%parallel_loop3A_140, %parallel_loop3A_141] {strides = array<i32>} : memref<8x2048xf32, #tpu.memory_space<vmem>>, vector<1x16xf32>,
      %parallel_loop3A_143 = vector.shape_cast %parallel_loop3A_142 : vector<1x16xf32> to vector<16xf32>
      %parallel_loop3A_144 = arith.constant 3 : i32
      %parallel_loop3A_145 = arith.index_cast %parallel_loop3A_144 : i32 to index
      %parallel_loop3A_146 = arith.index_cast %parallel_loop3A_127 : i32 to index
      %parallel_loop3A_147 = tpu.vector_load %arg7[%parallel_loop3A_145, %parallel_loop3A_146] {strides = array<i32>} : memref<8x2048xf32, #tpu.memory_space<vmem>>, vector<1x16xf32>,
      %parallel_loop3A_148 = vector.shape_cast %parallel_loop3A_147 : vector<1x16xf32> to vector<16xf32>
      %parallel_loop3A_149 = arith.addf %parallel_loop3A_143, %parallel_loop3A_148 : vector<16xf32>
      %parallel_loop3A_150 = arith.addf %parallel_loop3A_138, %parallel_loop3A_149 : vector<16xf32>
      %parallel_loop3A_151 = arith.constant 4 : i32
      %parallel_loop3A_152 = arith.index_cast %parallel_loop3A_151 : i32 to index
      %parallel_loop3A_153 = arith.index_cast %parallel_loop3A_127 : i32 to index
      %parallel_loop3A_154 = tpu.vector_load %arg7[%parallel_loop3A_152, %parallel_loop3A_153] {strides = array<i32>} : memref<8x2048xf32, #tpu.memory_space<vmem>>, vector<1x16xf32>,
      %parallel_loop3A_155 = vector.shape_cast %parallel_loop3A_154 : vector<1x16xf32> to vector<16xf32>
      %parallel_loop3A_156 = arith.constant 5 : i32
      %parallel_loop3A_157 = arith.index_cast %parallel_loop3A_156 : i32 to index
      %parallel_loop3A_158 = arith.index_cast %parallel_loop3A_127 : i32 to index
      %parallel_loop3A_159 = tpu.vector_load %arg7[%parallel_loop3A_157, %parallel_loop3A_158] {strides = array<i32>} : memref<8x2048xf32, #tpu.memory_space<vmem>>, vector<1x16xf32>,
      %parallel_loop3A_160 = vector.shape_cast %parallel_loop3A_159 : vector<1x16xf32> to vector<16xf32>
      %parallel_loop3A_161 = arith.addf %parallel_loop3A_155, %parallel_loop3A_160 : vector<16xf32>
      %parallel_loop3A_162 = arith.constant 6 : i32
      %parallel_loop3A_163 = arith.index_cast %parallel_loop3A_162 : i32 to index
      %parallel_loop3A_164 = arith.index_cast %parallel_loop3A_127 : i32 to index
      %parallel_loop3A_165 = tpu.vector_load %arg7[%parallel_loop3A_163, %parallel_loop3A_164] {strides = array<i32>} : memref<8x2048xf32, #tpu.memory_space<vmem>>, vector<1x16xf32>,
      %parallel_loop3A_166 = vector.shape_cast %parallel_loop3A_165 : vector<1x16xf32> to vector<16xf32>
      %parallel_loop3A_167 = arith.constant 7 : i32
      %parallel_loop3A_168 = arith.index_cast %parallel_loop3A_167 : i32 to index
      %parallel_loop3A_169 = arith.index_cast %parallel_loop3A_127 : i32 to index
      %parallel_loop3A_170 = tpu.vector_load %arg7[%parallel_loop3A_168, %parallel_loop3A_169] {strides = array<i32>} : memref<8x2048xf32, #tpu.memory_space<vmem>>, vector<1x16xf32>,
      %parallel_loop3A_171 = vector.shape_cast %parallel_loop3A_170 : vector<1x16xf32> to vector<16xf32>
      %parallel_loop3A_172 = arith.addf %parallel_loop3A_166, %parallel_loop3A_171 : vector<16xf32>
      %parallel_loop3A_173 = arith.addf %parallel_loop3A_161, %parallel_loop3A_172 : vector<16xf32>
      %parallel_loop3A_174 = arith.addf %parallel_loop3A_150, %parallel_loop3A_173 : vector<16xf32>
      %parallel_loop3A_175 = arith.constant 0 : i32
      %parallel_loop3A_176 = arith.index_cast %parallel_loop3A_175 : i32 to index
      %parallel_loop3A_177 = arith.index_cast %parallel_loop3A_127 : i32 to index
      %parallel_loop3A_178 = tpu.vector_load %arg9[%parallel_loop3A_176, %parallel_loop3A_177] {strides = array<i32>} : memref<8x2048xf32, #tpu.memory_space<vmem>>, vector<1x16xf32>,
      %parallel_loop3A_179 = vector.shape_cast %parallel_loop3A_178 : vector<1x16xf32> to vector<16xf32>
      %parallel_loop3A_180 = arith.constant 1 : i32
      %parallel_loop3A_181 = arith.index_cast %parallel_loop3A_180 : i32 to index
      %parallel_loop3A_182 = arith.index_cast %parallel_loop3A_127 : i32 to index
      %parallel_loop3A_183 = tpu.vector_load %arg9[%parallel_loop3A_181, %parallel_loop3A_182] {strides = array<i32>} : memref<8x2048xf32, #tpu.memory_space<vmem>>, vector<1x16xf32>,
      %parallel_loop3A_184 = vector.shape_cast %parallel_loop3A_183 : vector<1x16xf32> to vector<16xf32>
      %parallel_loop3A_185 = arith.addf %parallel_loop3A_179, %parallel_loop3A_184 : vector<16xf32>
      %parallel_loop3A_186 = arith.constant 2 : i32
      %parallel_loop3A_187 = arith.index_cast %parallel_loop3A_186 : i32 to index
      %parallel_loop3A_188 = arith.index_cast %parallel_loop3A_127 : i32 to index
      %parallel_loop3A_189 = tpu.vector_load %arg9[%parallel_loop3A_187, %parallel_loop3A_188] {strides = array<i32>} : memref<8x2048xf32, #tpu.memory_space<vmem>>, vector<1x16xf32>,
      %parallel_loop3A_190 = vector.shape_cast %parallel_loop3A_189 : vector<1x16xf32> to vector<16xf32>
      %parallel_loop3A_191 = arith.constant 3 : i32
      %parallel_loop3A_192 = arith.index_cast %parallel_loop3A_191 : i32 to index
      %parallel_loop3A_193 = arith.index_cast %parallel_loop3A_127 : i32 to index
      %parallel_loop3A_194 = tpu.vector_load %arg9[%parallel_loop3A_192, %parallel_loop3A_193] {strides = array<i32>} : memref<8x2048xf32, #tpu.memory_space<vmem>>, vector<1x16xf32>,
      %parallel_loop3A_195 = vector.shape_cast %parallel_loop3A_194 : vector<1x16xf32> to vector<16xf32>
      %parallel_loop3A_196 = arith.addf %parallel_loop3A_190, %parallel_loop3A_195 : vector<16xf32>
      %parallel_loop3A_197 = arith.addf %parallel_loop3A_185, %parallel_loop3A_196 : vector<16xf32>
      %parallel_loop3A_198 = arith.constant 4 : i32
      %parallel_loop3A_199 = arith.index_cast %parallel_loop3A_198 : i32 to index
      %parallel_loop3A_200 = arith.index_cast %parallel_loop3A_127 : i32 to index
      %parallel_loop3A_201 = tpu.vector_load %arg9[%parallel_loop3A_199, %parallel_loop3A_200] {strides = array<i32>} : memref<8x2048xf32, #tpu.memory_space<vmem>>, vector<1x16xf32>,
      %parallel_loop3A_202 = vector.shape_cast %parallel_loop3A_201 : vector<1x16xf32> to vector<16xf32>
      %parallel_loop3A_203 = arith.constant 5 : i32
      %parallel_loop3A_204 = arith.index_cast %parallel_loop3A_203 : i32 to index
      %parallel_loop3A_205 = arith.index_cast %parallel_loop3A_127 : i32 to index
      %parallel_loop3A_206 = tpu.vector_load %arg9[%parallel_loop3A_204, %parallel_loop3A_205] {strides = array<i32>} : memref<8x2048xf32, #tpu.memory_space<vmem>>, vector<1x16xf32>,
      %parallel_loop3A_207 = vector.shape_cast %parallel_loop3A_206 : vector<1x16xf32> to vector<16xf32>
      %parallel_loop3A_208 = arith.addf %parallel_loop3A_202, %parallel_loop3A_207 : vector<16xf32>
      %parallel_loop3A_209 = arith.constant 6 : i32
      %parallel_loop3A_210 = arith.index_cast %parallel_loop3A_209 : i32 to index
      %parallel_loop3A_211 = arith.index_cast %parallel_loop3A_127 : i32 to index
      %parallel_loop3A_212 = tpu.vector_load %arg9[%parallel_loop3A_210, %parallel_loop3A_211] {strides = array<i32>} : memref<8x2048xf32, #tpu.memory_space<vmem>>, vector<1x16xf32>,
      %parallel_loop3A_213 = vector.shape_cast %parallel_loop3A_212 : vector<1x16xf32> to vector<16xf32>
      %parallel_loop3A_214 = arith.constant 7 : i32
      %parallel_loop3A_215 = arith.index_cast %parallel_loop3A_214 : i32 to index
      %parallel_loop3A_216 = arith.index_cast %parallel_loop3A_127 : i32 to index
      %parallel_loop3A_217 = tpu.vector_load %arg9[%parallel_loop3A_215, %parallel_loop3A_216] {strides = array<i32>} : memref<8x2048xf32, #tpu.memory_space<vmem>>, vector<1x16xf32>,
      %parallel_loop3A_218 = vector.shape_cast %parallel_loop3A_217 : vector<1x16xf32> to vector<16xf32>
      %parallel_loop3A_219 = arith.addf %parallel_loop3A_213, %parallel_loop3A_218 : vector<16xf32>
      %parallel_loop3A_220 = arith.addf %parallel_loop3A_208, %parallel_loop3A_219 : vector<16xf32>
      %parallel_loop3A_221 = arith.addf %parallel_loop3A_197, %parallel_loop3A_220 : vector<16xf32>
      %parallel_loop3A_222 = arith.index_cast %parallel_loop3A_127 : i32 to index
      %parallel_loop3A_223 = tpu.vector_load %arg10[%parallel_loop3A_222] {strides = array<i32>} : memref<2048xf32, #tpu.memory_space<vmem>>, vector<16xf32>,
      %parallel_loop3A_224 = vector.shape_cast %parallel_loop3A_223 : vector<16xf32> to vector<16xf32>
      %parallel_loop3A_225 = arith.addf %parallel_loop3A_224, %parallel_loop3A_174 : vector<16xf32>
      %parallel_loop3A_226 = arith.index_cast %parallel_loop3A_127 : i32 to index
      %parallel_loop3A_227 = tpu.vector_load %arg10[%parallel_loop3A_226] {strides = array<i32>} : memref<2048xf32, #tpu.memory_space<vmem>>, vector<16xf32>,
      %parallel_loop3A_228 = vector.shape_cast %parallel_loop3A_227 : vector<16xf32> to vector<16xf32>
      %parallel_loop3A_229 = vector.shape_cast %parallel_loop3A_225 : vector<16xf32> to vector<16xf32>
      tpu.vector_store %arg10[%parallel_loop3A_226], %parallel_loop3A_229 {strides = array<i32>} : memref<2048xf32, #tpu.memory_space<vmem>>, vector<16xf32>,
      %parallel_loop3A_230 = arith.index_cast %parallel_loop3A_127 : i32 to index
      %parallel_loop3A_231 = tpu.vector_load %arg11[%parallel_loop3A_230] {strides = array<i32>} : memref<2048xf32, #tpu.memory_space<vmem>>, vector<16xf32>,
      %parallel_loop3A_232 = vector.shape_cast %parallel_loop3A_231 : vector<16xf32> to vector<16xf32>
      %parallel_loop3A_233 = arith.addf %parallel_loop3A_232, %parallel_loop3A_221 : vector<16xf32>
      %parallel_loop3A_234 = arith.index_cast %parallel_loop3A_127 : i32 to index
      %parallel_loop3A_235 = tpu.vector_load %arg11[%parallel_loop3A_234] {strides = array<i32>} : memref<2048xf32, #tpu.memory_space<vmem>>, vector<16xf32>,
      %parallel_loop3A_236 = vector.shape_cast %parallel_loop3A_235 : vector<16xf32> to vector<16xf32>
      %parallel_loop3A_237 = vector.shape_cast %parallel_loop3A_233 : vector<16xf32> to vector<16xf32>
      tpu.vector_store %arg11[%parallel_loop3A_234], %parallel_loop3A_237 {strides = array<i32>} : memref<2048xf32, #tpu.memory_space<vmem>>, vector<16xf32>,
    } {sc.loop_unroll_factor = 4 : i64, sc.parallel_access}
    %run_scoped3A = arith.constant 0 : i32
    "tpu.region"() ({
      %run_scoped3A_127 = tpu.sem_alloc : memref<!tpu.dma_semaphore, #tpu.memory_space<semaphore_mem>>
      %dma_start3A_128 = tpu.memref_slice %arg4[%run_scoped3A, %mul3A_2] : memref<2x65536xf32, #tpu.memory_space<hbm>> -> memref<1x2048xf32, #tpu.memory_space<hbm>>
      %dma_start3A_129 = tpu.memref_squeeze %dma_start3A_128 : memref<1x2048xf32, #tpu.memory_space<hbm>> -> memref<2048xf32, #tpu.memory_space<hbm>>
      %dma_start3A_130 = tpu.memref_slice %arg4[%run_scoped3A, %mul3A_2] : memref<2x65536xf32, #tpu.memory_space<hbm>> -> memref<1x2048xf32, #tpu.memory_space<hbm>>
      %dma_start3A_131 = tpu.memref_squeeze %dma_start3A_130 : memref<1x2048xf32, #tpu.memory_space<hbm>> -> memref<2048xf32, #tpu.memory_space<hbm>>
      tpu.enqueue_dma source(%arg10 : memref<2048xf32, #tpu.memory_space<vmem>>) target(%dma_start3A_131 : memref<2048xf32, #tpu.memory_space<hbm>>) target_semaphore(%run_scoped3A_127 : memref<!tpu.dma_semaphore, #tpu.memory_space<semaphore_mem>>)
      %dma_wait3A_132 = tpu.memref_slice %arg4[%run_scoped3A, %mul3A_2] : memref<2x65536xf32, #tpu.memory_space<hbm>> -> memref<1x2048xf32, #tpu.memory_space<hbm>>
      %dma_wait3A_133 = tpu.memref_squeeze %dma_wait3A_132 : memref<1x2048xf32, #tpu.memory_space<hbm>> -> memref<2048xf32, #tpu.memory_space<hbm>>
      %dma_wait3A_134 = tpu.memref_slice %arg4[%run_scoped3A, %mul3A_2] : memref<2x65536xf32, #tpu.memory_space<hbm>> -> memref<1x2048xf32, #tpu.memory_space<hbm>>
      %dma_wait3A_135 = tpu.memref_squeeze %dma_wait3A_134 : memref<1x2048xf32, #tpu.memory_space<hbm>> -> memref<2048xf32, #tpu.memory_space<hbm>>
      tpu.wait_dma2 semaphore(%run_scoped3A_127 : memref<!tpu.dma_semaphore, #tpu.memory_space<semaphore_mem>>) src(%arg10 : memref<2048xf32, #tpu.memory_space<vmem>>) dst(%dma_wait3A_135 : memref<2048xf32, #tpu.memory_space<hbm>>)
      tpu.yield
    }) : () -> ()
    %run_scoped3A_62 = arith.constant 0 : i32
    "tpu.region"() ({
      %run_scoped3A_127 = tpu.sem_alloc : memref<!tpu.dma_semaphore, #tpu.memory_space<semaphore_mem>>
      %dma_start3A_128 = tpu.memref_slice %arg5[%run_scoped3A_62, %mul3A_2] : memref<2x65536xf32, #tpu.memory_space<hbm>> -> memref<1x2048xf32, #tpu.memory_space<hbm>>
      %dma_start3A_129 = tpu.memref_squeeze %dma_start3A_128 : memref<1x2048xf32, #tpu.memory_space<hbm>> -> memref<2048xf32, #tpu.memory_space<hbm>>
      %dma_start3A_130 = tpu.memref_slice %arg5[%run_scoped3A_62, %mul3A_2] : memref<2x65536xf32, #tpu.memory_space<hbm>> -> memref<1x2048xf32, #tpu.memory_space<hbm>>
      %dma_start3A_131 = tpu.memref_squeeze %dma_start3A_130 : memref<1x2048xf32, #tpu.memory_space<hbm>> -> memref<2048xf32, #tpu.memory_space<hbm>>
      tpu.enqueue_dma source(%arg11 : memref<2048xf32, #tpu.memory_space<vmem>>) target(%dma_start3A_131 : memref<2048xf32, #tpu.memory_space<hbm>>) target_semaphore(%run_scoped3A_127 : memref<!tpu.dma_semaphore, #tpu.memory_space<semaphore_mem>>)
      %dma_wait3A_132 = tpu.memref_slice %arg5[%run_scoped3A_62, %mul3A_2] : memref<2x65536xf32, #tpu.memory_space<hbm>> -> memref<1x2048xf32, #tpu.memory_space<hbm>>
      %dma_wait3A_133 = tpu.memref_squeeze %dma_wait3A_132 : memref<1x2048xf32, #tpu.memory_space<hbm>> -> memref<2048xf32, #tpu.memory_space<hbm>>
      %dma_wait3A_134 = tpu.memref_slice %arg5[%run_scoped3A_62, %mul3A_2] : memref<2x65536xf32, #tpu.memory_space<hbm>> -> memref<1x2048xf32, #tpu.memory_space<hbm>>
      %dma_wait3A_135 = tpu.memref_squeeze %dma_wait3A_134 : memref<1x2048xf32, #tpu.memory_space<hbm>> -> memref<2048xf32, #tpu.memory_space<hbm>>
      tpu.wait_dma2 semaphore(%run_scoped3A_127 : memref<!tpu.dma_semaphore, #tpu.memory_space<semaphore_mem>>) src(%arg11 : memref<2048xf32, #tpu.memory_space<vmem>>) dst(%dma_wait3A_135 : memref<2048xf32, #tpu.memory_space<hbm>>)
      tpu.yield
    }) : () -> ()
    %dma_start3A_63 = arith.constant 1 : i32
    %dma_start3A_64 = arith.constant 112 : i32
    %dma_start3A_65 = tpu.memref_slice %arg2[%dma_start3A_63, %dma_start3A_64, %mul3A_2] : memref<2x128x65536xf32, #tpu.memory_space<hbm>> -> memref<1x8x2048xf32, #tpu.memory_space<hbm>>
    %dma_start3A_66 = tpu.memref_squeeze %dma_start3A_65 : memref<1x8x2048xf32, #tpu.memory_space<hbm>> -> memref<8x2048xf32, #tpu.memory_space<hbm>>
    %dma_start3A_67 = arith.constant 112 : i32
    %dma_start3A_68 = tpu.memref_slice %arg2[%dma_start3A_63, %dma_start3A_67, %mul3A_2] : memref<2x128x65536xf32, #tpu.memory_space<hbm>> -> memref<1x8x2048xf32, #tpu.memory_space<hbm>>
    %dma_start3A_69 = tpu.memref_squeeze %dma_start3A_68 : memref<1x8x2048xf32, #tpu.memory_space<hbm>> -> memref<8x2048xf32, #tpu.memory_space<hbm>>
    tpu.enqueue_dma source(%dma_start3A_69 : memref<8x2048xf32, #tpu.memory_space<hbm>>) target(%arg6 : memref<8x2048xf32, #tpu.memory_space<vmem>>) target_semaphore(%arg12 : memref<!tpu.dma_semaphore, #tpu.memory_space<semaphore_mem>>)
    %dma_start3A_70 = arith.constant 1 : i32
    %dma_start3A_71 = arith.constant 112 : i32
    %dma_start3A_72 = tpu.memref_slice %arg3[%dma_start3A_70, %dma_start3A_71, %mul3A_2] : memref<2x129x65536xf32, #tpu.memory_space<hbm>> -> memref<1x8x2048xf32, #tpu.memory_space<hbm>>
    %dma_start3A_73 = tpu.memref_squeeze %dma_start3A_72 : memref<1x8x2048xf32, #tpu.memory_space<hbm>> -> memref<8x2048xf32, #tpu.memory_space<hbm>>
    %dma_start3A_74 = arith.constant 112 : i32
    %dma_start3A_75 = tpu.memref_slice %arg3[%dma_start3A_70, %dma_start3A_74, %mul3A_2] : memref<2x129x65536xf32, #tpu.memory_space<hbm>> -> memref<1x8x2048xf32, #tpu.memory_space<hbm>>
    %dma_start3A_76 = tpu.memref_squeeze %dma_start3A_75 : memref<1x8x2048xf32, #tpu.memory_space<hbm>> -> memref<8x2048xf32, #tpu.memory_space<hbm>>
    tpu.enqueue_dma source(%dma_start3A_76 : memref<8x2048xf32, #tpu.memory_space<hbm>>) target(%arg8 : memref<8x2048xf32, #tpu.memory_space<vmem>>) target_semaphore(%arg14 : memref<!tpu.dma_semaphore, #tpu.memory_space<semaphore_mem>>)
    %dma_start3A_77 = arith.constant 1 : i32
    %dma_start3A_78 = arith.constant 120 : i32
    %dma_start3A_79 = tpu.memref_slice %arg2[%dma_start3A_77, %dma_start3A_78, %mul3A_2] : memref<2x128x65536xf32, #tpu.memory_space<hbm>> -> memref<1x8x2048xf32, #tpu.memory_space<hbm>>
    %dma_start3A_80 = tpu.memref_squeeze %dma_start3A_79 : memref<1x8x2048xf32, #tpu.memory_space<hbm>> -> memref<8x2048xf32, #tpu.memory_space<hbm>>
    %dma_start3A_81 = arith.constant 120 : i32
    %dma_start3A_82 = tpu.memref_slice %arg2[%dma_start3A_77, %dma_start3A_81, %mul3A_2] : memref<2x128x65536xf32, #tpu.memory_space<hbm>> -> memref<1x8x2048xf32, #tpu.memory_space<hbm>>
    %dma_start3A_83 = tpu.memref_squeeze %dma_start3A_82 : memref<1x8x2048xf32, #tpu.memory_space<hbm>> -> memref<8x2048xf32, #tpu.memory_space<hbm>>
    tpu.enqueue_dma source(%dma_start3A_83 : memref<8x2048xf32, #tpu.memory_space<hbm>>) target(%arg7 : memref<8x2048xf32, #tpu.memory_space<vmem>>) target_semaphore(%arg13 : memref<!tpu.dma_semaphore, #tpu.memory_space<semaphore_mem>>)
    %dma_start3A_84 = arith.constant 1 : i32
    %dma_start3A_85 = arith.constant 120 : i32
    %dma_start3A_86 = tpu.memref_slice %arg3[%dma_start3A_84, %dma_start3A_85, %mul3A_2] : memref<2x129x65536xf32, #tpu.memory_space<hbm>> -> memref<1x8x2048xf32, #tpu.memory_space<hbm>>
    %dma_start3A_87 = tpu.memref_squeeze %dma_start3A_86 : memref<1x8x2048xf32, #tpu.memory_space<hbm>> -> memref<8x2048xf32, #tpu.memory_space<hbm>>
    %dma_start3A_88 = arith.constant 120 : i32
    %dma_start3A_89 = tpu.memref_slice %arg3[%dma_start3A_84, %dma_start3A_88, %mul3A_2] : memref<2x129x65536xf32, #tpu.memory_space<hbm>> -> memref<1x8x2048xf32, #tpu.memory_space<hbm>>
    %dma_start3A_90 = tpu.memref_squeeze %dma_start3A_89 : memref<1x8x2048xf32, #tpu.memory_space<hbm>> -> memref<8x2048xf32, #tpu.memory_space<hbm>>
    tpu.enqueue_dma source(%dma_start3A_90 : memref<8x2048xf32, #tpu.memory_space<hbm>>) target(%arg9 : memref<8x2048xf32, #tpu.memory_space<vmem>>) target_semaphore(%arg15 : memref<!tpu.dma_semaphore, #tpu.memory_space<semaphore_mem>>)
    %dma_wait3A_91 = arith.constant 1 : i32
    %dma_wait3A_92 = arith.constant 112 : i32
    %dma_wait3A_93 = tpu.memref_slice %arg2[%dma_wait3A_91, %dma_wait3A_92, %mul3A_2] : memref<2x128x65536xf32, #tpu.memory_space<hbm>> -> memref<1x8x2048xf32, #tpu.memory_space<hbm>>
    %dma_wait3A_94 = tpu.memref_squeeze %dma_wait3A_93 : memref<1x8x2048xf32, #tpu.memory_space<hbm>> -> memref<8x2048xf32, #tpu.memory_space<hbm>>
    %dma_wait3A_95 = arith.constant 112 : i32
    %dma_wait3A_96 = tpu.memref_slice %arg2[%dma_wait3A_91, %dma_wait3A_95, %mul3A_2] : memref<2x128x65536xf32, #tpu.memory_space<hbm>> -> memref<1x8x2048xf32, #tpu.memory_space<hbm>>
    %dma_wait3A_97 = tpu.memref_squeeze %dma_wait3A_96 : memref<1x8x2048xf32, #tpu.memory_space<hbm>> -> memref<8x2048xf32, #tpu.memory_space<hbm>>
    tpu.wait_dma2 semaphore(%arg12 : memref<!tpu.dma_semaphore, #tpu.memory_space<semaphore_mem>>) src(%dma_wait3A_97 : memref<8x2048xf32, #tpu.memory_space<hbm>>) dst(%arg6 : memref<8x2048xf32, #tpu.memory_space<vmem>>)
    %dma_wait3A_98 = arith.constant 1 : i32
    %dma_wait3A_99 = arith.constant 112 : i32
    %dma_wait3A_100 = tpu.memref_slice %arg3[%dma_wait3A_98, %dma_wait3A_99, %mul3A_2] : memref<2x129x65536xf32, #tpu.memory_space<hbm>> -> memref<1x8x2048xf32, #tpu.memory_space<hbm>>
    %dma_wait3A_101 = tpu.memref_squeeze %dma_wait3A_100 : memref<1x8x2048xf32, #tpu.memory_space<hbm>> -> memref<8x2048xf32, #tpu.memory_space<hbm>>
    %dma_wait3A_102 = arith.constant 112 : i32
    %dma_wait3A_103 = tpu.memref_slice %arg3[%dma_wait3A_98, %dma_wait3A_102, %mul3A_2] : memref<2x129x65536xf32, #tpu.memory_space<hbm>> -> memref<1x8x2048xf32, #tpu.memory_space<hbm>>
    %dma_wait3A_104 = tpu.memref_squeeze %dma_wait3A_103 : memref<1x8x2048xf32, #tpu.memory_space<hbm>> -> memref<8x2048xf32, #tpu.memory_space<hbm>>
    tpu.wait_dma2 semaphore(%arg14 : memref<!tpu.dma_semaphore, #tpu.memory_space<semaphore_mem>>) src(%dma_wait3A_104 : memref<8x2048xf32, #tpu.memory_space<hbm>>) dst(%arg8 : memref<8x2048xf32, #tpu.memory_space<vmem>>)
    %parallel_loop3A_105 = arith.constant 0 : i32
    %parallel_loop3A_106 = arith.constant 2048 : i32
    %parallel_loop3A_107 = arith.constant 16 : i32
    scf.for %parallel_loop3A_127 = %parallel_loop3A_105 to %parallel_loop3A_106 step %parallel_loop3A_107  : i32 {
      %parallel_loop3A_128 = arith.constant 0 : i32
      %parallel_loop3A_129 = arith.index_cast %parallel_loop3A_128 : i32 to index
      %parallel_loop3A_130 = arith.index_cast %parallel_loop3A_127 : i32 to index
      %parallel_loop3A_131 = tpu.vector_load %arg6[%parallel_loop3A_129, %parallel_loop3A_130] {strides = array<i32>} : memref<8x2048xf32, #tpu.memory_space<vmem>>, vector<1x16xf32>,
      %parallel_loop3A_132 = vector.shape_cast %parallel_loop3A_131 : vector<1x16xf32> to vector<16xf32>
      %parallel_loop3A_133 = arith.constant 1 : i32
      %parallel_loop3A_134 = arith.index_cast %parallel_loop3A_133 : i32 to index
      %parallel_loop3A_135 = arith.index_cast %parallel_loop3A_127 : i32 to index
      %parallel_loop3A_136 = tpu.vector_load %arg6[%parallel_loop3A_134, %parallel_loop3A_135] {strides = array<i32>} : memref<8x2048xf32, #tpu.memory_space<vmem>>, vector<1x16xf32>,
      %parallel_loop3A_137 = vector.shape_cast %parallel_loop3A_136 : vector<1x16xf32> to vector<16xf32>
      %parallel_loop3A_138 = arith.addf %parallel_loop3A_132, %parallel_loop3A_137 : vector<16xf32>
      %parallel_loop3A_139 = arith.constant 2 : i32
      %parallel_loop3A_140 = arith.index_cast %parallel_loop3A_139 : i32 to index
      %parallel_loop3A_141 = arith.index_cast %parallel_loop3A_127 : i32 to index
      %parallel_loop3A_142 = tpu.vector_load %arg6[%parallel_loop3A_140, %parallel_loop3A_141] {strides = array<i32>} : memref<8x2048xf32, #tpu.memory_space<vmem>>, vector<1x16xf32>,
      %parallel_loop3A_143 = vector.shape_cast %parallel_loop3A_142 : vector<1x16xf32> to vector<16xf32>
      %parallel_loop3A_144 = arith.constant 3 : i32
      %parallel_loop3A_145 = arith.index_cast %parallel_loop3A_144 : i32 to index
      %parallel_loop3A_146 = arith.index_cast %parallel_loop3A_127 : i32 to index
      %parallel_loop3A_147 = tpu.vector_load %arg6[%parallel_loop3A_145, %parallel_loop3A_146] {strides = array<i32>} : memref<8x2048xf32, #tpu.memory_space<vmem>>, vector<1x16xf32>,
      %parallel_loop3A_148 = vector.shape_cast %parallel_loop3A_147 : vector<1x16xf32> to vector<16xf32>
      %parallel_loop3A_149 = arith.addf %parallel_loop3A_143, %parallel_loop3A_148 : vector<16xf32>
      %parallel_loop3A_150 = arith.addf %parallel_loop3A_138, %parallel_loop3A_149 : vector<16xf32>
      %parallel_loop3A_151 = arith.constant 4 : i32
      %parallel_loop3A_152 = arith.index_cast %parallel_loop3A_151 : i32 to index
      %parallel_loop3A_153 = arith.index_cast %parallel_loop3A_127 : i32 to index
      %parallel_loop3A_154 = tpu.vector_load %arg6[%parallel_loop3A_152, %parallel_loop3A_153] {strides = array<i32>} : memref<8x2048xf32, #tpu.memory_space<vmem>>, vector<1x16xf32>,
      %parallel_loop3A_155 = vector.shape_cast %parallel_loop3A_154 : vector<1x16xf32> to vector<16xf32>
      %parallel_loop3A_156 = arith.constant 5 : i32
      %parallel_loop3A_157 = arith.index_cast %parallel_loop3A_156 : i32 to index
      %parallel_loop3A_158 = arith.index_cast %parallel_loop3A_127 : i32 to index
      %parallel_loop3A_159 = tpu.vector_load %arg6[%parallel_loop3A_157, %parallel_loop3A_158] {strides = array<i32>} : memref<8x2048xf32, #tpu.memory_space<vmem>>, vector<1x16xf32>,
      %parallel_loop3A_160 = vector.shape_cast %parallel_loop3A_159 : vector<1x16xf32> to vector<16xf32>
      %parallel_loop3A_161 = arith.addf %parallel_loop3A_155, %parallel_loop3A_160 : vector<16xf32>
      %parallel_loop3A_162 = arith.constant 6 : i32
      %parallel_loop3A_163 = arith.index_cast %parallel_loop3A_162 : i32 to index
      %parallel_loop3A_164 = arith.index_cast %parallel_loop3A_127 : i32 to index
      %parallel_loop3A_165 = tpu.vector_load %arg6[%parallel_loop3A_163, %parallel_loop3A_164] {strides = array<i32>} : memref<8x2048xf32, #tpu.memory_space<vmem>>, vector<1x16xf32>,
      %parallel_loop3A_166 = vector.shape_cast %parallel_loop3A_165 : vector<1x16xf32> to vector<16xf32>
      %parallel_loop3A_167 = arith.constant 7 : i32
      %parallel_loop3A_168 = arith.index_cast %parallel_loop3A_167 : i32 to index
      %parallel_loop3A_169 = arith.index_cast %parallel_loop3A_127 : i32 to index
      %parallel_loop3A_170 = tpu.vector_load %arg6[%parallel_loop3A_168, %parallel_loop3A_169] {strides = array<i32>} : memref<8x2048xf32, #tpu.memory_space<vmem>>, vector<1x16xf32>,
      %parallel_loop3A_171 = vector.shape_cast %parallel_loop3A_170 : vector<1x16xf32> to vector<16xf32>
      %parallel_loop3A_172 = arith.addf %parallel_loop3A_166, %parallel_loop3A_171 : vector<16xf32>
      %parallel_loop3A_173 = arith.addf %parallel_loop3A_161, %parallel_loop3A_172 : vector<16xf32>
      %parallel_loop3A_174 = arith.addf %parallel_loop3A_150, %parallel_loop3A_173 : vector<16xf32>
      %parallel_loop3A_175 = arith.constant 0 : i32
      %parallel_loop3A_176 = arith.index_cast %parallel_loop3A_175 : i32 to index
      %parallel_loop3A_177 = arith.index_cast %parallel_loop3A_127 : i32 to index
      %parallel_loop3A_178 = tpu.vector_load %arg8[%parallel_loop3A_176, %parallel_loop3A_177] {strides = array<i32>} : memref<8x2048xf32, #tpu.memory_space<vmem>>, vector<1x16xf32>,
      %parallel_loop3A_179 = vector.shape_cast %parallel_loop3A_178 : vector<1x16xf32> to vector<16xf32>
      %parallel_loop3A_180 = arith.constant 1 : i32
      %parallel_loop3A_181 = arith.index_cast %parallel_loop3A_180 : i32 to index
      %parallel_loop3A_182 = arith.index_cast %parallel_loop3A_127 : i32 to index
      %parallel_loop3A_183 = tpu.vector_load %arg8[%parallel_loop3A_181, %parallel_loop3A_182] {strides = array<i32>} : memref<8x2048xf32, #tpu.memory_space<vmem>>, vector<1x16xf32>,
      %parallel_loop3A_184 = vector.shape_cast %parallel_loop3A_183 : vector<1x16xf32> to vector<16xf32>
      %parallel_loop3A_185 = arith.addf %parallel_loop3A_179, %parallel_loop3A_184 : vector<16xf32>
      %parallel_loop3A_186 = arith.constant 2 : i32
      %parallel_loop3A_187 = arith.index_cast %parallel_loop3A_186 : i32 to index
      %parallel_loop3A_188 = arith.index_cast %parallel_loop3A_127 : i32 to index
      %parallel_loop3A_189 = tpu.vector_load %arg8[%parallel_loop3A_187, %parallel_loop3A_188] {strides = array<i32>} : memref<8x2048xf32, #tpu.memory_space<vmem>>, vector<1x16xf32>,
      %parallel_loop3A_190 = vector.shape_cast %parallel_loop3A_189 : vector<1x16xf32> to vector<16xf32>
      %parallel_loop3A_191 = arith.constant 3 : i32
      %parallel_loop3A_192 = arith.index_cast %parallel_loop3A_191 : i32 to index
      %parallel_loop3A_193 = arith.index_cast %parallel_loop3A_127 : i32 to index
      %parallel_loop3A_194 = tpu.vector_load %arg8[%parallel_loop3A_192, %parallel_loop3A_193] {strides = array<i32>} : memref<8x2048xf32, #tpu.memory_space<vmem>>, vector<1x16xf32>,
      %parallel_loop3A_195 = vector.shape_cast %parallel_loop3A_194 : vector<1x16xf32> to vector<16xf32>
      %parallel_loop3A_196 = arith.addf %parallel_loop3A_190, %parallel_loop3A_195 : vector<16xf32>
      %parallel_loop3A_197 = arith.addf %parallel_loop3A_185, %parallel_loop3A_196 : vector<16xf32>
      %parallel_loop3A_198 = arith.constant 4 : i32
      %parallel_loop3A_199 = arith.index_cast %parallel_loop3A_198 : i32 to index
      %parallel_loop3A_200 = arith.index_cast %parallel_loop3A_127 : i32 to index
      %parallel_loop3A_201 = tpu.vector_load %arg8[%parallel_loop3A_199, %parallel_loop3A_200] {strides = array<i32>} : memref<8x2048xf32, #tpu.memory_space<vmem>>, vector<1x16xf32>,
      %parallel_loop3A_202 = vector.shape_cast %parallel_loop3A_201 : vector<1x16xf32> to vector<16xf32>
      %parallel_loop3A_203 = arith.constant 5 : i32
      %parallel_loop3A_204 = arith.index_cast %parallel_loop3A_203 : i32 to index
      %parallel_loop3A_205 = arith.index_cast %parallel_loop3A_127 : i32 to index
      %parallel_loop3A_206 = tpu.vector_load %arg8[%parallel_loop3A_204, %parallel_loop3A_205] {strides = array<i32>} : memref<8x2048xf32, #tpu.memory_space<vmem>>, vector<1x16xf32>,
      %parallel_loop3A_207 = vector.shape_cast %parallel_loop3A_206 : vector<1x16xf32> to vector<16xf32>
      %parallel_loop3A_208 = arith.addf %parallel_loop3A_202, %parallel_loop3A_207 : vector<16xf32>
      %parallel_loop3A_209 = arith.constant 6 : i32
      %parallel_loop3A_210 = arith.index_cast %parallel_loop3A_209 : i32 to index
      %parallel_loop3A_211 = arith.index_cast %parallel_loop3A_127 : i32 to index
      %parallel_loop3A_212 = tpu.vector_load %arg8[%parallel_loop3A_210, %parallel_loop3A_211] {strides = array<i32>} : memref<8x2048xf32, #tpu.memory_space<vmem>>, vector<1x16xf32>,
      %parallel_loop3A_213 = vector.shape_cast %parallel_loop3A_212 : vector<1x16xf32> to vector<16xf32>
      %parallel_loop3A_214 = arith.constant 7 : i32
      %parallel_loop3A_215 = arith.index_cast %parallel_loop3A_214 : i32 to index
      %parallel_loop3A_216 = arith.index_cast %parallel_loop3A_127 : i32 to index
      %parallel_loop3A_217 = tpu.vector_load %arg8[%parallel_loop3A_215, %parallel_loop3A_216] {strides = array<i32>} : memref<8x2048xf32, #tpu.memory_space<vmem>>, vector<1x16xf32>,
      %parallel_loop3A_218 = vector.shape_cast %parallel_loop3A_217 : vector<1x16xf32> to vector<16xf32>
      %parallel_loop3A_219 = arith.addf %parallel_loop3A_213, %parallel_loop3A_218 : vector<16xf32>
      %parallel_loop3A_220 = arith.addf %parallel_loop3A_208, %parallel_loop3A_219 : vector<16xf32>
      %parallel_loop3A_221 = arith.addf %parallel_loop3A_197, %parallel_loop3A_220 : vector<16xf32>
      %parallel_loop3A_222 = arith.index_cast %parallel_loop3A_127 : i32 to index
      %parallel_loop3A_223 = tpu.vector_load %arg10[%parallel_loop3A_222] {strides = array<i32>} : memref<2048xf32, #tpu.memory_space<vmem>>, vector<16xf32>,
      %parallel_loop3A_224 = vector.shape_cast %parallel_loop3A_223 : vector<16xf32> to vector<16xf32>
      %parallel_loop3A_225 = vector.shape_cast %parallel_loop3A_174 : vector<16xf32> to vector<16xf32>
      tpu.vector_store %arg10[%parallel_loop3A_222], %parallel_loop3A_225 {strides = array<i32>} : memref<2048xf32, #tpu.memory_space<vmem>>, vector<16xf32>,
      %parallel_loop3A_226 = arith.index_cast %parallel_loop3A_127 : i32 to index
      %parallel_loop3A_227 = tpu.vector_load %arg11[%parallel_loop3A_226] {strides = array<i32>} : memref<2048xf32, #tpu.memory_space<vmem>>, vector<16xf32>,
      %parallel_loop3A_228 = vector.shape_cast %parallel_loop3A_227 : vector<16xf32> to vector<16xf32>
      %parallel_loop3A_229 = vector.shape_cast %parallel_loop3A_221 : vector<16xf32> to vector<16xf32>
      tpu.vector_store %arg11[%parallel_loop3A_226], %parallel_loop3A_229 {strides = array<i32>} : memref<2048xf32, #tpu.memory_space<vmem>>, vector<16xf32>,
    } {sc.loop_unroll_factor = 4 : i64, sc.parallel_access}
    %dma_wait3A_108 = arith.constant 1 : i32
    %dma_wait3A_109 = arith.constant 112 : i32
    %dma_wait3A_110 = tpu.memref_slice %arg2[%dma_wait3A_108, %dma_wait3A_109, %mul3A_2] : memref<2x128x65536xf32, #tpu.memory_space<hbm>> -> memref<1x8x2048xf32, #tpu.memory_space<hbm>>
    %dma_wait3A_111 = tpu.memref_squeeze %dma_wait3A_110 : memref<1x8x2048xf32, #tpu.memory_space<hbm>> -> memref<8x2048xf32, #tpu.memory_space<hbm>>
    %dma_wait3A_112 = arith.constant 112 : i32
    %dma_wait3A_113 = tpu.memref_slice %arg2[%dma_wait3A_108, %dma_wait3A_112, %mul3A_2] : memref<2x128x65536xf32, #tpu.memory_space<hbm>> -> memref<1x8x2048xf32, #tpu.memory_space<hbm>>
    %dma_wait3A_114 = tpu.memref_squeeze %dma_wait3A_113 : memref<1x8x2048xf32, #tpu.memory_space<hbm>> -> memref<8x2048xf32, #tpu.memory_space<hbm>>
    tpu.wait_dma2 semaphore(%arg13 : memref<!tpu.dma_semaphore, #tpu.memory_space<semaphore_mem>>) src(%dma_wait3A_114 : memref<8x2048xf32, #tpu.memory_space<hbm>>) dst(%arg7 : memref<8x2048xf32, #tpu.memory_space<vmem>>)
    %dma_wait3A_115 = arith.constant 1 : i32
    %dma_wait3A_116 = arith.constant 112 : i32
    %dma_wait3A_117 = tpu.memref_slice %arg3[%dma_wait3A_115, %dma_wait3A_116, %mul3A_2] : memref<2x129x65536xf32, #tpu.memory_space<hbm>> -> memref<1x8x2048xf32, #tpu.memory_space<hbm>>
    %dma_wait3A_118 = tpu.memref_squeeze %dma_wait3A_117 : memref<1x8x2048xf32, #tpu.memory_space<hbm>> -> memref<8x2048xf32, #tpu.memory_space<hbm>>
    %dma_wait3A_119 = arith.constant 112 : i32
    %dma_wait3A_120 = tpu.memref_slice %arg3[%dma_wait3A_115, %dma_wait3A_119, %mul3A_2] : memref<2x129x65536xf32, #tpu.memory_space<hbm>> -> memref<1x8x2048xf32, #tpu.memory_space<hbm>>
    %dma_wait3A_121 = tpu.memref_squeeze %dma_wait3A_120 : memref<1x8x2048xf32, #tpu.memory_space<hbm>> -> memref<8x2048xf32, #tpu.memory_space<hbm>>
    tpu.wait_dma2 semaphore(%arg15 : memref<!tpu.dma_semaphore, #tpu.memory_space<semaphore_mem>>) src(%dma_wait3A_121 : memref<8x2048xf32, #tpu.memory_space<hbm>>) dst(%arg9 : memref<8x2048xf32, #tpu.memory_space<vmem>>)
    %parallel_loop3A_122 = arith.constant 0 : i32
    %parallel_loop3A_123 = arith.constant 2048 : i32
    %parallel_loop3A_124 = arith.constant 16 : i32
    scf.for %parallel_loop3A_127 = %parallel_loop3A_122 to %parallel_loop3A_123 step %parallel_loop3A_124  : i32 {
      %parallel_loop3A_128 = arith.constant 0 : i32
      %parallel_loop3A_129 = arith.index_cast %parallel_loop3A_128 : i32 to index
      %parallel_loop3A_130 = arith.index_cast %parallel_loop3A_127 : i32 to index
      %parallel_loop3A_131 = tpu.vector_load %arg7[%parallel_loop3A_129, %parallel_loop3A_130] {strides = array<i32>} : memref<8x2048xf32, #tpu.memory_space<vmem>>, vector<1x16xf32>,
      %parallel_loop3A_132 = vector.shape_cast %parallel_loop3A_131 : vector<1x16xf32> to vector<16xf32>
      %parallel_loop3A_133 = arith.constant 1 : i32
      %parallel_loop3A_134 = arith.index_cast %parallel_loop3A_133 : i32 to index
      %parallel_loop3A_135 = arith.index_cast %parallel_loop3A_127 : i32 to index
      %parallel_loop3A_136 = tpu.vector_load %arg7[%parallel_loop3A_134, %parallel_loop3A_135] {strides = array<i32>} : memref<8x2048xf32, #tpu.memory_space<vmem>>, vector<1x16xf32>,
      %parallel_loop3A_137 = vector.shape_cast %parallel_loop3A_136 : vector<1x16xf32> to vector<16xf32>
      %parallel_loop3A_138 = arith.addf %parallel_loop3A_132, %parallel_loop3A_137 : vector<16xf32>
      %parallel_loop3A_139 = arith.constant 2 : i32
      %parallel_loop3A_140 = arith.index_cast %parallel_loop3A_139 : i32 to index
      %parallel_loop3A_141 = arith.index_cast %parallel_loop3A_127 : i32 to index
      %parallel_loop3A_142 = tpu.vector_load %arg7[%parallel_loop3A_140, %parallel_loop3A_141] {strides = array<i32>} : memref<8x2048xf32, #tpu.memory_space<vmem>>, vector<1x16xf32>,
      %parallel_loop3A_143 = vector.shape_cast %parallel_loop3A_142 : vector<1x16xf32> to vector<16xf32>
      %parallel_loop3A_144 = arith.constant 3 : i32
      %parallel_loop3A_145 = arith.index_cast %parallel_loop3A_144 : i32 to index
      %parallel_loop3A_146 = arith.index_cast %parallel_loop3A_127 : i32 to index
      %parallel_loop3A_147 = tpu.vector_load %arg7[%parallel_loop3A_145, %parallel_loop3A_146] {strides = array<i32>} : memref<8x2048xf32, #tpu.memory_space<vmem>>, vector<1x16xf32>,
      %parallel_loop3A_148 = vector.shape_cast %parallel_loop3A_147 : vector<1x16xf32> to vector<16xf32>
      %parallel_loop3A_149 = arith.addf %parallel_loop3A_143, %parallel_loop3A_148 : vector<16xf32>
      %parallel_loop3A_150 = arith.addf %parallel_loop3A_138, %parallel_loop3A_149 : vector<16xf32>
      %parallel_loop3A_151 = arith.constant 4 : i32
      %parallel_loop3A_152 = arith.index_cast %parallel_loop3A_151 : i32 to index
      %parallel_loop3A_153 = arith.index_cast %parallel_loop3A_127 : i32 to index
      %parallel_loop3A_154 = tpu.vector_load %arg7[%parallel_loop3A_152, %parallel_loop3A_153] {strides = array<i32>} : memref<8x2048xf32, #tpu.memory_space<vmem>>, vector<1x16xf32>,
      %parallel_loop3A_155 = vector.shape_cast %parallel_loop3A_154 : vector<1x16xf32> to vector<16xf32>
      %parallel_loop3A_156 = arith.constant 5 : i32
      %parallel_loop3A_157 = arith.index_cast %parallel_loop3A_156 : i32 to index
      %parallel_loop3A_158 = arith.index_cast %parallel_loop3A_127 : i32 to index
      %parallel_loop3A_159 = tpu.vector_load %arg7[%parallel_loop3A_157, %parallel_loop3A_158] {strides = array<i32>} : memref<8x2048xf32, #tpu.memory_space<vmem>>, vector<1x16xf32>,
      %parallel_loop3A_160 = vector.shape_cast %parallel_loop3A_159 : vector<1x16xf32> to vector<16xf32>
      %parallel_loop3A_161 = arith.addf %parallel_loop3A_155, %parallel_loop3A_160 : vector<16xf32>
      %parallel_loop3A_162 = arith.constant 6 : i32
      %parallel_loop3A_163 = arith.index_cast %parallel_loop3A_162 : i32 to index
      %parallel_loop3A_164 = arith.index_cast %parallel_loop3A_127 : i32 to index
      %parallel_loop3A_165 = tpu.vector_load %arg7[%parallel_loop3A_163, %parallel_loop3A_164] {strides = array<i32>} : memref<8x2048xf32, #tpu.memory_space<vmem>>, vector<1x16xf32>,
      %parallel_loop3A_166 = vector.shape_cast %parallel_loop3A_165 : vector<1x16xf32> to vector<16xf32>
      %parallel_loop3A_167 = arith.constant 7 : i32
      %parallel_loop3A_168 = arith.index_cast %parallel_loop3A_167 : i32 to index
      %parallel_loop3A_169 = arith.index_cast %parallel_loop3A_127 : i32 to index
      %parallel_loop3A_170 = tpu.vector_load %arg7[%parallel_loop3A_168, %parallel_loop3A_169] {strides = array<i32>} : memref<8x2048xf32, #tpu.memory_space<vmem>>, vector<1x16xf32>,
      %parallel_loop3A_171 = vector.shape_cast %parallel_loop3A_170 : vector<1x16xf32> to vector<16xf32>
      %parallel_loop3A_172 = arith.addf %parallel_loop3A_166, %parallel_loop3A_171 : vector<16xf32>
      %parallel_loop3A_173 = arith.addf %parallel_loop3A_161, %parallel_loop3A_172 : vector<16xf32>
      %parallel_loop3A_174 = arith.addf %parallel_loop3A_150, %parallel_loop3A_173 : vector<16xf32>
      %parallel_loop3A_175 = arith.constant 0 : i32
      %parallel_loop3A_176 = arith.index_cast %parallel_loop3A_175 : i32 to index
      %parallel_loop3A_177 = arith.index_cast %parallel_loop3A_127 : i32 to index
      %parallel_loop3A_178 = tpu.vector_load %arg9[%parallel_loop3A_176, %parallel_loop3A_177] {strides = array<i32>} : memref<8x2048xf32, #tpu.memory_space<vmem>>, vector<1x16xf32>,
      %parallel_loop3A_179 = vector.shape_cast %parallel_loop3A_178 : vector<1x16xf32> to vector<16xf32>
      %parallel_loop3A_180 = arith.constant 1 : i32
      %parallel_loop3A_181 = arith.index_cast %parallel_loop3A_180 : i32 to index
      %parallel_loop3A_182 = arith.index_cast %parallel_loop3A_127 : i32 to index
      %parallel_loop3A_183 = tpu.vector_load %arg9[%parallel_loop3A_181, %parallel_loop3A_182] {strides = array<i32>} : memref<8x2048xf32, #tpu.memory_space<vmem>>, vector<1x16xf32>,
      %parallel_loop3A_184 = vector.shape_cast %parallel_loop3A_183 : vector<1x16xf32> to vector<16xf32>
      %parallel_loop3A_185 = arith.addf %parallel_loop3A_179, %parallel_loop3A_184 : vector<16xf32>
      %parallel_loop3A_186 = arith.constant 2 : i32
      %parallel_loop3A_187 = arith.index_cast %parallel_loop3A_186 : i32 to index
      %parallel_loop3A_188 = arith.index_cast %parallel_loop3A_127 : i32 to index
      %parallel_loop3A_189 = tpu.vector_load %arg9[%parallel_loop3A_187, %parallel_loop3A_188] {strides = array<i32>} : memref<8x2048xf32, #tpu.memory_space<vmem>>, vector<1x16xf32>,
      %parallel_loop3A_190 = vector.shape_cast %parallel_loop3A_189 : vector<1x16xf32> to vector<16xf32>
      %parallel_loop3A_191 = arith.constant 3 : i32
      %parallel_loop3A_192 = arith.index_cast %parallel_loop3A_191 : i32 to index
      %parallel_loop3A_193 = arith.index_cast %parallel_loop3A_127 : i32 to index
      %parallel_loop3A_194 = tpu.vector_load %arg9[%parallel_loop3A_192, %parallel_loop3A_193] {strides = array<i32>} : memref<8x2048xf32, #tpu.memory_space<vmem>>, vector<1x16xf32>,
      %parallel_loop3A_195 = vector.shape_cast %parallel_loop3A_194 : vector<1x16xf32> to vector<16xf32>
      %parallel_loop3A_196 = arith.addf %parallel_loop3A_190, %parallel_loop3A_195 : vector<16xf32>
      %parallel_loop3A_197 = arith.addf %parallel_loop3A_185, %parallel_loop3A_196 : vector<16xf32>
      %parallel_loop3A_198 = arith.constant 4 : i32
      %parallel_loop3A_199 = arith.index_cast %parallel_loop3A_198 : i32 to index
      %parallel_loop3A_200 = arith.index_cast %parallel_loop3A_127 : i32 to index
      %parallel_loop3A_201 = tpu.vector_load %arg9[%parallel_loop3A_199, %parallel_loop3A_200] {strides = array<i32>} : memref<8x2048xf32, #tpu.memory_space<vmem>>, vector<1x16xf32>,
      %parallel_loop3A_202 = vector.shape_cast %parallel_loop3A_201 : vector<1x16xf32> to vector<16xf32>
      %parallel_loop3A_203 = arith.constant 5 : i32
      %parallel_loop3A_204 = arith.index_cast %parallel_loop3A_203 : i32 to index
      %parallel_loop3A_205 = arith.index_cast %parallel_loop3A_127 : i32 to index
      %parallel_loop3A_206 = tpu.vector_load %arg9[%parallel_loop3A_204, %parallel_loop3A_205] {strides = array<i32>} : memref<8x2048xf32, #tpu.memory_space<vmem>>, vector<1x16xf32>,
      %parallel_loop3A_207 = vector.shape_cast %parallel_loop3A_206 : vector<1x16xf32> to vector<16xf32>
      %parallel_loop3A_208 = arith.addf %parallel_loop3A_202, %parallel_loop3A_207 : vector<16xf32>
      %parallel_loop3A_209 = arith.constant 6 : i32
      %parallel_loop3A_210 = arith.index_cast %parallel_loop3A_209 : i32 to index
      %parallel_loop3A_211 = arith.index_cast %parallel_loop3A_127 : i32 to index
      %parallel_loop3A_212 = tpu.vector_load %arg9[%parallel_loop3A_210, %parallel_loop3A_211] {strides = array<i32>} : memref<8x2048xf32, #tpu.memory_space<vmem>>, vector<1x16xf32>,
      %parallel_loop3A_213 = vector.shape_cast %parallel_loop3A_212 : vector<1x16xf32> to vector<16xf32>
      %parallel_loop3A_214 = arith.constant 7 : i32
      %parallel_loop3A_215 = arith.index_cast %parallel_loop3A_214 : i32 to index
      %parallel_loop3A_216 = arith.index_cast %parallel_loop3A_127 : i32 to index
      %parallel_loop3A_217 = tpu.vector_load %arg9[%parallel_loop3A_215, %parallel_loop3A_216] {strides = array<i32>} : memref<8x2048xf32, #tpu.memory_space<vmem>>, vector<1x16xf32>,
      %parallel_loop3A_218 = vector.shape_cast %parallel_loop3A_217 : vector<1x16xf32> to vector<16xf32>
      %parallel_loop3A_219 = arith.addf %parallel_loop3A_213, %parallel_loop3A_218 : vector<16xf32>
      %parallel_loop3A_220 = arith.addf %parallel_loop3A_208, %parallel_loop3A_219 : vector<16xf32>
      %parallel_loop3A_221 = arith.addf %parallel_loop3A_197, %parallel_loop3A_220 : vector<16xf32>
      %parallel_loop3A_222 = arith.index_cast %parallel_loop3A_127 : i32 to index
      %parallel_loop3A_223 = tpu.vector_load %arg10[%parallel_loop3A_222] {strides = array<i32>} : memref<2048xf32, #tpu.memory_space<vmem>>, vector<16xf32>,
      %parallel_loop3A_224 = vector.shape_cast %parallel_loop3A_223 : vector<16xf32> to vector<16xf32>
      %parallel_loop3A_225 = arith.addf %parallel_loop3A_224, %parallel_loop3A_174 : vector<16xf32>
      %parallel_loop3A_226 = arith.index_cast %parallel_loop3A_127 : i32 to index
      %parallel_loop3A_227 = tpu.vector_load %arg10[%parallel_loop3A_226] {strides = array<i32>} : memref<2048xf32, #tpu.memory_space<vmem>>, vector<16xf32>,
      %parallel_loop3A_228 = vector.shape_cast %parallel_loop3A_227 : vector<16xf32> to vector<16xf32>
      %parallel_loop3A_229 = vector.shape_cast %parallel_loop3A_225 : vector<16xf32> to vector<16xf32>
      tpu.vector_store %arg10[%parallel_loop3A_226], %parallel_loop3A_229 {strides = array<i32>} : memref<2048xf32, #tpu.memory_space<vmem>>, vector<16xf32>,
      %parallel_loop3A_230 = arith.index_cast %parallel_loop3A_127 : i32 to index
      %parallel_loop3A_231 = tpu.vector_load %arg11[%parallel_loop3A_230] {strides = array<i32>} : memref<2048xf32, #tpu.memory_space<vmem>>, vector<16xf32>,
      %parallel_loop3A_232 = vector.shape_cast %parallel_loop3A_231 : vector<16xf32> to vector<16xf32>
      %parallel_loop3A_233 = arith.addf %parallel_loop3A_232, %parallel_loop3A_221 : vector<16xf32>
      %parallel_loop3A_234 = arith.index_cast %parallel_loop3A_127 : i32 to index
      %parallel_loop3A_235 = tpu.vector_load %arg11[%parallel_loop3A_234] {strides = array<i32>} : memref<2048xf32, #tpu.memory_space<vmem>>, vector<16xf32>,
      %parallel_loop3A_236 = vector.shape_cast %parallel_loop3A_235 : vector<16xf32> to vector<16xf32>
      %parallel_loop3A_237 = vector.shape_cast %parallel_loop3A_233 : vector<16xf32> to vector<16xf32>
      tpu.vector_store %arg11[%parallel_loop3A_234], %parallel_loop3A_237 {strides = array<i32>} : memref<2048xf32, #tpu.memory_space<vmem>>, vector<16xf32>,
    } {sc.loop_unroll_factor = 4 : i64, sc.parallel_access}
    %run_scoped3A_125 = arith.constant 1 : i32
    "tpu.region"() ({
      %run_scoped3A_127 = tpu.sem_alloc : memref<!tpu.dma_semaphore, #tpu.memory_space<semaphore_mem>>
      %dma_start3A_128 = tpu.memref_slice %arg4[%run_scoped3A_125, %mul3A_2] : memref<2x65536xf32, #tpu.memory_space<hbm>> -> memref<1x2048xf32, #tpu.memory_space<hbm>>
      %dma_start3A_129 = tpu.memref_squeeze %dma_start3A_128 : memref<1x2048xf32, #tpu.memory_space<hbm>> -> memref<2048xf32, #tpu.memory_space<hbm>>
      %dma_start3A_130 = tpu.memref_slice %arg4[%run_scoped3A_125, %mul3A_2] : memref<2x65536xf32, #tpu.memory_space<hbm>> -> memref<1x2048xf32, #tpu.memory_space<hbm>>
      %dma_start3A_131 = tpu.memref_squeeze %dma_start3A_130 : memref<1x2048xf32, #tpu.memory_space<hbm>> -> memref<2048xf32, #tpu.memory_space<hbm>>
      tpu.enqueue_dma source(%arg10 : memref<2048xf32, #tpu.memory_space<vmem>>) target(%dma_start3A_131 : memref<2048xf32, #tpu.memory_space<hbm>>) target_semaphore(%run_scoped3A_127 : memref<!tpu.dma_semaphore, #tpu.memory_space<semaphore_mem>>)
      %dma_wait3A_132 = tpu.memref_slice %arg4[%run_scoped3A_125, %mul3A_2] : memref<2x65536xf32, #tpu.memory_space<hbm>> -> memref<1x2048xf32, #tpu.memory_space<hbm>>
      %dma_wait3A_133 = tpu.memref_squeeze %dma_wait3A_132 : memref<1x2048xf32, #tpu.memory_space<hbm>> -> memref<2048xf32, #tpu.memory_space<hbm>>
      %dma_wait3A_134 = tpu.memref_slice %arg4[%run_scoped3A_125, %mul3A_2] : memref<2x65536xf32, #tpu.memory_space<hbm>> -> memref<1x2048xf32, #tpu.memory_space<hbm>>
      %dma_wait3A_135 = tpu.memref_squeeze %dma_wait3A_134 : memref<1x2048xf32, #tpu.memory_space<hbm>> -> memref<2048xf32, #tpu.memory_space<hbm>>
      tpu.wait_dma2 semaphore(%run_scoped3A_127 : memref<!tpu.dma_semaphore, #tpu.memory_space<semaphore_mem>>) src(%arg10 : memref<2048xf32, #tpu.memory_space<vmem>>) dst(%dma_wait3A_135 : memref<2048xf32, #tpu.memory_space<hbm>>)
      tpu.yield
    }) : () -> ()
    %run_scoped3A_126 = arith.constant 1 : i32
    "tpu.region"() ({
      %run_scoped3A_127 = tpu.sem_alloc : memref<!tpu.dma_semaphore, #tpu.memory_space<semaphore_mem>>
      %dma_start3A_128 = tpu.memref_slice %arg5[%run_scoped3A_126, %mul3A_2] : memref<2x65536xf32, #tpu.memory_space<hbm>> -> memref<1x2048xf32, #tpu.memory_space<hbm>>
      %dma_start3A_129 = tpu.memref_squeeze %dma_start3A_128 : memref<1x2048xf32, #tpu.memory_space<hbm>> -> memref<2048xf32, #tpu.memory_space<hbm>>
      %dma_start3A_130 = tpu.memref_slice %arg5[%run_scoped3A_126, %mul3A_2] : memref<2x65536xf32, #tpu.memory_space<hbm>> -> memref<1x2048xf32, #tpu.memory_space<hbm>>
      %dma_start3A_131 = tpu.memref_squeeze %dma_start3A_130 : memref<1x2048xf32, #tpu.memory_space<hbm>> -> memref<2048xf32, #tpu.memory_space<hbm>>
      tpu.enqueue_dma source(%arg11 : memref<2048xf32, #tpu.memory_space<vmem>>) target(%dma_start3A_131 : memref<2048xf32, #tpu.memory_space<hbm>>) target_semaphore(%run_scoped3A_127 : memref<!tpu.dma_semaphore, #tpu.memory_space<semaphore_mem>>)
      %dma_wait3A_132 = tpu.memref_slice %arg5[%run_scoped3A_126, %mul3A_2] : memref<2x65536xf32, #tpu.memory_space<hbm>> -> memref<1x2048xf32, #tpu.memory_space<hbm>>
      %dma_wait3A_133 = tpu.memref_squeeze %dma_wait3A_132 : memref<1x2048xf32, #tpu.memory_space<hbm>> -> memref<2048xf32, #tpu.memory_space<hbm>>
      %dma_wait3A_134 = tpu.memref_slice %arg5[%run_scoped3A_126, %mul3A_2] : memref<2x65536xf32, #tpu.memory_space<hbm>> -> memref<1x2048xf32, #tpu.memory_space<hbm>>
      %dma_wait3A_135 = tpu.memref_squeeze %dma_wait3A_134 : memref<1x2048xf32, #tpu.memory_space<hbm>> -> memref<2048xf32, #tpu.memory_space<hbm>>
      tpu.wait_dma2 semaphore(%run_scoped3A_127 : memref<!tpu.dma_semaphore, #tpu.memory_space<semaphore_mem>>) src(%arg11 : memref<2048xf32, #tpu.memory_space<vmem>>) dst(%dma_wait3A_135 : memref<2048xf32, #tpu.memory_space<hbm>>)
      tpu.yield
    }) : () -> ()
    return
  }
}

module attributes {stable_mosaic.version = 14 : i64} {
  func.func @_tc_partial_kernel(%arg0: i32, %arg1: i32, %arg2: memref<1x16x256x256xf32, #tpu.memory_space<vmem>>, %arg3: memref<1x16x256x256xf32, #tpu.memory_space<vmem>>, %arg4: memref<1x1x256x256xf32, #tpu.memory_space<vmem>>, %arg5: memref<1x256x256xf32, #tpu.memory_space<vmem>>, %arg6: memref<1x256x256xf32, #tpu.memory_space<vmem>>, %arg7: memref<256x256xf32, #tpu.memory_space<vmem>>, %arg8: memref<256x256xf32, #tpu.memory_space<vmem>>) attributes {dimension_semantics = [#tpu.dimension_semantics<arbitrary>, #tpu.dimension_semantics<arbitrary>], iteration_bounds = array<i64: 2, 7>, scalar_prefetch = 0 : i64, scratch_operands = 2 : i64, tpu.core_type = #tpu.core_type<tc>, window_params = [{transform_indices = @transform_0, window_bounds = array<i64: 1, 16, 256, 256>}, {transform_indices = @transform_1, window_bounds = array<i64: 1, 16, 256, 256>}, {transform_indices = @transform_2, window_bounds = array<i64: 1, 1, 256, 256>}, {transform_indices = @transform_3, window_bounds = array<i64: 1, 256, 256>}, {transform_indices = @transform_4, window_bounds = array<i64: 1, 256, 256>}]} {
    %get3A = arith.constant 0 : index
    %get3A_0 = arith.constant 0 : index
    %get3A_1 = arith.constant 0 : index
    %get3A_2 = arith.constant 0 : index
    %get3A_3 = vector.load %arg2[%get3A, %get3A_0, %get3A_1, %get3A_2] : memref<1x16x256x256xf32, #tpu.memory_space<vmem>>, vector<1x16x256x256xf32>
    %get3A_4 = vector.shape_cast %get3A_3 : vector<1x16x256x256xf32> to vector<16x256x256xf32>
    %reduce_sum3A = arith.constant dense<0.000000e+00> : vector<256x256xf32>
    %reduce_sum3A_5 = vector.multi_reduction <add>, %get3A_4, %reduce_sum3A [0] : vector<16x256x256xf32> to vector<256x256xf32>
    %eq3A = arith.constant 0 : i32
    %eq3A_6 = arith.cmpi eq, %arg1, %eq3A : i32
    %convert_element_type3A = arith.extui %eq3A_6 : i1 to i32
    %cond3A = arith.constant 0 : i32
    %cond3A_7 = arith.cmpi ne, %convert_element_type3A, %cond3A : i32
    scf.if %cond3A_7 {
      %swap3A = arith.constant 0 : index
      %swap3A_17 = arith.constant 0 : index
      %swap3A_18 = vector.load %arg7[%swap3A, %swap3A_17] : memref<256x256xf32, #tpu.memory_space<vmem>>, vector<256x256xf32>
      tpu.vector_store %arg7[%swap3A, %swap3A_17], %reduce_sum3A_5 {strides = array<i32>} : memref<256x256xf32, #tpu.memory_space<vmem>>, vector<256x256xf32>,
      %get3A_19 = arith.constant 0 : index
      %get3A_20 = arith.constant 1 : index
      %get3A_21 = arith.constant 0 : index
      %get3A_22 = arith.constant 0 : index
      %get3A_23 = vector.load %arg3[%get3A_19, %get3A_20, %get3A_21, %get3A_22] : memref<1x16x256x256xf32, #tpu.memory_space<vmem>>, vector<1x15x256x256xf32>
      %get3A_24 = vector.shape_cast %get3A_23 : vector<1x15x256x256xf32> to vector<15x256x256xf32>
      %reduce_sum3A_25 = arith.constant dense<0.000000e+00> : vector<256x256xf32>
      %reduce_sum3A_26 = vector.multi_reduction <add>, %get3A_24, %reduce_sum3A_25 [0] : vector<15x256x256xf32> to vector<256x256xf32>
      %swap3A_27 = arith.constant 0 : index
      %swap3A_28 = arith.constant 0 : index
      %swap3A_29 = vector.load %arg8[%swap3A_27, %swap3A_28] : memref<256x256xf32, #tpu.memory_space<vmem>>, vector<256x256xf32>
      tpu.vector_store %arg8[%swap3A_27, %swap3A_28], %reduce_sum3A_26 {strides = array<i32>} : memref<256x256xf32, #tpu.memory_space<vmem>>, vector<256x256xf32>,
    } else {
    }
    %gt3A = arith.constant 0 : i32
    %gt3A_8 = arith.cmpi sgt, %arg1, %gt3A : i32
    %convert_element_type3A_9 = arith.extui %gt3A_8 : i1 to i32
    %cond3A_10 = arith.constant 0 : i32
    %cond3A_11 = arith.cmpi ne, %convert_element_type3A_9, %cond3A_10 : i32
    scf.if %cond3A_11 {
      %get3A_17 = arith.constant 0 : index
      %get3A_18 = arith.constant 0 : index
      %get3A_19 = vector.load %arg7[%get3A_17, %get3A_18] : memref<256x256xf32, #tpu.memory_space<vmem>>, vector<256x256xf32>
      %add3A = arith.addf %get3A_19, %reduce_sum3A_5 : vector<256x256xf32>
      %swap3A = arith.constant 0 : index
      %swap3A_20 = arith.constant 0 : index
      %swap3A_21 = vector.load %arg7[%swap3A, %swap3A_20] : memref<256x256xf32, #tpu.memory_space<vmem>>, vector<256x256xf32>
      tpu.vector_store %arg7[%swap3A, %swap3A_20], %add3A {strides = array<i32>} : memref<256x256xf32, #tpu.memory_space<vmem>>, vector<256x256xf32>,
      %get3A_22 = arith.constant 0 : index
      %get3A_23 = arith.constant 0 : index
      %get3A_24 = vector.load %arg8[%get3A_22, %get3A_23] : memref<256x256xf32, #tpu.memory_space<vmem>>, vector<256x256xf32>
      %get3A_25 = arith.constant 0 : index
      %get3A_26 = arith.constant 0 : index
      %get3A_27 = arith.constant 0 : index
      %get3A_28 = arith.constant 0 : index
      %get3A_29 = vector.load %arg3[%get3A_25, %get3A_26, %get3A_27, %get3A_28] : memref<1x16x256x256xf32, #tpu.memory_space<vmem>>, vector<1x16x256x256xf32>
      %get3A_30 = vector.shape_cast %get3A_29 : vector<1x16x256x256xf32> to vector<16x256x256xf32>
      %reduce_sum3A_31 = arith.constant dense<0.000000e+00> : vector<256x256xf32>
      %reduce_sum3A_32 = vector.multi_reduction <add>, %get3A_30, %reduce_sum3A_31 [0] : vector<16x256x256xf32> to vector<256x256xf32>
      %add3A_33 = arith.addf %get3A_24, %reduce_sum3A_32 : vector<256x256xf32>
      %swap3A_34 = arith.constant 0 : index
      %swap3A_35 = arith.constant 0 : index
      %swap3A_36 = vector.load %arg8[%swap3A_34, %swap3A_35] : memref<256x256xf32, #tpu.memory_space<vmem>>, vector<256x256xf32>
      tpu.vector_store %arg8[%swap3A_34, %swap3A_35], %add3A_33 {strides = array<i32>} : memref<256x256xf32, #tpu.memory_space<vmem>>, vector<256x256xf32>,
    } else {
    }
    %eq3A_12 = arith.constant 6 : i32
    %eq3A_13 = arith.cmpi eq, %arg1, %eq3A_12 : i32
    %convert_element_type3A_14 = arith.extui %eq3A_13 : i1 to i32
    %cond3A_15 = arith.constant 0 : i32
    %cond3A_16 = arith.cmpi ne, %convert_element_type3A_14, %cond3A_15 : i32
    scf.if %cond3A_16 {
      %get3A_17 = arith.constant 0 : index
      %get3A_18 = arith.constant 0 : index
      %get3A_19 = vector.load %arg7[%get3A_17, %get3A_18] : memref<256x256xf32, #tpu.memory_space<vmem>>, vector<256x256xf32>
      %swap3A = arith.constant 0 : index
      %swap3A_20 = arith.constant 0 : index
      %swap3A_21 = arith.constant 0 : index
      %swap3A_22 = vector.load %arg5[%swap3A, %swap3A_20, %swap3A_21] : memref<1x256x256xf32, #tpu.memory_space<vmem>>, vector<1x256x256xf32>
      %swap3A_23 = vector.shape_cast %swap3A_22 : vector<1x256x256xf32> to vector<256x256xf32>
      %swap3A_24 = vector.shape_cast %get3A_19 : vector<256x256xf32> to vector<1x256x256xf32>
      tpu.vector_store %arg5[%swap3A, %swap3A_20, %swap3A_21], %swap3A_24 {strides = array<i32>} : memref<1x256x256xf32, #tpu.memory_space<vmem>>, vector<1x256x256xf32>,
      %get3A_25 = arith.constant 0 : index
      %get3A_26 = arith.constant 0 : index
      %get3A_27 = vector.load %arg8[%get3A_25, %get3A_26] : memref<256x256xf32, #tpu.memory_space<vmem>>, vector<256x256xf32>
      %get3A_28 = arith.constant 0 : index
      %get3A_29 = arith.constant 0 : index
      %get3A_30 = arith.constant 0 : index
      %get3A_31 = arith.constant 0 : index
      %get3A_32 = vector.load %arg4[%get3A_28, %get3A_29, %get3A_30, %get3A_31] : memref<1x1x256x256xf32, #tpu.memory_space<vmem>>, vector<1x1x256x256xf32>
      %get3A_33 = vector.shape_cast %get3A_32 : vector<1x1x256x256xf32> to vector<256x256xf32>
      %add3A = arith.addf %get3A_27, %get3A_33 : vector<256x256xf32>
      %swap3A_34 = arith.constant 0 : index
      %swap3A_35 = arith.constant 0 : index
      %swap3A_36 = arith.constant 0 : index
      %swap3A_37 = vector.load %arg6[%swap3A_34, %swap3A_35, %swap3A_36] : memref<1x256x256xf32, #tpu.memory_space<vmem>>, vector<1x256x256xf32>
      %swap3A_38 = vector.shape_cast %swap3A_37 : vector<1x256x256xf32> to vector<256x256xf32>
      %swap3A_39 = vector.shape_cast %add3A : vector<256x256xf32> to vector<1x256x256xf32>
      tpu.vector_store %arg6[%swap3A_34, %swap3A_35, %swap3A_36], %swap3A_39 {strides = array<i32>} : memref<1x256x256xf32, #tpu.memory_space<vmem>>, vector<1x256x256xf32>,
    } else {
    }
    return
  }
  func.func @transform_0(%arg0: i32, %arg1: i32) -> (i32, i32, i32, i32) {
    %c0_i32 = arith.constant 0 : i32
    %c0_i32_0 = arith.constant 0 : i32
    %c0_i32_1 = arith.constant 0 : i32
    return %arg0, %arg1, %c0_i32, %c0_i32_0 : i32, i32, i32, i32
  }
  func.func @transform_1(%arg0: i32, %arg1: i32) -> (i32, i32, i32, i32) {
    %c0_i32 = arith.constant 0 : i32
    %c0_i32_0 = arith.constant 0 : i32
    %c0_i32_1 = arith.constant 0 : i32
    return %arg0, %arg1, %c0_i32, %c0_i32_0 : i32, i32, i32, i32
  }
  func.func @transform_2(%arg0: i32, %arg1: i32) -> (i32, i32, i32, i32) {
    %c128_i32 = arith.constant 128 : i32
    %c0_i32 = arith.constant 0 : i32
    %c0_i32_0 = arith.constant 0 : i32
    %c0_i32_1 = arith.constant 0 : i32
    return %arg0, %c128_i32, %c0_i32, %c0_i32_0 : i32, i32, i32, i32
  }
  func.func @transform_3(%arg0: i32, %arg1: i32) -> (i32, i32, i32) {
    %c0_i32 = arith.constant 0 : i32
    %c0_i32_0 = arith.constant 0 : i32
    %c0_i32_1 = arith.constant 0 : i32
    return %arg0, %c0_i32, %c0_i32_0 : i32, i32, i32
  }
  func.func @transform_4(%arg0: i32, %arg1: i32) -> (i32, i32, i32) {
    %c0_i32 = arith.constant 0 : i32
    %c0_i32_0 = arith.constant 0 : i32
    %c0_i32_1 = arith.constant 0 : i32
    return %arg0, %c0_i32, %c0_i32_0 : i32, i32, i32
  }
}

module attributes {stable_mosaic.version = 14 : i64} {
  func.func @_combine_kernel(%arg0: i32, %arg1: memref<1x24x128xf32, #tpu.memory_space<vmem>>, %arg2: memref<1x256x256xf32, #tpu.memory_space<vmem>>, %arg3: memref<1x256x256xf32, #tpu.memory_space<vmem>>, %arg4: memref<1x256x256xf32, #tpu.memory_space<vmem>>, %arg5: memref<1x256x256xf32, #tpu.memory_space<vmem>>, %arg6: memref<1x8x128xf32, #tpu.memory_space<vmem>>, %arg7: memref<1x8x128xf32, #tpu.memory_space<vmem>>) attributes {dimension_semantics = [#tpu.dimension_semantics<arbitrary>], iteration_bounds = array<i64: 2>, scalar_prefetch = 0 : i64, scratch_operands = 0 : i64, tpu.core_type = #tpu.core_type<tc>, window_params = [{transform_indices = @transform_0, window_bounds = array<i64: 1, 24, 128>}, {transform_indices = @transform_1, window_bounds = array<i64: 1, 256, 256>}, {transform_indices = @transform_2, window_bounds = array<i64: 1, 256, 256>}, {transform_indices = @transform_3, window_bounds = array<i64: 1, 256, 256>}, {transform_indices = @transform_4, window_bounds = array<i64: 1, 256, 256>}, {transform_indices = @transform_5, window_bounds = array<i64: 1, 8, 128>}, {transform_indices = @transform_6, window_bounds = array<i64: 1, 8, 128>}]} {
    %get3A = arith.constant 0 : index
    %get3A_0 = arith.constant 0 : index
    %get3A_1 = arith.constant 0 : index
    %get3A_2 = vector.load %arg2[%get3A, %get3A_0, %get3A_1] : memref<1x256x256xf32, #tpu.memory_space<vmem>>, vector<1x256x256xf32>
    %get3A_3 = vector.shape_cast %get3A_2 : vector<1x256x256xf32> to vector<256x256xf32>
    %get3A_4 = arith.constant 0 : index
    %get3A_5 = arith.constant 0 : index
    %get3A_6 = arith.constant 0 : index
    %get3A_7 = vector.load %arg3[%get3A_4, %get3A_5, %get3A_6] : memref<1x256x256xf32, #tpu.memory_space<vmem>>, vector<1x256x256xf32>
    %get3A_8 = vector.shape_cast %get3A_7 : vector<1x256x256xf32> to vector<256x256xf32>
    %add3A = arith.addf %get3A_3, %get3A_8 : vector<256x256xf32>
    %ne3A = arith.constant 0.000000e+00 : f32
    %ne3A_9 = vector.broadcast %ne3A : f32 to vector<256x256xf32>
    %ne3A_10 = arith.cmpf one, %add3A, %ne3A_9 : vector<256x256xf32>
    %get3A_11 = arith.constant 0 : index
    %get3A_12 = arith.constant 0 : index
    %get3A_13 = arith.constant 0 : index
    %get3A_14 = vector.load %arg4[%get3A_11, %get3A_12, %get3A_13] : memref<1x256x256xf32, #tpu.memory_space<vmem>>, vector<1x256x256xf32>
    %get3A_15 = vector.shape_cast %get3A_14 : vector<1x256x256xf32> to vector<256x256xf32>
    %get3A_16 = arith.constant 0 : index
    %get3A_17 = arith.constant 0 : index
    %get3A_18 = arith.constant 0 : index
    %get3A_19 = vector.load %arg5[%get3A_16, %get3A_17, %get3A_18] : memref<1x256x256xf32, #tpu.memory_space<vmem>>, vector<1x256x256xf32>
    %get3A_20 = vector.shape_cast %get3A_19 : vector<1x256x256xf32> to vector<256x256xf32>
    %add3A_21 = arith.addf %get3A_15, %get3A_20 : vector<256x256xf32>
    %ne3A_22 = arith.constant 0.000000e+00 : f32
    %ne3A_23 = vector.broadcast %ne3A_22 : f32 to vector<256x256xf32>
    %ne3A_24 = arith.cmpf one, %add3A_21, %ne3A_23 : vector<256x256xf32>
    %iota3A = tpu.iota {dimensions = array<i32: 0>} : vector<256x256xi32>
    %iota3A_25 = tpu.iota {dimensions = array<i32: 1>} : vector<256x256xi32>
    %convert_element_type3A = arith.sitofp %iota3A : vector<256x256xi32> to vector<256x256xf32>
    %sub3A = arith.constant 1.280000e+02 : f32
    %sub3A_26 = vector.broadcast %sub3A : f32 to vector<256x256xf32>
    %sub3A_27 = arith.subf %convert_element_type3A, %sub3A_26 : vector<256x256xf32>
    %mul3A = arith.constant 8.000000e-01 : f32
    %mul3A_28 = vector.broadcast %mul3A : f32 to vector<256x256xf32>
    %mul3A_29 = arith.mulf %sub3A_27, %mul3A_28 : vector<256x256xf32>
    %convert_element_type3A_30 = arith.sitofp %iota3A_25 : vector<256x256xi32> to vector<256x256xf32>
    %sub3A_31 = arith.constant 1.280000e+02 : f32
    %sub3A_32 = vector.broadcast %sub3A_31 : f32 to vector<256x256xf32>
    %sub3A_33 = arith.subf %convert_element_type3A_30, %sub3A_32 : vector<256x256xf32>
    %mul3A_34 = arith.constant 8.000000e-01 : f32
    %mul3A_35 = vector.broadcast %mul3A_34 : f32 to vector<256x256xf32>
    %mul3A_36 = arith.mulf %sub3A_33, %mul3A_35 : vector<256x256xf32>
    %get3A_37 = arith.constant 0 : index
    %get3A_38 = arith.constant 0 : index
    %get3A_39 = arith.constant 0 : index
    %get3A_40 = vector.load %arg1[%get3A_37, %get3A_38, %get3A_39] : memref<1x24x128xf32, #tpu.memory_space<vmem>>, vector<1x24x128xf32>
    %get3A_41 = vector.shape_cast %get3A_40 : vector<1x24x128xf32> to vector<24x128xf32>
    %broadcast_in_dim3A = arith.constant false
    %broadcast_in_dim3A_42 = vector.broadcast %broadcast_in_dim3A : i1 to vector<256x256xi1>
    %slice3A = vector.extract_strided_slice %get3A_41 {offsets = [0, 0], sizes = [1, 1], strides = [1, 1]} : vector<24x128xf32> to vector<1x1xf32>
    %squeeze3A = vector.extract %slice3A[0, 0] : f32 from vector<1x1xf32>
    %slice3A_43 = vector.extract_strided_slice %get3A_41 {offsets = [0, 1], sizes = [1, 1], strides = [1, 1]} : vector<24x128xf32> to vector<1x1xf32>
    %squeeze3A_44 = vector.extract %slice3A_43[0, 0] : f32 from vector<1x1xf32>
    %slice3A_45 = vector.extract_strided_slice %get3A_41 {offsets = [0, 2], sizes = [1, 1], strides = [1, 1]} : vector<24x128xf32> to vector<1x1xf32>
    %squeeze3A_46 = vector.extract %slice3A_45[0, 0] : f32 from vector<1x1xf32>
    %slice3A_47 = vector.extract_strided_slice %get3A_41 {offsets = [0, 3], sizes = [1, 1], strides = [1, 1]} : vector<24x128xf32> to vector<1x1xf32>
    %squeeze3A_48 = vector.extract %slice3A_47[0, 0] : f32 from vector<1x1xf32>
    %slice3A_49 = vector.extract_strided_slice %get3A_41 {offsets = [0, 4], sizes = [1, 1], strides = [1, 1]} : vector<24x128xf32> to vector<1x1xf32>
    %squeeze3A_50 = vector.extract %slice3A_49[0, 0] : f32 from vector<1x1xf32>
    %slice3A_51 = vector.extract_strided_slice %get3A_41 {offsets = [0, 5], sizes = [1, 1], strides = [1, 1]} : vector<24x128xf32> to vector<1x1xf32>
    %squeeze3A_52 = vector.extract %slice3A_51[0, 0] : f32 from vector<1x1xf32>
    %slice3A_53 = vector.extract_strided_slice %get3A_41 {offsets = [0, 6], sizes = [1, 1], strides = [1, 1]} : vector<24x128xf32> to vector<1x1xf32>
    %squeeze3A_54 = vector.extract %slice3A_53[0, 0] : f32 from vector<1x1xf32>
    %sub3A_55 = vector.broadcast %squeeze3A : f32 to vector<256x256xf32>
    %sub3A_56 = arith.subf %mul3A_29, %sub3A_55 : vector<256x256xf32>
    %sub3A_57 = vector.broadcast %squeeze3A_44 : f32 to vector<256x256xf32>
    %sub3A_58 = arith.subf %mul3A_36, %sub3A_57 : vector<256x256xf32>
    %cos3A = math.cos %squeeze3A_54 : f32
    %sin3A = math.sin %squeeze3A_54 : f32
    %mul3A_59 = vector.broadcast %cos3A : f32 to vector<256x256xf32>
    %mul3A_60 = arith.mulf %sub3A_56, %mul3A_59 : vector<256x256xf32>
    %mul3A_61 = vector.broadcast %sin3A : f32 to vector<256x256xf32>
    %mul3A_62 = arith.mulf %sub3A_58, %mul3A_61 : vector<256x256xf32>
    %add3A_63 = arith.addf %mul3A_60, %mul3A_62 : vector<256x256xf32>
    %mul3A_64 = vector.broadcast %cos3A : f32 to vector<256x256xf32>
    %mul3A_65 = arith.mulf %sub3A_58, %mul3A_64 : vector<256x256xf32>
    %mul3A_66 = vector.broadcast %sin3A : f32 to vector<256x256xf32>
    %mul3A_67 = arith.mulf %sub3A_56, %mul3A_66 : vector<256x256xf32>
    %sub3A_68 = arith.subf %mul3A_65, %mul3A_67 : vector<256x256xf32>
    %sub3A_69 = arith.constant 8.000000e-01 : f32
    %sub3A_70 = arith.subf %sub3A_69, %squeeze3A_46 : f32
    %abs3A = math.absf %sub3A_70 : f32
    %mul3A_71 = arith.constant 5.000000e-01 : f32
    %mul3A_72 = arith.mulf %squeeze3A_52, %mul3A_71 : f32
    %le3A = arith.cmpf ole, %abs3A, %mul3A_72 : f32
    %abs3A_73 = math.absf %add3A_63 : vector<256x256xf32>
    %mul3A_74 = arith.constant 5.000000e-01 : f32
    %mul3A_75 = arith.mulf %squeeze3A_48, %mul3A_74 : f32
    %le3A_76 = vector.broadcast %mul3A_75 : f32 to vector<256x256xf32>
    %le3A_77 = arith.cmpf ole, %abs3A_73, %le3A_76 : vector<256x256xf32>
    %abs3A_78 = math.absf %sub3A_68 : vector<256x256xf32>
    %mul3A_79 = arith.constant 5.000000e-01 : f32
    %mul3A_80 = arith.mulf %squeeze3A_50, %mul3A_79 : f32
    %le3A_81 = vector.broadcast %mul3A_80 : f32 to vector<256x256xf32>
    %le3A_82 = arith.cmpf ole, %abs3A_78, %le3A_81 : vector<256x256xf32>
    %and3A = arith.andi %le3A_77, %le3A_82 : vector<256x256xi1>
    %and3A_83 = vector.broadcast %le3A : i1 to vector<256x256xi1>
    %and3A_84 = arith.andi %and3A, %and3A_83 : vector<256x256xi1>
    %or3A = arith.ori %broadcast_in_dim3A_42, %and3A_84 : vector<256x256xi1>
    %slice3A_85 = vector.extract_strided_slice %get3A_41 {offsets = [1, 0], sizes = [1, 1], strides = [1, 1]} : vector<24x128xf32> to vector<1x1xf32>
    %squeeze3A_86 = vector.extract %slice3A_85[0, 0] : f32 from vector<1x1xf32>
    %slice3A_87 = vector.extract_strided_slice %get3A_41 {offsets = [1, 1], sizes = [1, 1], strides = [1, 1]} : vector<24x128xf32> to vector<1x1xf32>
    %squeeze3A_88 = vector.extract %slice3A_87[0, 0] : f32 from vector<1x1xf32>
    %slice3A_89 = vector.extract_strided_slice %get3A_41 {offsets = [1, 2], sizes = [1, 1], strides = [1, 1]} : vector<24x128xf32> to vector<1x1xf32>
    %squeeze3A_90 = vector.extract %slice3A_89[0, 0] : f32 from vector<1x1xf32>
    %slice3A_91 = vector.extract_strided_slice %get3A_41 {offsets = [1, 3], sizes = [1, 1], strides = [1, 1]} : vector<24x128xf32> to vector<1x1xf32>
    %squeeze3A_92 = vector.extract %slice3A_91[0, 0] : f32 from vector<1x1xf32>
    %slice3A_93 = vector.extract_strided_slice %get3A_41 {offsets = [1, 4], sizes = [1, 1], strides = [1, 1]} : vector<24x128xf32> to vector<1x1xf32>
    %squeeze3A_94 = vector.extract %slice3A_93[0, 0] : f32 from vector<1x1xf32>
    %slice3A_95 = vector.extract_strided_slice %get3A_41 {offsets = [1, 5], sizes = [1, 1], strides = [1, 1]} : vector<24x128xf32> to vector<1x1xf32>
    %squeeze3A_96 = vector.extract %slice3A_95[0, 0] : f32 from vector<1x1xf32>
    %slice3A_97 = vector.extract_strided_slice %get3A_41 {offsets = [1, 6], sizes = [1, 1], strides = [1, 1]} : vector<24x128xf32> to vector<1x1xf32>
    %squeeze3A_98 = vector.extract %slice3A_97[0, 0] : f32 from vector<1x1xf32>
    %sub3A_99 = vector.broadcast %squeeze3A_86 : f32 to vector<256x256xf32>
    %sub3A_100 = arith.subf %mul3A_29, %sub3A_99 : vector<256x256xf32>
    %sub3A_101 = vector.broadcast %squeeze3A_88 : f32 to vector<256x256xf32>
    %sub3A_102 = arith.subf %mul3A_36, %sub3A_101 : vector<256x256xf32>
    %cos3A_103 = math.cos %squeeze3A_98 : f32
    %sin3A_104 = math.sin %squeeze3A_98 : f32
    %mul3A_105 = vector.broadcast %cos3A_103 : f32 to vector<256x256xf32>
    %mul3A_106 = arith.mulf %sub3A_100, %mul3A_105 : vector<256x256xf32>
    %mul3A_107 = vector.broadcast %sin3A_104 : f32 to vector<256x256xf32>
    %mul3A_108 = arith.mulf %sub3A_102, %mul3A_107 : vector<256x256xf32>
    %add3A_109 = arith.addf %mul3A_106, %mul3A_108 : vector<256x256xf32>
    %mul3A_110 = vector.broadcast %cos3A_103 : f32 to vector<256x256xf32>
    %mul3A_111 = arith.mulf %sub3A_102, %mul3A_110 : vector<256x256xf32>
    %mul3A_112 = vector.broadcast %sin3A_104 : f32 to vector<256x256xf32>
    %mul3A_113 = arith.mulf %sub3A_100, %mul3A_112 : vector<256x256xf32>
    %sub3A_114 = arith.subf %mul3A_111, %mul3A_113 : vector<256x256xf32>
    %sub3A_115 = arith.constant 8.000000e-01 : f32
    %sub3A_116 = arith.subf %sub3A_115, %squeeze3A_90 : f32
    %abs3A_117 = math.absf %sub3A_116 : f32
    %mul3A_118 = arith.constant 5.000000e-01 : f32
    %mul3A_119 = arith.mulf %squeeze3A_96, %mul3A_118 : f32
    %le3A_120 = arith.cmpf ole, %abs3A_117, %mul3A_119 : f32
    %abs3A_121 = math.absf %add3A_109 : vector<256x256xf32>
    %mul3A_122 = arith.constant 5.000000e-01 : f32
    %mul3A_123 = arith.mulf %squeeze3A_92, %mul3A_122 : f32
    %le3A_124 = vector.broadcast %mul3A_123 : f32 to vector<256x256xf32>
    %le3A_125 = arith.cmpf ole, %abs3A_121, %le3A_124 : vector<256x256xf32>
    %abs3A_126 = math.absf %sub3A_114 : vector<256x256xf32>
    %mul3A_127 = arith.constant 5.000000e-01 : f32
    %mul3A_128 = arith.mulf %squeeze3A_94, %mul3A_127 : f32
    %le3A_129 = vector.broadcast %mul3A_128 : f32 to vector<256x256xf32>
    %le3A_130 = arith.cmpf ole, %abs3A_126, %le3A_129 : vector<256x256xf32>
    %and3A_131 = arith.andi %le3A_125, %le3A_130 : vector<256x256xi1>
    %and3A_132 = vector.broadcast %le3A_120 : i1 to vector<256x256xi1>
    %and3A_133 = arith.andi %and3A_131, %and3A_132 : vector<256x256xi1>
    %or3A_134 = arith.ori %or3A, %and3A_133 : vector<256x256xi1>
    %slice3A_135 = vector.extract_strided_slice %get3A_41 {offsets = [2, 0], sizes = [1, 1], strides = [1, 1]} : vector<24x128xf32> to vector<1x1xf32>
    %squeeze3A_136 = vector.extract %slice3A_135[0, 0] : f32 from vector<1x1xf32>
    %slice3A_137 = vector.extract_strided_slice %get3A_41 {offsets = [2, 1], sizes = [1, 1], strides = [1, 1]} : vector<24x128xf32> to vector<1x1xf32>
    %squeeze3A_138 = vector.extract %slice3A_137[0, 0] : f32 from vector<1x1xf32>
    %slice3A_139 = vector.extract_strided_slice %get3A_41 {offsets = [2, 2], sizes = [1, 1], strides = [1, 1]} : vector<24x128xf32> to vector<1x1xf32>
    %squeeze3A_140 = vector.extract %slice3A_139[0, 0] : f32 from vector<1x1xf32>
    %slice3A_141 = vector.extract_strided_slice %get3A_41 {offsets = [2, 3], sizes = [1, 1], strides = [1, 1]} : vector<24x128xf32> to vector<1x1xf32>
    %squeeze3A_142 = vector.extract %slice3A_141[0, 0] : f32 from vector<1x1xf32>
    %slice3A_143 = vector.extract_strided_slice %get3A_41 {offsets = [2, 4], sizes = [1, 1], strides = [1, 1]} : vector<24x128xf32> to vector<1x1xf32>
    %squeeze3A_144 = vector.extract %slice3A_143[0, 0] : f32 from vector<1x1xf32>
    %slice3A_145 = vector.extract_strided_slice %get3A_41 {offsets = [2, 5], sizes = [1, 1], strides = [1, 1]} : vector<24x128xf32> to vector<1x1xf32>
    %squeeze3A_146 = vector.extract %slice3A_145[0, 0] : f32 from vector<1x1xf32>
    %slice3A_147 = vector.extract_strided_slice %get3A_41 {offsets = [2, 6], sizes = [1, 1], strides = [1, 1]} : vector<24x128xf32> to vector<1x1xf32>
    %squeeze3A_148 = vector.extract %slice3A_147[0, 0] : f32 from vector<1x1xf32>
    %sub3A_149 = vector.broadcast %squeeze3A_136 : f32 to vector<256x256xf32>
    %sub3A_150 = arith.subf %mul3A_29, %sub3A_149 : vector<256x256xf32>
    %sub3A_151 = vector.broadcast %squeeze3A_138 : f32 to vector<256x256xf32>
    %sub3A_152 = arith.subf %mul3A_36, %sub3A_151 : vector<256x256xf32>
    %cos3A_153 = math.cos %squeeze3A_148 : f32
    %sin3A_154 = math.sin %squeeze3A_148 : f32
    %mul3A_155 = vector.broadcast %cos3A_153 : f32 to vector<256x256xf32>
    %mul3A_156 = arith.mulf %sub3A_150, %mul3A_155 : vector<256x256xf32>
    %mul3A_157 = vector.broadcast %sin3A_154 : f32 to vector<256x256xf32>
    %mul3A_158 = arith.mulf %sub3A_152, %mul3A_157 : vector<256x256xf32>
    %add3A_159 = arith.addf %mul3A_156, %mul3A_158 : vector<256x256xf32>
    %mul3A_160 = vector.broadcast %cos3A_153 : f32 to vector<256x256xf32>
    %mul3A_161 = arith.mulf %sub3A_152, %mul3A_160 : vector<256x256xf32>
    %mul3A_162 = vector.broadcast %sin3A_154 : f32 to vector<256x256xf32>
    %mul3A_163 = arith.mulf %sub3A_150, %mul3A_162 : vector<256x256xf32>
    %sub3A_164 = arith.subf %mul3A_161, %mul3A_163 : vector<256x256xf32>
    %sub3A_165 = arith.constant 8.000000e-01 : f32
    %sub3A_166 = arith.subf %sub3A_165, %squeeze3A_140 : f32
    %abs3A_167 = math.absf %sub3A_166 : f32
    %mul3A_168 = arith.constant 5.000000e-01 : f32
    %mul3A_169 = arith.mulf %squeeze3A_146, %mul3A_168 : f32
    %le3A_170 = arith.cmpf ole, %abs3A_167, %mul3A_169 : f32
    %abs3A_171 = math.absf %add3A_159 : vector<256x256xf32>
    %mul3A_172 = arith.constant 5.000000e-01 : f32
    %mul3A_173 = arith.mulf %squeeze3A_142, %mul3A_172 : f32
    %le3A_174 = vector.broadcast %mul3A_173 : f32 to vector<256x256xf32>
    %le3A_175 = arith.cmpf ole, %abs3A_171, %le3A_174 : vector<256x256xf32>
    %abs3A_176 = math.absf %sub3A_164 : vector<256x256xf32>
    %mul3A_177 = arith.constant 5.000000e-01 : f32
    %mul3A_178 = arith.mulf %squeeze3A_144, %mul3A_177 : f32
    %le3A_179 = vector.broadcast %mul3A_178 : f32 to vector<256x256xf32>
    %le3A_180 = arith.cmpf ole, %abs3A_176, %le3A_179 : vector<256x256xf32>
    %and3A_181 = arith.andi %le3A_175, %le3A_180 : vector<256x256xi1>
    %and3A_182 = vector.broadcast %le3A_170 : i1 to vector<256x256xi1>
    %and3A_183 = arith.andi %and3A_181, %and3A_182 : vector<256x256xi1>
    %or3A_184 = arith.ori %or3A_134, %and3A_183 : vector<256x256xi1>
    %slice3A_185 = vector.extract_strided_slice %get3A_41 {offsets = [3, 0], sizes = [1, 1], strides = [1, 1]} : vector<24x128xf32> to vector<1x1xf32>
    %squeeze3A_186 = vector.extract %slice3A_185[0, 0] : f32 from vector<1x1xf32>
    %slice3A_187 = vector.extract_strided_slice %get3A_41 {offsets = [3, 1], sizes = [1, 1], strides = [1, 1]} : vector<24x128xf32> to vector<1x1xf32>
    %squeeze3A_188 = vector.extract %slice3A_187[0, 0] : f32 from vector<1x1xf32>
    %slice3A_189 = vector.extract_strided_slice %get3A_41 {offsets = [3, 2], sizes = [1, 1], strides = [1, 1]} : vector<24x128xf32> to vector<1x1xf32>
    %squeeze3A_190 = vector.extract %slice3A_189[0, 0] : f32 from vector<1x1xf32>
    %slice3A_191 = vector.extract_strided_slice %get3A_41 {offsets = [3, 3], sizes = [1, 1], strides = [1, 1]} : vector<24x128xf32> to vector<1x1xf32>
    %squeeze3A_192 = vector.extract %slice3A_191[0, 0] : f32 from vector<1x1xf32>
    %slice3A_193 = vector.extract_strided_slice %get3A_41 {offsets = [3, 4], sizes = [1, 1], strides = [1, 1]} : vector<24x128xf32> to vector<1x1xf32>
    %squeeze3A_194 = vector.extract %slice3A_193[0, 0] : f32 from vector<1x1xf32>
    %slice3A_195 = vector.extract_strided_slice %get3A_41 {offsets = [3, 5], sizes = [1, 1], strides = [1, 1]} : vector<24x128xf32> to vector<1x1xf32>
    %squeeze3A_196 = vector.extract %slice3A_195[0, 0] : f32 from vector<1x1xf32>
    %slice3A_197 = vector.extract_strided_slice %get3A_41 {offsets = [3, 6], sizes = [1, 1], strides = [1, 1]} : vector<24x128xf32> to vector<1x1xf32>
    %squeeze3A_198 = vector.extract %slice3A_197[0, 0] : f32 from vector<1x1xf32>
    %sub3A_199 = vector.broadcast %squeeze3A_186 : f32 to vector<256x256xf32>
    %sub3A_200 = arith.subf %mul3A_29, %sub3A_199 : vector<256x256xf32>
    %sub3A_201 = vector.broadcast %squeeze3A_188 : f32 to vector<256x256xf32>
    %sub3A_202 = arith.subf %mul3A_36, %sub3A_201 : vector<256x256xf32>
    %cos3A_203 = math.cos %squeeze3A_198 : f32
    %sin3A_204 = math.sin %squeeze3A_198 : f32
    %mul3A_205 = vector.broadcast %cos3A_203 : f32 to vector<256x256xf32>
    %mul3A_206 = arith.mulf %sub3A_200, %mul3A_205 : vector<256x256xf32>
    %mul3A_207 = vector.broadcast %sin3A_204 : f32 to vector<256x256xf32>
    %mul3A_208 = arith.mulf %sub3A_202, %mul3A_207 : vector<256x256xf32>
    %add3A_209 = arith.addf %mul3A_206, %mul3A_208 : vector<256x256xf32>
    %mul3A_210 = vector.broadcast %cos3A_203 : f32 to vector<256x256xf32>
    %mul3A_211 = arith.mulf %sub3A_202, %mul3A_210 : vector<256x256xf32>
    %mul3A_212 = vector.broadcast %sin3A_204 : f32 to vector<256x256xf32>
    %mul3A_213 = arith.mulf %sub3A_200, %mul3A_212 : vector<256x256xf32>
    %sub3A_214 = arith.subf %mul3A_211, %mul3A_213 : vector<256x256xf32>
    %sub3A_215 = arith.constant 8.000000e-01 : f32
    %sub3A_216 = arith.subf %sub3A_215, %squeeze3A_190 : f32
    %abs3A_217 = math.absf %sub3A_216 : f32
    %mul3A_218 = arith.constant 5.000000e-01 : f32
    %mul3A_219 = arith.mulf %squeeze3A_196, %mul3A_218 : f32
    %le3A_220 = arith.cmpf ole, %abs3A_217, %mul3A_219 : f32
    %abs3A_221 = math.absf %add3A_209 : vector<256x256xf32>
    %mul3A_222 = arith.constant 5.000000e-01 : f32
    %mul3A_223 = arith.mulf %squeeze3A_192, %mul3A_222 : f32
    %le3A_224 = vector.broadcast %mul3A_223 : f32 to vector<256x256xf32>
    %le3A_225 = arith.cmpf ole, %abs3A_221, %le3A_224 : vector<256x256xf32>
    %abs3A_226 = math.absf %sub3A_214 : vector<256x256xf32>
    %mul3A_227 = arith.constant 5.000000e-01 : f32
    %mul3A_228 = arith.mulf %squeeze3A_194, %mul3A_227 : f32
    %le3A_229 = vector.broadcast %mul3A_228 : f32 to vector<256x256xf32>
    %le3A_230 = arith.cmpf ole, %abs3A_226, %le3A_229 : vector<256x256xf32>
    %and3A_231 = arith.andi %le3A_225, %le3A_230 : vector<256x256xi1>
    %and3A_232 = vector.broadcast %le3A_220 : i1 to vector<256x256xi1>
    %and3A_233 = arith.andi %and3A_231, %and3A_232 : vector<256x256xi1>
    %or3A_234 = arith.ori %or3A_184, %and3A_233 : vector<256x256xi1>
    %slice3A_235 = vector.extract_strided_slice %get3A_41 {offsets = [4, 0], sizes = [1, 1], strides = [1, 1]} : vector<24x128xf32> to vector<1x1xf32>
    %squeeze3A_236 = vector.extract %slice3A_235[0, 0] : f32 from vector<1x1xf32>
    %slice3A_237 = vector.extract_strided_slice %get3A_41 {offsets = [4, 1], sizes = [1, 1], strides = [1, 1]} : vector<24x128xf32> to vector<1x1xf32>
    %squeeze3A_238 = vector.extract %slice3A_237[0, 0] : f32 from vector<1x1xf32>
    %slice3A_239 = vector.extract_strided_slice %get3A_41 {offsets = [4, 2], sizes = [1, 1], strides = [1, 1]} : vector<24x128xf32> to vector<1x1xf32>
    %squeeze3A_240 = vector.extract %slice3A_239[0, 0] : f32 from vector<1x1xf32>
    %slice3A_241 = vector.extract_strided_slice %get3A_41 {offsets = [4, 3], sizes = [1, 1], strides = [1, 1]} : vector<24x128xf32> to vector<1x1xf32>
    %squeeze3A_242 = vector.extract %slice3A_241[0, 0] : f32 from vector<1x1xf32>
    %slice3A_243 = vector.extract_strided_slice %get3A_41 {offsets = [4, 4], sizes = [1, 1], strides = [1, 1]} : vector<24x128xf32> to vector<1x1xf32>
    %squeeze3A_244 = vector.extract %slice3A_243[0, 0] : f32 from vector<1x1xf32>
    %slice3A_245 = vector.extract_strided_slice %get3A_41 {offsets = [4, 5], sizes = [1, 1], strides = [1, 1]} : vector<24x128xf32> to vector<1x1xf32>
    %squeeze3A_246 = vector.extract %slice3A_245[0, 0] : f32 from vector<1x1xf32>
    %slice3A_247 = vector.extract_strided_slice %get3A_41 {offsets = [4, 6], sizes = [1, 1], strides = [1, 1]} : vector<24x128xf32> to vector<1x1xf32>
    %squeeze3A_248 = vector.extract %slice3A_247[0, 0] : f32 from vector<1x1xf32>
    %sub3A_249 = vector.broadcast %squeeze3A_236 : f32 to vector<256x256xf32>
    %sub3A_250 = arith.subf %mul3A_29, %sub3A_249 : vector<256x256xf32>
    %sub3A_251 = vector.broadcast %squeeze3A_238 : f32 to vector<256x256xf32>
    %sub3A_252 = arith.subf %mul3A_36, %sub3A_251 : vector<256x256xf32>
    %cos3A_253 = math.cos %squeeze3A_248 : f32
    %sin3A_254 = math.sin %squeeze3A_248 : f32
    %mul3A_255 = vector.broadcast %cos3A_253 : f32 to vector<256x256xf32>
    %mul3A_256 = arith.mulf %sub3A_250, %mul3A_255 : vector<256x256xf32>
    %mul3A_257 = vector.broadcast %sin3A_254 : f32 to vector<256x256xf32>
    %mul3A_258 = arith.mulf %sub3A_252, %mul3A_257 : vector<256x256xf32>
    %add3A_259 = arith.addf %mul3A_256, %mul3A_258 : vector<256x256xf32>
    %mul3A_260 = vector.broadcast %cos3A_253 : f32 to vector<256x256xf32>
    %mul3A_261 = arith.mulf %sub3A_252, %mul3A_260 : vector<256x256xf32>
    %mul3A_262 = vector.broadcast %sin3A_254 : f32 to vector<256x256xf32>
    %mul3A_263 = arith.mulf %sub3A_250, %mul3A_262 : vector<256x256xf32>
    %sub3A_264 = arith.subf %mul3A_261, %mul3A_263 : vector<256x256xf32>
    %sub3A_265 = arith.constant 8.000000e-01 : f32
    %sub3A_266 = arith.subf %sub3A_265, %squeeze3A_240 : f32
    %abs3A_267 = math.absf %sub3A_266 : f32
    %mul3A_268 = arith.constant 5.000000e-01 : f32
    %mul3A_269 = arith.mulf %squeeze3A_246, %mul3A_268 : f32
    %le3A_270 = arith.cmpf ole, %abs3A_267, %mul3A_269 : f32
    %abs3A_271 = math.absf %add3A_259 : vector<256x256xf32>
    %mul3A_272 = arith.constant 5.000000e-01 : f32
    %mul3A_273 = arith.mulf %squeeze3A_242, %mul3A_272 : f32
    %le3A_274 = vector.broadcast %mul3A_273 : f32 to vector<256x256xf32>
    %le3A_275 = arith.cmpf ole, %abs3A_271, %le3A_274 : vector<256x256xf32>
    %abs3A_276 = math.absf %sub3A_264 : vector<256x256xf32>
    %mul3A_277 = arith.constant 5.000000e-01 : f32
    %mul3A_278 = arith.mulf %squeeze3A_244, %mul3A_277 : f32
    %le3A_279 = vector.broadcast %mul3A_278 : f32 to vector<256x256xf32>
    %le3A_280 = arith.cmpf ole, %abs3A_276, %le3A_279 : vector<256x256xf32>
    %and3A_281 = arith.andi %le3A_275, %le3A_280 : vector<256x256xi1>
    %and3A_282 = vector.broadcast %le3A_270 : i1 to vector<256x256xi1>
    %and3A_283 = arith.andi %and3A_281, %and3A_282 : vector<256x256xi1>
    %or3A_284 = arith.ori %or3A_234, %and3A_283 : vector<256x256xi1>
    %slice3A_285 = vector.extract_strided_slice %get3A_41 {offsets = [5, 0], sizes = [1, 1], strides = [1, 1]} : vector<24x128xf32> to vector<1x1xf32>
    %squeeze3A_286 = vector.extract %slice3A_285[0, 0] : f32 from vector<1x1xf32>
    %slice3A_287 = vector.extract_strided_slice %get3A_41 {offsets = [5, 1], sizes = [1, 1], strides = [1, 1]} : vector<24x128xf32> to vector<1x1xf32>
    %squeeze3A_288 = vector.extract %slice3A_287[0, 0] : f32 from vector<1x1xf32>
    %slice3A_289 = vector.extract_strided_slice %get3A_41 {offsets = [5, 2], sizes = [1, 1], strides = [1, 1]} : vector<24x128xf32> to vector<1x1xf32>
    %squeeze3A_290 = vector.extract %slice3A_289[0, 0] : f32 from vector<1x1xf32>
    %slice3A_291 = vector.extract_strided_slice %get3A_41 {offsets = [5, 3], sizes = [1, 1], strides = [1, 1]} : vector<24x128xf32> to vector<1x1xf32>
    %squeeze3A_292 = vector.extract %slice3A_291[0, 0] : f32 from vector<1x1xf32>
    %slice3A_293 = vector.extract_strided_slice %get3A_41 {offsets = [5, 4], sizes = [1, 1], strides = [1, 1]} : vector<24x128xf32> to vector<1x1xf32>
    %squeeze3A_294 = vector.extract %slice3A_293[0, 0] : f32 from vector<1x1xf32>
    %slice3A_295 = vector.extract_strided_slice %get3A_41 {offsets = [5, 5], sizes = [1, 1], strides = [1, 1]} : vector<24x128xf32> to vector<1x1xf32>
    %squeeze3A_296 = vector.extract %slice3A_295[0, 0] : f32 from vector<1x1xf32>
    %slice3A_297 = vector.extract_strided_slice %get3A_41 {offsets = [5, 6], sizes = [1, 1], strides = [1, 1]} : vector<24x128xf32> to vector<1x1xf32>
    %squeeze3A_298 = vector.extract %slice3A_297[0, 0] : f32 from vector<1x1xf32>
    %sub3A_299 = vector.broadcast %squeeze3A_286 : f32 to vector<256x256xf32>
    %sub3A_300 = arith.subf %mul3A_29, %sub3A_299 : vector<256x256xf32>
    %sub3A_301 = vector.broadcast %squeeze3A_288 : f32 to vector<256x256xf32>
    %sub3A_302 = arith.subf %mul3A_36, %sub3A_301 : vector<256x256xf32>
    %cos3A_303 = math.cos %squeeze3A_298 : f32
    %sin3A_304 = math.sin %squeeze3A_298 : f32
    %mul3A_305 = vector.broadcast %cos3A_303 : f32 to vector<256x256xf32>
    %mul3A_306 = arith.mulf %sub3A_300, %mul3A_305 : vector<256x256xf32>
    %mul3A_307 = vector.broadcast %sin3A_304 : f32 to vector<256x256xf32>
    %mul3A_308 = arith.mulf %sub3A_302, %mul3A_307 : vector<256x256xf32>
    %add3A_309 = arith.addf %mul3A_306, %mul3A_308 : vector<256x256xf32>
    %mul3A_310 = vector.broadcast %cos3A_303 : f32 to vector<256x256xf32>
    %mul3A_311 = arith.mulf %sub3A_302, %mul3A_310 : vector<256x256xf32>
    %mul3A_312 = vector.broadcast %sin3A_304 : f32 to vector<256x256xf32>
    %mul3A_313 = arith.mulf %sub3A_300, %mul3A_312 : vector<256x256xf32>
    %sub3A_314 = arith.subf %mul3A_311, %mul3A_313 : vector<256x256xf32>
    %sub3A_315 = arith.constant 8.000000e-01 : f32
    %sub3A_316 = arith.subf %sub3A_315, %squeeze3A_290 : f32
    %abs3A_317 = math.absf %sub3A_316 : f32
    %mul3A_318 = arith.constant 5.000000e-01 : f32
    %mul3A_319 = arith.mulf %squeeze3A_296, %mul3A_318 : f32
    %le3A_320 = arith.cmpf ole, %abs3A_317, %mul3A_319 : f32
    %abs3A_321 = math.absf %add3A_309 : vector<256x256xf32>
    %mul3A_322 = arith.constant 5.000000e-01 : f32
    %mul3A_323 = arith.mulf %squeeze3A_292, %mul3A_322 : f32
    %le3A_324 = vector.broadcast %mul3A_323 : f32 to vector<256x256xf32>
    %le3A_325 = arith.cmpf ole, %abs3A_321, %le3A_324 : vector<256x256xf32>
    %abs3A_326 = math.absf %sub3A_314 : vector<256x256xf32>
    %mul3A_327 = arith.constant 5.000000e-01 : f32
    %mul3A_328 = arith.mulf %squeeze3A_294, %mul3A_327 : f32
    %le3A_329 = vector.broadcast %mul3A_328 : f32 to vector<256x256xf32>
    %le3A_330 = arith.cmpf ole, %abs3A_326, %le3A_329 : vector<256x256xf32>
    %and3A_331 = arith.andi %le3A_325, %le3A_330 : vector<256x256xi1>
    %and3A_332 = vector.broadcast %le3A_320 : i1 to vector<256x256xi1>
    %and3A_333 = arith.andi %and3A_331, %and3A_332 : vector<256x256xi1>
    %or3A_334 = arith.ori %or3A_284, %and3A_333 : vector<256x256xi1>
    %slice3A_335 = vector.extract_strided_slice %get3A_41 {offsets = [6, 0], sizes = [1, 1], strides = [1, 1]} : vector<24x128xf32> to vector<1x1xf32>
    %squeeze3A_336 = vector.extract %slice3A_335[0, 0] : f32 from vector<1x1xf32>
    %slice3A_337 = vector.extract_strided_slice %get3A_41 {offsets = [6, 1], sizes = [1, 1], strides = [1, 1]} : vector<24x128xf32> to vector<1x1xf32>
    %squeeze3A_338 = vector.extract %slice3A_337[0, 0] : f32 from vector<1x1xf32>
    %slice3A_339 = vector.extract_strided_slice %get3A_41 {offsets = [6, 2], sizes = [1, 1], strides = [1, 1]} : vector<24x128xf32> to vector<1x1xf32>
    %squeeze3A_340 = vector.extract %slice3A_339[0, 0] : f32 from vector<1x1xf32>
    %slice3A_341 = vector.extract_strided_slice %get3A_41 {offsets = [6, 3], sizes = [1, 1], strides = [1, 1]} : vector<24x128xf32> to vector<1x1xf32>
    %squeeze3A_342 = vector.extract %slice3A_341[0, 0] : f32 from vector<1x1xf32>
    %slice3A_343 = vector.extract_strided_slice %get3A_41 {offsets = [6, 4], sizes = [1, 1], strides = [1, 1]} : vector<24x128xf32> to vector<1x1xf32>
    %squeeze3A_344 = vector.extract %slice3A_343[0, 0] : f32 from vector<1x1xf32>
    %slice3A_345 = vector.extract_strided_slice %get3A_41 {offsets = [6, 5], sizes = [1, 1], strides = [1, 1]} : vector<24x128xf32> to vector<1x1xf32>
    %squeeze3A_346 = vector.extract %slice3A_345[0, 0] : f32 from vector<1x1xf32>
    %slice3A_347 = vector.extract_strided_slice %get3A_41 {offsets = [6, 6], sizes = [1, 1], strides = [1, 1]} : vector<24x128xf32> to vector<1x1xf32>
    %squeeze3A_348 = vector.extract %slice3A_347[0, 0] : f32 from vector<1x1xf32>
    %sub3A_349 = vector.broadcast %squeeze3A_336 : f32 to vector<256x256xf32>
    %sub3A_350 = arith.subf %mul3A_29, %sub3A_349 : vector<256x256xf32>
    %sub3A_351 = vector.broadcast %squeeze3A_338 : f32 to vector<256x256xf32>
    %sub3A_352 = arith.subf %mul3A_36, %sub3A_351 : vector<256x256xf32>
    %cos3A_353 = math.cos %squeeze3A_348 : f32
    %sin3A_354 = math.sin %squeeze3A_348 : f32
    %mul3A_355 = vector.broadcast %cos3A_353 : f32 to vector<256x256xf32>
    %mul3A_356 = arith.mulf %sub3A_350, %mul3A_355 : vector<256x256xf32>
    %mul3A_357 = vector.broadcast %sin3A_354 : f32 to vector<256x256xf32>
    %mul3A_358 = arith.mulf %sub3A_352, %mul3A_357 : vector<256x256xf32>
    %add3A_359 = arith.addf %mul3A_356, %mul3A_358 : vector<256x256xf32>
    %mul3A_360 = vector.broadcast %cos3A_353 : f32 to vector<256x256xf32>
    %mul3A_361 = arith.mulf %sub3A_352, %mul3A_360 : vector<256x256xf32>
    %mul3A_362 = vector.broadcast %sin3A_354 : f32 to vector<256x256xf32>
    %mul3A_363 = arith.mulf %sub3A_350, %mul3A_362 : vector<256x256xf32>
    %sub3A_364 = arith.subf %mul3A_361, %mul3A_363 : vector<256x256xf32>
    %sub3A_365 = arith.constant 8.000000e-01 : f32
    %sub3A_366 = arith.subf %sub3A_365, %squeeze3A_340 : f32
    %abs3A_367 = math.absf %sub3A_366 : f32
    %mul3A_368 = arith.constant 5.000000e-01 : f32
    %mul3A_369 = arith.mulf %squeeze3A_346, %mul3A_368 : f32
    %le3A_370 = arith.cmpf ole, %abs3A_367, %mul3A_369 : f32
    %abs3A_371 = math.absf %add3A_359 : vector<256x256xf32>
    %mul3A_372 = arith.constant 5.000000e-01 : f32
    %mul3A_373 = arith.mulf %squeeze3A_342, %mul3A_372 : f32
    %le3A_374 = vector.broadcast %mul3A_373 : f32 to vector<256x256xf32>
    %le3A_375 = arith.cmpf ole, %abs3A_371, %le3A_374 : vector<256x256xf32>
    %abs3A_376 = math.absf %sub3A_364 : vector<256x256xf32>
    %mul3A_377 = arith.constant 5.000000e-01 : f32
    %mul3A_378 = arith.mulf %squeeze3A_344, %mul3A_377 : f32
    %le3A_379 = vector.broadcast %mul3A_378 : f32 to vector<256x256xf32>
    %le3A_380 = arith.cmpf ole, %abs3A_376, %le3A_379 : vector<256x256xf32>
    %and3A_381 = arith.andi %le3A_375, %le3A_380 : vector<256x256xi1>
    %and3A_382 = vector.broadcast %le3A_370 : i1 to vector<256x256xi1>
    %and3A_383 = arith.andi %and3A_381, %and3A_382 : vector<256x256xi1>
    %or3A_384 = arith.ori %or3A_334, %and3A_383 : vector<256x256xi1>
    %slice3A_385 = vector.extract_strided_slice %get3A_41 {offsets = [7, 0], sizes = [1, 1], strides = [1, 1]} : vector<24x128xf32> to vector<1x1xf32>
    %squeeze3A_386 = vector.extract %slice3A_385[0, 0] : f32 from vector<1x1xf32>
    %slice3A_387 = vector.extract_strided_slice %get3A_41 {offsets = [7, 1], sizes = [1, 1], strides = [1, 1]} : vector<24x128xf32> to vector<1x1xf32>
    %squeeze3A_388 = vector.extract %slice3A_387[0, 0] : f32 from vector<1x1xf32>
    %slice3A_389 = vector.extract_strided_slice %get3A_41 {offsets = [7, 2], sizes = [1, 1], strides = [1, 1]} : vector<24x128xf32> to vector<1x1xf32>
    %squeeze3A_390 = vector.extract %slice3A_389[0, 0] : f32 from vector<1x1xf32>
    %slice3A_391 = vector.extract_strided_slice %get3A_41 {offsets = [7, 3], sizes = [1, 1], strides = [1, 1]} : vector<24x128xf32> to vector<1x1xf32>
    %squeeze3A_392 = vector.extract %slice3A_391[0, 0] : f32 from vector<1x1xf32>
    %slice3A_393 = vector.extract_strided_slice %get3A_41 {offsets = [7, 4], sizes = [1, 1], strides = [1, 1]} : vector<24x128xf32> to vector<1x1xf32>
    %squeeze3A_394 = vector.extract %slice3A_393[0, 0] : f32 from vector<1x1xf32>
    %slice3A_395 = vector.extract_strided_slice %get3A_41 {offsets = [7, 5], sizes = [1, 1], strides = [1, 1]} : vector<24x128xf32> to vector<1x1xf32>
    %squeeze3A_396 = vector.extract %slice3A_395[0, 0] : f32 from vector<1x1xf32>
    %slice3A_397 = vector.extract_strided_slice %get3A_41 {offsets = [7, 6], sizes = [1, 1], strides = [1, 1]} : vector<24x128xf32> to vector<1x1xf32>
    %squeeze3A_398 = vector.extract %slice3A_397[0, 0] : f32 from vector<1x1xf32>
    %sub3A_399 = vector.broadcast %squeeze3A_386 : f32 to vector<256x256xf32>
    %sub3A_400 = arith.subf %mul3A_29, %sub3A_399 : vector<256x256xf32>
    %sub3A_401 = vector.broadcast %squeeze3A_388 : f32 to vector<256x256xf32>
    %sub3A_402 = arith.subf %mul3A_36, %sub3A_401 : vector<256x256xf32>
    %cos3A_403 = math.cos %squeeze3A_398 : f32
    %sin3A_404 = math.sin %squeeze3A_398 : f32
    %mul3A_405 = vector.broadcast %cos3A_403 : f32 to vector<256x256xf32>
    %mul3A_406 = arith.mulf %sub3A_400, %mul3A_405 : vector<256x256xf32>
    %mul3A_407 = vector.broadcast %sin3A_404 : f32 to vector<256x256xf32>
    %mul3A_408 = arith.mulf %sub3A_402, %mul3A_407 : vector<256x256xf32>
    %add3A_409 = arith.addf %mul3A_406, %mul3A_408 : vector<256x256xf32>
    %mul3A_410 = vector.broadcast %cos3A_403 : f32 to vector<256x256xf32>
    %mul3A_411 = arith.mulf %sub3A_402, %mul3A_410 : vector<256x256xf32>
    %mul3A_412 = vector.broadcast %sin3A_404 : f32 to vector<256x256xf32>
    %mul3A_413 = arith.mulf %sub3A_400, %mul3A_412 : vector<256x256xf32>
    %sub3A_414 = arith.subf %mul3A_411, %mul3A_413 : vector<256x256xf32>
    %sub3A_415 = arith.constant 8.000000e-01 : f32
    %sub3A_416 = arith.subf %sub3A_415, %squeeze3A_390 : f32
    %abs3A_417 = math.absf %sub3A_416 : f32
    %mul3A_418 = arith.constant 5.000000e-01 : f32
    %mul3A_419 = arith.mulf %squeeze3A_396, %mul3A_418 : f32
    %le3A_420 = arith.cmpf ole, %abs3A_417, %mul3A_419 : f32
    %abs3A_421 = math.absf %add3A_409 : vector<256x256xf32>
    %mul3A_422 = arith.constant 5.000000e-01 : f32
    %mul3A_423 = arith.mulf %squeeze3A_392, %mul3A_422 : f32
    %le3A_424 = vector.broadcast %mul3A_423 : f32 to vector<256x256xf32>
    %le3A_425 = arith.cmpf ole, %abs3A_421, %le3A_424 : vector<256x256xf32>
    %abs3A_426 = math.absf %sub3A_414 : vector<256x256xf32>
    %mul3A_427 = arith.constant 5.000000e-01 : f32
    %mul3A_428 = arith.mulf %squeeze3A_394, %mul3A_427 : f32
    %le3A_429 = vector.broadcast %mul3A_428 : f32 to vector<256x256xf32>
    %le3A_430 = arith.cmpf ole, %abs3A_426, %le3A_429 : vector<256x256xf32>
    %and3A_431 = arith.andi %le3A_425, %le3A_430 : vector<256x256xi1>
    %and3A_432 = vector.broadcast %le3A_420 : i1 to vector<256x256xi1>
    %and3A_433 = arith.andi %and3A_431, %and3A_432 : vector<256x256xi1>
    %or3A_434 = arith.ori %or3A_384, %and3A_433 : vector<256x256xi1>
    %slice3A_435 = vector.extract_strided_slice %get3A_41 {offsets = [8, 0], sizes = [1, 1], strides = [1, 1]} : vector<24x128xf32> to vector<1x1xf32>
    %squeeze3A_436 = vector.extract %slice3A_435[0, 0] : f32 from vector<1x1xf32>
    %slice3A_437 = vector.extract_strided_slice %get3A_41 {offsets = [8, 1], sizes = [1, 1], strides = [1, 1]} : vector<24x128xf32> to vector<1x1xf32>
    %squeeze3A_438 = vector.extract %slice3A_437[0, 0] : f32 from vector<1x1xf32>
    %slice3A_439 = vector.extract_strided_slice %get3A_41 {offsets = [8, 2], sizes = [1, 1], strides = [1, 1]} : vector<24x128xf32> to vector<1x1xf32>
    %squeeze3A_440 = vector.extract %slice3A_439[0, 0] : f32 from vector<1x1xf32>
    %slice3A_441 = vector.extract_strided_slice %get3A_41 {offsets = [8, 3], sizes = [1, 1], strides = [1, 1]} : vector<24x128xf32> to vector<1x1xf32>
    %squeeze3A_442 = vector.extract %slice3A_441[0, 0] : f32 from vector<1x1xf32>
    %slice3A_443 = vector.extract_strided_slice %get3A_41 {offsets = [8, 4], sizes = [1, 1], strides = [1, 1]} : vector<24x128xf32> to vector<1x1xf32>
    %squeeze3A_444 = vector.extract %slice3A_443[0, 0] : f32 from vector<1x1xf32>
    %slice3A_445 = vector.extract_strided_slice %get3A_41 {offsets = [8, 5], sizes = [1, 1], strides = [1, 1]} : vector<24x128xf32> to vector<1x1xf32>
    %squeeze3A_446 = vector.extract %slice3A_445[0, 0] : f32 from vector<1x1xf32>
    %slice3A_447 = vector.extract_strided_slice %get3A_41 {offsets = [8, 6], sizes = [1, 1], strides = [1, 1]} : vector<24x128xf32> to vector<1x1xf32>
    %squeeze3A_448 = vector.extract %slice3A_447[0, 0] : f32 from vector<1x1xf32>
    %sub3A_449 = vector.broadcast %squeeze3A_436 : f32 to vector<256x256xf32>
    %sub3A_450 = arith.subf %mul3A_29, %sub3A_449 : vector<256x256xf32>
    %sub3A_451 = vector.broadcast %squeeze3A_438 : f32 to vector<256x256xf32>
    %sub3A_452 = arith.subf %mul3A_36, %sub3A_451 : vector<256x256xf32>
    %cos3A_453 = math.cos %squeeze3A_448 : f32
    %sin3A_454 = math.sin %squeeze3A_448 : f32
    %mul3A_455 = vector.broadcast %cos3A_453 : f32 to vector<256x256xf32>
    %mul3A_456 = arith.mulf %sub3A_450, %mul3A_455 : vector<256x256xf32>
    %mul3A_457 = vector.broadcast %sin3A_454 : f32 to vector<256x256xf32>
    %mul3A_458 = arith.mulf %sub3A_452, %mul3A_457 : vector<256x256xf32>
    %add3A_459 = arith.addf %mul3A_456, %mul3A_458 : vector<256x256xf32>
    %mul3A_460 = vector.broadcast %cos3A_453 : f32 to vector<256x256xf32>
    %mul3A_461 = arith.mulf %sub3A_452, %mul3A_460 : vector<256x256xf32>
    %mul3A_462 = vector.broadcast %sin3A_454 : f32 to vector<256x256xf32>
    %mul3A_463 = arith.mulf %sub3A_450, %mul3A_462 : vector<256x256xf32>
    %sub3A_464 = arith.subf %mul3A_461, %mul3A_463 : vector<256x256xf32>
    %sub3A_465 = arith.constant 8.000000e-01 : f32
    %sub3A_466 = arith.subf %sub3A_465, %squeeze3A_440 : f32
    %abs3A_467 = math.absf %sub3A_466 : f32
    %mul3A_468 = arith.constant 5.000000e-01 : f32
    %mul3A_469 = arith.mulf %squeeze3A_446, %mul3A_468 : f32
    %le3A_470 = arith.cmpf ole, %abs3A_467, %mul3A_469 : f32
    %abs3A_471 = math.absf %add3A_459 : vector<256x256xf32>
    %mul3A_472 = arith.constant 5.000000e-01 : f32
    %mul3A_473 = arith.mulf %squeeze3A_442, %mul3A_472 : f32
    %le3A_474 = vector.broadcast %mul3A_473 : f32 to vector<256x256xf32>
    %le3A_475 = arith.cmpf ole, %abs3A_471, %le3A_474 : vector<256x256xf32>
    %abs3A_476 = math.absf %sub3A_464 : vector<256x256xf32>
    %mul3A_477 = arith.constant 5.000000e-01 : f32
    %mul3A_478 = arith.mulf %squeeze3A_444, %mul3A_477 : f32
    %le3A_479 = vector.broadcast %mul3A_478 : f32 to vector<256x256xf32>
    %le3A_480 = arith.cmpf ole, %abs3A_476, %le3A_479 : vector<256x256xf32>
    %and3A_481 = arith.andi %le3A_475, %le3A_480 : vector<256x256xi1>
    %and3A_482 = vector.broadcast %le3A_470 : i1 to vector<256x256xi1>
    %and3A_483 = arith.andi %and3A_481, %and3A_482 : vector<256x256xi1>
    %or3A_484 = arith.ori %or3A_434, %and3A_483 : vector<256x256xi1>
    %slice3A_485 = vector.extract_strided_slice %get3A_41 {offsets = [9, 0], sizes = [1, 1], strides = [1, 1]} : vector<24x128xf32> to vector<1x1xf32>
    %squeeze3A_486 = vector.extract %slice3A_485[0, 0] : f32 from vector<1x1xf32>
    %slice3A_487 = vector.extract_strided_slice %get3A_41 {offsets = [9, 1], sizes = [1, 1], strides = [1, 1]} : vector<24x128xf32> to vector<1x1xf32>
    %squeeze3A_488 = vector.extract %slice3A_487[0, 0] : f32 from vector<1x1xf32>
    %slice3A_489 = vector.extract_strided_slice %get3A_41 {offsets = [9, 2], sizes = [1, 1], strides = [1, 1]} : vector<24x128xf32> to vector<1x1xf32>
    %squeeze3A_490 = vector.extract %slice3A_489[0, 0] : f32 from vector<1x1xf32>
    %slice3A_491 = vector.extract_strided_slice %get3A_41 {offsets = [9, 3], sizes = [1, 1], strides = [1, 1]} : vector<24x128xf32> to vector<1x1xf32>
    %squeeze3A_492 = vector.extract %slice3A_491[0, 0] : f32 from vector<1x1xf32>
    %slice3A_493 = vector.extract_strided_slice %get3A_41 {offsets = [9, 4], sizes = [1, 1], strides = [1, 1]} : vector<24x128xf32> to vector<1x1xf32>
    %squeeze3A_494 = vector.extract %slice3A_493[0, 0] : f32 from vector<1x1xf32>
    %slice3A_495 = vector.extract_strided_slice %get3A_41 {offsets = [9, 5], sizes = [1, 1], strides = [1, 1]} : vector<24x128xf32> to vector<1x1xf32>
    %squeeze3A_496 = vector.extract %slice3A_495[0, 0] : f32 from vector<1x1xf32>
    %slice3A_497 = vector.extract_strided_slice %get3A_41 {offsets = [9, 6], sizes = [1, 1], strides = [1, 1]} : vector<24x128xf32> to vector<1x1xf32>
    %squeeze3A_498 = vector.extract %slice3A_497[0, 0] : f32 from vector<1x1xf32>
    %sub3A_499 = vector.broadcast %squeeze3A_486 : f32 to vector<256x256xf32>
    %sub3A_500 = arith.subf %mul3A_29, %sub3A_499 : vector<256x256xf32>
    %sub3A_501 = vector.broadcast %squeeze3A_488 : f32 to vector<256x256xf32>
    %sub3A_502 = arith.subf %mul3A_36, %sub3A_501 : vector<256x256xf32>
    %cos3A_503 = math.cos %squeeze3A_498 : f32
    %sin3A_504 = math.sin %squeeze3A_498 : f32
    %mul3A_505 = vector.broadcast %cos3A_503 : f32 to vector<256x256xf32>
    %mul3A_506 = arith.mulf %sub3A_500, %mul3A_505 : vector<256x256xf32>
    %mul3A_507 = vector.broadcast %sin3A_504 : f32 to vector<256x256xf32>
    %mul3A_508 = arith.mulf %sub3A_502, %mul3A_507 : vector<256x256xf32>
    %add3A_509 = arith.addf %mul3A_506, %mul3A_508 : vector<256x256xf32>
    %mul3A_510 = vector.broadcast %cos3A_503 : f32 to vector<256x256xf32>
    %mul3A_511 = arith.mulf %sub3A_502, %mul3A_510 : vector<256x256xf32>
    %mul3A_512 = vector.broadcast %sin3A_504 : f32 to vector<256x256xf32>
    %mul3A_513 = arith.mulf %sub3A_500, %mul3A_512 : vector<256x256xf32>
    %sub3A_514 = arith.subf %mul3A_511, %mul3A_513 : vector<256x256xf32>
    %sub3A_515 = arith.constant 8.000000e-01 : f32
    %sub3A_516 = arith.subf %sub3A_515, %squeeze3A_490 : f32
    %abs3A_517 = math.absf %sub3A_516 : f32
    %mul3A_518 = arith.constant 5.000000e-01 : f32
    %mul3A_519 = arith.mulf %squeeze3A_496, %mul3A_518 : f32
    %le3A_520 = arith.cmpf ole, %abs3A_517, %mul3A_519 : f32
    %abs3A_521 = math.absf %add3A_509 : vector<256x256xf32>
    %mul3A_522 = arith.constant 5.000000e-01 : f32
    %mul3A_523 = arith.mulf %squeeze3A_492, %mul3A_522 : f32
    %le3A_524 = vector.broadcast %mul3A_523 : f32 to vector<256x256xf32>
    %le3A_525 = arith.cmpf ole, %abs3A_521, %le3A_524 : vector<256x256xf32>
    %abs3A_526 = math.absf %sub3A_514 : vector<256x256xf32>
    %mul3A_527 = arith.constant 5.000000e-01 : f32
    %mul3A_528 = arith.mulf %squeeze3A_494, %mul3A_527 : f32
    %le3A_529 = vector.broadcast %mul3A_528 : f32 to vector<256x256xf32>
    %le3A_530 = arith.cmpf ole, %abs3A_526, %le3A_529 : vector<256x256xf32>
    %and3A_531 = arith.andi %le3A_525, %le3A_530 : vector<256x256xi1>
    %and3A_532 = vector.broadcast %le3A_520 : i1 to vector<256x256xi1>
    %and3A_533 = arith.andi %and3A_531, %and3A_532 : vector<256x256xi1>
    %or3A_534 = arith.ori %or3A_484, %and3A_533 : vector<256x256xi1>
    %slice3A_535 = vector.extract_strided_slice %get3A_41 {offsets = [10, 0], sizes = [1, 1], strides = [1, 1]} : vector<24x128xf32> to vector<1x1xf32>
    %squeeze3A_536 = vector.extract %slice3A_535[0, 0] : f32 from vector<1x1xf32>
    %slice3A_537 = vector.extract_strided_slice %get3A_41 {offsets = [10, 1], sizes = [1, 1], strides = [1, 1]} : vector<24x128xf32> to vector<1x1xf32>
    %squeeze3A_538 = vector.extract %slice3A_537[0, 0] : f32 from vector<1x1xf32>
    %slice3A_539 = vector.extract_strided_slice %get3A_41 {offsets = [10, 2], sizes = [1, 1], strides = [1, 1]} : vector<24x128xf32> to vector<1x1xf32>
    %squeeze3A_540 = vector.extract %slice3A_539[0, 0] : f32 from vector<1x1xf32>
    %slice3A_541 = vector.extract_strided_slice %get3A_41 {offsets = [10, 3], sizes = [1, 1], strides = [1, 1]} : vector<24x128xf32> to vector<1x1xf32>
    %squeeze3A_542 = vector.extract %slice3A_541[0, 0] : f32 from vector<1x1xf32>
    %slice3A_543 = vector.extract_strided_slice %get3A_41 {offsets = [10, 4], sizes = [1, 1], strides = [1, 1]} : vector<24x128xf32> to vector<1x1xf32>
    %squeeze3A_544 = vector.extract %slice3A_543[0, 0] : f32 from vector<1x1xf32>
    %slice3A_545 = vector.extract_strided_slice %get3A_41 {offsets = [10, 5], sizes = [1, 1], strides = [1, 1]} : vector<24x128xf32> to vector<1x1xf32>
    %squeeze3A_546 = vector.extract %slice3A_545[0, 0] : f32 from vector<1x1xf32>
    %slice3A_547 = vector.extract_strided_slice %get3A_41 {offsets = [10, 6], sizes = [1, 1], strides = [1, 1]} : vector<24x128xf32> to vector<1x1xf32>
    %squeeze3A_548 = vector.extract %slice3A_547[0, 0] : f32 from vector<1x1xf32>
    %sub3A_549 = vector.broadcast %squeeze3A_536 : f32 to vector<256x256xf32>
    %sub3A_550 = arith.subf %mul3A_29, %sub3A_549 : vector<256x256xf32>
    %sub3A_551 = vector.broadcast %squeeze3A_538 : f32 to vector<256x256xf32>
    %sub3A_552 = arith.subf %mul3A_36, %sub3A_551 : vector<256x256xf32>
    %cos3A_553 = math.cos %squeeze3A_548 : f32
    %sin3A_554 = math.sin %squeeze3A_548 : f32
    %mul3A_555 = vector.broadcast %cos3A_553 : f32 to vector<256x256xf32>
    %mul3A_556 = arith.mulf %sub3A_550, %mul3A_555 : vector<256x256xf32>
    %mul3A_557 = vector.broadcast %sin3A_554 : f32 to vector<256x256xf32>
    %mul3A_558 = arith.mulf %sub3A_552, %mul3A_557 : vector<256x256xf32>
    %add3A_559 = arith.addf %mul3A_556, %mul3A_558 : vector<256x256xf32>
    %mul3A_560 = vector.broadcast %cos3A_553 : f32 to vector<256x256xf32>
    %mul3A_561 = arith.mulf %sub3A_552, %mul3A_560 : vector<256x256xf32>
    %mul3A_562 = vector.broadcast %sin3A_554 : f32 to vector<256x256xf32>
    %mul3A_563 = arith.mulf %sub3A_550, %mul3A_562 : vector<256x256xf32>
    %sub3A_564 = arith.subf %mul3A_561, %mul3A_563 : vector<256x256xf32>
    %sub3A_565 = arith.constant 8.000000e-01 : f32
    %sub3A_566 = arith.subf %sub3A_565, %squeeze3A_540 : f32
    %abs3A_567 = math.absf %sub3A_566 : f32
    %mul3A_568 = arith.constant 5.000000e-01 : f32
    %mul3A_569 = arith.mulf %squeeze3A_546, %mul3A_568 : f32
    %le3A_570 = arith.cmpf ole, %abs3A_567, %mul3A_569 : f32
    %abs3A_571 = math.absf %add3A_559 : vector<256x256xf32>
    %mul3A_572 = arith.constant 5.000000e-01 : f32
    %mul3A_573 = arith.mulf %squeeze3A_542, %mul3A_572 : f32
    %le3A_574 = vector.broadcast %mul3A_573 : f32 to vector<256x256xf32>
    %le3A_575 = arith.cmpf ole, %abs3A_571, %le3A_574 : vector<256x256xf32>
    %abs3A_576 = math.absf %sub3A_564 : vector<256x256xf32>
    %mul3A_577 = arith.constant 5.000000e-01 : f32
    %mul3A_578 = arith.mulf %squeeze3A_544, %mul3A_577 : f32
    %le3A_579 = vector.broadcast %mul3A_578 : f32 to vector<256x256xf32>
    %le3A_580 = arith.cmpf ole, %abs3A_576, %le3A_579 : vector<256x256xf32>
    %and3A_581 = arith.andi %le3A_575, %le3A_580 : vector<256x256xi1>
    %and3A_582 = vector.broadcast %le3A_570 : i1 to vector<256x256xi1>
    %and3A_583 = arith.andi %and3A_581, %and3A_582 : vector<256x256xi1>
    %or3A_584 = arith.ori %or3A_534, %and3A_583 : vector<256x256xi1>
    %slice3A_585 = vector.extract_strided_slice %get3A_41 {offsets = [11, 0], sizes = [1, 1], strides = [1, 1]} : vector<24x128xf32> to vector<1x1xf32>
    %squeeze3A_586 = vector.extract %slice3A_585[0, 0] : f32 from vector<1x1xf32>
    %slice3A_587 = vector.extract_strided_slice %get3A_41 {offsets = [11, 1], sizes = [1, 1], strides = [1, 1]} : vector<24x128xf32> to vector<1x1xf32>
    %squeeze3A_588 = vector.extract %slice3A_587[0, 0] : f32 from vector<1x1xf32>
    %slice3A_589 = vector.extract_strided_slice %get3A_41 {offsets = [11, 2], sizes = [1, 1], strides = [1, 1]} : vector<24x128xf32> to vector<1x1xf32>
    %squeeze3A_590 = vector.extract %slice3A_589[0, 0] : f32 from vector<1x1xf32>
    %slice3A_591 = vector.extract_strided_slice %get3A_41 {offsets = [11, 3], sizes = [1, 1], strides = [1, 1]} : vector<24x128xf32> to vector<1x1xf32>
    %squeeze3A_592 = vector.extract %slice3A_591[0, 0] : f32 from vector<1x1xf32>
    %slice3A_593 = vector.extract_strided_slice %get3A_41 {offsets = [11, 4], sizes = [1, 1], strides = [1, 1]} : vector<24x128xf32> to vector<1x1xf32>
    %squeeze3A_594 = vector.extract %slice3A_593[0, 0] : f32 from vector<1x1xf32>
    %slice3A_595 = vector.extract_strided_slice %get3A_41 {offsets = [11, 5], sizes = [1, 1], strides = [1, 1]} : vector<24x128xf32> to vector<1x1xf32>
    %squeeze3A_596 = vector.extract %slice3A_595[0, 0] : f32 from vector<1x1xf32>
    %slice3A_597 = vector.extract_strided_slice %get3A_41 {offsets = [11, 6], sizes = [1, 1], strides = [1, 1]} : vector<24x128xf32> to vector<1x1xf32>
    %squeeze3A_598 = vector.extract %slice3A_597[0, 0] : f32 from vector<1x1xf32>
    %sub3A_599 = vector.broadcast %squeeze3A_586 : f32 to vector<256x256xf32>
    %sub3A_600 = arith.subf %mul3A_29, %sub3A_599 : vector<256x256xf32>
    %sub3A_601 = vector.broadcast %squeeze3A_588 : f32 to vector<256x256xf32>
    %sub3A_602 = arith.subf %mul3A_36, %sub3A_601 : vector<256x256xf32>
    %cos3A_603 = math.cos %squeeze3A_598 : f32
    %sin3A_604 = math.sin %squeeze3A_598 : f32
    %mul3A_605 = vector.broadcast %cos3A_603 : f32 to vector<256x256xf32>
    %mul3A_606 = arith.mulf %sub3A_600, %mul3A_605 : vector<256x256xf32>
    %mul3A_607 = vector.broadcast %sin3A_604 : f32 to vector<256x256xf32>
    %mul3A_608 = arith.mulf %sub3A_602, %mul3A_607 : vector<256x256xf32>
    %add3A_609 = arith.addf %mul3A_606, %mul3A_608 : vector<256x256xf32>
    %mul3A_610 = vector.broadcast %cos3A_603 : f32 to vector<256x256xf32>
    %mul3A_611 = arith.mulf %sub3A_602, %mul3A_610 : vector<256x256xf32>
    %mul3A_612 = vector.broadcast %sin3A_604 : f32 to vector<256x256xf32>
    %mul3A_613 = arith.mulf %sub3A_600, %mul3A_612 : vector<256x256xf32>
    %sub3A_614 = arith.subf %mul3A_611, %mul3A_613 : vector<256x256xf32>
    %sub3A_615 = arith.constant 8.000000e-01 : f32
    %sub3A_616 = arith.subf %sub3A_615, %squeeze3A_590 : f32
    %abs3A_617 = math.absf %sub3A_616 : f32
    %mul3A_618 = arith.constant 5.000000e-01 : f32
    %mul3A_619 = arith.mulf %squeeze3A_596, %mul3A_618 : f32
    %le3A_620 = arith.cmpf ole, %abs3A_617, %mul3A_619 : f32
    %abs3A_621 = math.absf %add3A_609 : vector<256x256xf32>
    %mul3A_622 = arith.constant 5.000000e-01 : f32
    %mul3A_623 = arith.mulf %squeeze3A_592, %mul3A_622 : f32
    %le3A_624 = vector.broadcast %mul3A_623 : f32 to vector<256x256xf32>
    %le3A_625 = arith.cmpf ole, %abs3A_621, %le3A_624 : vector<256x256xf32>
    %abs3A_626 = math.absf %sub3A_614 : vector<256x256xf32>
    %mul3A_627 = arith.constant 5.000000e-01 : f32
    %mul3A_628 = arith.mulf %squeeze3A_594, %mul3A_627 : f32
    %le3A_629 = vector.broadcast %mul3A_628 : f32 to vector<256x256xf32>
    %le3A_630 = arith.cmpf ole, %abs3A_626, %le3A_629 : vector<256x256xf32>
    %and3A_631 = arith.andi %le3A_625, %le3A_630 : vector<256x256xi1>
    %and3A_632 = vector.broadcast %le3A_620 : i1 to vector<256x256xi1>
    %and3A_633 = arith.andi %and3A_631, %and3A_632 : vector<256x256xi1>
    %or3A_634 = arith.ori %or3A_584, %and3A_633 : vector<256x256xi1>
    %slice3A_635 = vector.extract_strided_slice %get3A_41 {offsets = [12, 0], sizes = [1, 1], strides = [1, 1]} : vector<24x128xf32> to vector<1x1xf32>
    %squeeze3A_636 = vector.extract %slice3A_635[0, 0] : f32 from vector<1x1xf32>
    %slice3A_637 = vector.extract_strided_slice %get3A_41 {offsets = [12, 1], sizes = [1, 1], strides = [1, 1]} : vector<24x128xf32> to vector<1x1xf32>
    %squeeze3A_638 = vector.extract %slice3A_637[0, 0] : f32 from vector<1x1xf32>
    %slice3A_639 = vector.extract_strided_slice %get3A_41 {offsets = [12, 2], sizes = [1, 1], strides = [1, 1]} : vector<24x128xf32> to vector<1x1xf32>
    %squeeze3A_640 = vector.extract %slice3A_639[0, 0] : f32 from vector<1x1xf32>
    %slice3A_641 = vector.extract_strided_slice %get3A_41 {offsets = [12, 3], sizes = [1, 1], strides = [1, 1]} : vector<24x128xf32> to vector<1x1xf32>
    %squeeze3A_642 = vector.extract %slice3A_641[0, 0] : f32 from vector<1x1xf32>
    %slice3A_643 = vector.extract_strided_slice %get3A_41 {offsets = [12, 4], sizes = [1, 1], strides = [1, 1]} : vector<24x128xf32> to vector<1x1xf32>
    %squeeze3A_644 = vector.extract %slice3A_643[0, 0] : f32 from vector<1x1xf32>
    %slice3A_645 = vector.extract_strided_slice %get3A_41 {offsets = [12, 5], sizes = [1, 1], strides = [1, 1]} : vector<24x128xf32> to vector<1x1xf32>
    %squeeze3A_646 = vector.extract %slice3A_645[0, 0] : f32 from vector<1x1xf32>
    %slice3A_647 = vector.extract_strided_slice %get3A_41 {offsets = [12, 6], sizes = [1, 1], strides = [1, 1]} : vector<24x128xf32> to vector<1x1xf32>
    %squeeze3A_648 = vector.extract %slice3A_647[0, 0] : f32 from vector<1x1xf32>
    %sub3A_649 = vector.broadcast %squeeze3A_636 : f32 to vector<256x256xf32>
    %sub3A_650 = arith.subf %mul3A_29, %sub3A_649 : vector<256x256xf32>
    %sub3A_651 = vector.broadcast %squeeze3A_638 : f32 to vector<256x256xf32>
    %sub3A_652 = arith.subf %mul3A_36, %sub3A_651 : vector<256x256xf32>
    %cos3A_653 = math.cos %squeeze3A_648 : f32
    %sin3A_654 = math.sin %squeeze3A_648 : f32
    %mul3A_655 = vector.broadcast %cos3A_653 : f32 to vector<256x256xf32>
    %mul3A_656 = arith.mulf %sub3A_650, %mul3A_655 : vector<256x256xf32>
    %mul3A_657 = vector.broadcast %sin3A_654 : f32 to vector<256x256xf32>
    %mul3A_658 = arith.mulf %sub3A_652, %mul3A_657 : vector<256x256xf32>
    %add3A_659 = arith.addf %mul3A_656, %mul3A_658 : vector<256x256xf32>
    %mul3A_660 = vector.broadcast %cos3A_653 : f32 to vector<256x256xf32>
    %mul3A_661 = arith.mulf %sub3A_652, %mul3A_660 : vector<256x256xf32>
    %mul3A_662 = vector.broadcast %sin3A_654 : f32 to vector<256x256xf32>
    %mul3A_663 = arith.mulf %sub3A_650, %mul3A_662 : vector<256x256xf32>
    %sub3A_664 = arith.subf %mul3A_661, %mul3A_663 : vector<256x256xf32>
    %sub3A_665 = arith.constant 8.000000e-01 : f32
    %sub3A_666 = arith.subf %sub3A_665, %squeeze3A_640 : f32
    %abs3A_667 = math.absf %sub3A_666 : f32
    %mul3A_668 = arith.constant 5.000000e-01 : f32
    %mul3A_669 = arith.mulf %squeeze3A_646, %mul3A_668 : f32
    %le3A_670 = arith.cmpf ole, %abs3A_667, %mul3A_669 : f32
    %abs3A_671 = math.absf %add3A_659 : vector<256x256xf32>
    %mul3A_672 = arith.constant 5.000000e-01 : f32
    %mul3A_673 = arith.mulf %squeeze3A_642, %mul3A_672 : f32
    %le3A_674 = vector.broadcast %mul3A_673 : f32 to vector<256x256xf32>
    %le3A_675 = arith.cmpf ole, %abs3A_671, %le3A_674 : vector<256x256xf32>
    %abs3A_676 = math.absf %sub3A_664 : vector<256x256xf32>
    %mul3A_677 = arith.constant 5.000000e-01 : f32
    %mul3A_678 = arith.mulf %squeeze3A_644, %mul3A_677 : f32
    %le3A_679 = vector.broadcast %mul3A_678 : f32 to vector<256x256xf32>
    %le3A_680 = arith.cmpf ole, %abs3A_676, %le3A_679 : vector<256x256xf32>
    %and3A_681 = arith.andi %le3A_675, %le3A_680 : vector<256x256xi1>
    %and3A_682 = vector.broadcast %le3A_670 : i1 to vector<256x256xi1>
    %and3A_683 = arith.andi %and3A_681, %and3A_682 : vector<256x256xi1>
    %or3A_684 = arith.ori %or3A_634, %and3A_683 : vector<256x256xi1>
    %slice3A_685 = vector.extract_strided_slice %get3A_41 {offsets = [13, 0], sizes = [1, 1], strides = [1, 1]} : vector<24x128xf32> to vector<1x1xf32>
    %squeeze3A_686 = vector.extract %slice3A_685[0, 0] : f32 from vector<1x1xf32>
    %slice3A_687 = vector.extract_strided_slice %get3A_41 {offsets = [13, 1], sizes = [1, 1], strides = [1, 1]} : vector<24x128xf32> to vector<1x1xf32>
    %squeeze3A_688 = vector.extract %slice3A_687[0, 0] : f32 from vector<1x1xf32>
    %slice3A_689 = vector.extract_strided_slice %get3A_41 {offsets = [13, 2], sizes = [1, 1], strides = [1, 1]} : vector<24x128xf32> to vector<1x1xf32>
    %squeeze3A_690 = vector.extract %slice3A_689[0, 0] : f32 from vector<1x1xf32>
    %slice3A_691 = vector.extract_strided_slice %get3A_41 {offsets = [13, 3], sizes = [1, 1], strides = [1, 1]} : vector<24x128xf32> to vector<1x1xf32>
    %squeeze3A_692 = vector.extract %slice3A_691[0, 0] : f32 from vector<1x1xf32>
    %slice3A_693 = vector.extract_strided_slice %get3A_41 {offsets = [13, 4], sizes = [1, 1], strides = [1, 1]} : vector<24x128xf32> to vector<1x1xf32>
    %squeeze3A_694 = vector.extract %slice3A_693[0, 0] : f32 from vector<1x1xf32>
    %slice3A_695 = vector.extract_strided_slice %get3A_41 {offsets = [13, 5], sizes = [1, 1], strides = [1, 1]} : vector<24x128xf32> to vector<1x1xf32>
    %squeeze3A_696 = vector.extract %slice3A_695[0, 0] : f32 from vector<1x1xf32>
    %slice3A_697 = vector.extract_strided_slice %get3A_41 {offsets = [13, 6], sizes = [1, 1], strides = [1, 1]} : vector<24x128xf32> to vector<1x1xf32>
    %squeeze3A_698 = vector.extract %slice3A_697[0, 0] : f32 from vector<1x1xf32>
    %sub3A_699 = vector.broadcast %squeeze3A_686 : f32 to vector<256x256xf32>
    %sub3A_700 = arith.subf %mul3A_29, %sub3A_699 : vector<256x256xf32>
    %sub3A_701 = vector.broadcast %squeeze3A_688 : f32 to vector<256x256xf32>
    %sub3A_702 = arith.subf %mul3A_36, %sub3A_701 : vector<256x256xf32>
    %cos3A_703 = math.cos %squeeze3A_698 : f32
    %sin3A_704 = math.sin %squeeze3A_698 : f32
    %mul3A_705 = vector.broadcast %cos3A_703 : f32 to vector<256x256xf32>
    %mul3A_706 = arith.mulf %sub3A_700, %mul3A_705 : vector<256x256xf32>
    %mul3A_707 = vector.broadcast %sin3A_704 : f32 to vector<256x256xf32>
    %mul3A_708 = arith.mulf %sub3A_702, %mul3A_707 : vector<256x256xf32>
    %add3A_709 = arith.addf %mul3A_706, %mul3A_708 : vector<256x256xf32>
    %mul3A_710 = vector.broadcast %cos3A_703 : f32 to vector<256x256xf32>
    %mul3A_711 = arith.mulf %sub3A_702, %mul3A_710 : vector<256x256xf32>
    %mul3A_712 = vector.broadcast %sin3A_704 : f32 to vector<256x256xf32>
    %mul3A_713 = arith.mulf %sub3A_700, %mul3A_712 : vector<256x256xf32>
    %sub3A_714 = arith.subf %mul3A_711, %mul3A_713 : vector<256x256xf32>
    %sub3A_715 = arith.constant 8.000000e-01 : f32
    %sub3A_716 = arith.subf %sub3A_715, %squeeze3A_690 : f32
    %abs3A_717 = math.absf %sub3A_716 : f32
    %mul3A_718 = arith.constant 5.000000e-01 : f32
    %mul3A_719 = arith.mulf %squeeze3A_696, %mul3A_718 : f32
    %le3A_720 = arith.cmpf ole, %abs3A_717, %mul3A_719 : f32
    %abs3A_721 = math.absf %add3A_709 : vector<256x256xf32>
    %mul3A_722 = arith.constant 5.000000e-01 : f32
    %mul3A_723 = arith.mulf %squeeze3A_692, %mul3A_722 : f32
    %le3A_724 = vector.broadcast %mul3A_723 : f32 to vector<256x256xf32>
    %le3A_725 = arith.cmpf ole, %abs3A_721, %le3A_724 : vector<256x256xf32>
    %abs3A_726 = math.absf %sub3A_714 : vector<256x256xf32>
    %mul3A_727 = arith.constant 5.000000e-01 : f32
    %mul3A_728 = arith.mulf %squeeze3A_694, %mul3A_727 : f32
    %le3A_729 = vector.broadcast %mul3A_728 : f32 to vector<256x256xf32>
    %le3A_730 = arith.cmpf ole, %abs3A_726, %le3A_729 : vector<256x256xf32>
    %and3A_731 = arith.andi %le3A_725, %le3A_730 : vector<256x256xi1>
    %and3A_732 = vector.broadcast %le3A_720 : i1 to vector<256x256xi1>
    %and3A_733 = arith.andi %and3A_731, %and3A_732 : vector<256x256xi1>
    %or3A_734 = arith.ori %or3A_684, %and3A_733 : vector<256x256xi1>
    %slice3A_735 = vector.extract_strided_slice %get3A_41 {offsets = [14, 0], sizes = [1, 1], strides = [1, 1]} : vector<24x128xf32> to vector<1x1xf32>
    %squeeze3A_736 = vector.extract %slice3A_735[0, 0] : f32 from vector<1x1xf32>
    %slice3A_737 = vector.extract_strided_slice %get3A_41 {offsets = [14, 1], sizes = [1, 1], strides = [1, 1]} : vector<24x128xf32> to vector<1x1xf32>
    %squeeze3A_738 = vector.extract %slice3A_737[0, 0] : f32 from vector<1x1xf32>
    %slice3A_739 = vector.extract_strided_slice %get3A_41 {offsets = [14, 2], sizes = [1, 1], strides = [1, 1]} : vector<24x128xf32> to vector<1x1xf32>
    %squeeze3A_740 = vector.extract %slice3A_739[0, 0] : f32 from vector<1x1xf32>
    %slice3A_741 = vector.extract_strided_slice %get3A_41 {offsets = [14, 3], sizes = [1, 1], strides = [1, 1]} : vector<24x128xf32> to vector<1x1xf32>
    %squeeze3A_742 = vector.extract %slice3A_741[0, 0] : f32 from vector<1x1xf32>
    %slice3A_743 = vector.extract_strided_slice %get3A_41 {offsets = [14, 4], sizes = [1, 1], strides = [1, 1]} : vector<24x128xf32> to vector<1x1xf32>
    %squeeze3A_744 = vector.extract %slice3A_743[0, 0] : f32 from vector<1x1xf32>
    %slice3A_745 = vector.extract_strided_slice %get3A_41 {offsets = [14, 5], sizes = [1, 1], strides = [1, 1]} : vector<24x128xf32> to vector<1x1xf32>
    %squeeze3A_746 = vector.extract %slice3A_745[0, 0] : f32 from vector<1x1xf32>
    %slice3A_747 = vector.extract_strided_slice %get3A_41 {offsets = [14, 6], sizes = [1, 1], strides = [1, 1]} : vector<24x128xf32> to vector<1x1xf32>
    %squeeze3A_748 = vector.extract %slice3A_747[0, 0] : f32 from vector<1x1xf32>
    %sub3A_749 = vector.broadcast %squeeze3A_736 : f32 to vector<256x256xf32>
    %sub3A_750 = arith.subf %mul3A_29, %sub3A_749 : vector<256x256xf32>
    %sub3A_751 = vector.broadcast %squeeze3A_738 : f32 to vector<256x256xf32>
    %sub3A_752 = arith.subf %mul3A_36, %sub3A_751 : vector<256x256xf32>
    %cos3A_753 = math.cos %squeeze3A_748 : f32
    %sin3A_754 = math.sin %squeeze3A_748 : f32
    %mul3A_755 = vector.broadcast %cos3A_753 : f32 to vector<256x256xf32>
    %mul3A_756 = arith.mulf %sub3A_750, %mul3A_755 : vector<256x256xf32>
    %mul3A_757 = vector.broadcast %sin3A_754 : f32 to vector<256x256xf32>
    %mul3A_758 = arith.mulf %sub3A_752, %mul3A_757 : vector<256x256xf32>
    %add3A_759 = arith.addf %mul3A_756, %mul3A_758 : vector<256x256xf32>
    %mul3A_760 = vector.broadcast %cos3A_753 : f32 to vector<256x256xf32>
    %mul3A_761 = arith.mulf %sub3A_752, %mul3A_760 : vector<256x256xf32>
    %mul3A_762 = vector.broadcast %sin3A_754 : f32 to vector<256x256xf32>
    %mul3A_763 = arith.mulf %sub3A_750, %mul3A_762 : vector<256x256xf32>
    %sub3A_764 = arith.subf %mul3A_761, %mul3A_763 : vector<256x256xf32>
    %sub3A_765 = arith.constant 8.000000e-01 : f32
    %sub3A_766 = arith.subf %sub3A_765, %squeeze3A_740 : f32
    %abs3A_767 = math.absf %sub3A_766 : f32
    %mul3A_768 = arith.constant 5.000000e-01 : f32
    %mul3A_769 = arith.mulf %squeeze3A_746, %mul3A_768 : f32
    %le3A_770 = arith.cmpf ole, %abs3A_767, %mul3A_769 : f32
    %abs3A_771 = math.absf %add3A_759 : vector<256x256xf32>
    %mul3A_772 = arith.constant 5.000000e-01 : f32
    %mul3A_773 = arith.mulf %squeeze3A_742, %mul3A_772 : f32
    %le3A_774 = vector.broadcast %mul3A_773 : f32 to vector<256x256xf32>
    %le3A_775 = arith.cmpf ole, %abs3A_771, %le3A_774 : vector<256x256xf32>
    %abs3A_776 = math.absf %sub3A_764 : vector<256x256xf32>
    %mul3A_777 = arith.constant 5.000000e-01 : f32
    %mul3A_778 = arith.mulf %squeeze3A_744, %mul3A_777 : f32
    %le3A_779 = vector.broadcast %mul3A_778 : f32 to vector<256x256xf32>
    %le3A_780 = arith.cmpf ole, %abs3A_776, %le3A_779 : vector<256x256xf32>
    %and3A_781 = arith.andi %le3A_775, %le3A_780 : vector<256x256xi1>
    %and3A_782 = vector.broadcast %le3A_770 : i1 to vector<256x256xi1>
    %and3A_783 = arith.andi %and3A_781, %and3A_782 : vector<256x256xi1>
    %or3A_784 = arith.ori %or3A_734, %and3A_783 : vector<256x256xi1>
    %slice3A_785 = vector.extract_strided_slice %get3A_41 {offsets = [15, 0], sizes = [1, 1], strides = [1, 1]} : vector<24x128xf32> to vector<1x1xf32>
    %squeeze3A_786 = vector.extract %slice3A_785[0, 0] : f32 from vector<1x1xf32>
    %slice3A_787 = vector.extract_strided_slice %get3A_41 {offsets = [15, 1], sizes = [1, 1], strides = [1, 1]} : vector<24x128xf32> to vector<1x1xf32>
    %squeeze3A_788 = vector.extract %slice3A_787[0, 0] : f32 from vector<1x1xf32>
    %slice3A_789 = vector.extract_strided_slice %get3A_41 {offsets = [15, 2], sizes = [1, 1], strides = [1, 1]} : vector<24x128xf32> to vector<1x1xf32>
    %squeeze3A_790 = vector.extract %slice3A_789[0, 0] : f32 from vector<1x1xf32>
    %slice3A_791 = vector.extract_strided_slice %get3A_41 {offsets = [15, 3], sizes = [1, 1], strides = [1, 1]} : vector<24x128xf32> to vector<1x1xf32>
    %squeeze3A_792 = vector.extract %slice3A_791[0, 0] : f32 from vector<1x1xf32>
    %slice3A_793 = vector.extract_strided_slice %get3A_41 {offsets = [15, 4], sizes = [1, 1], strides = [1, 1]} : vector<24x128xf32> to vector<1x1xf32>
    %squeeze3A_794 = vector.extract %slice3A_793[0, 0] : f32 from vector<1x1xf32>
    %slice3A_795 = vector.extract_strided_slice %get3A_41 {offsets = [15, 5], sizes = [1, 1], strides = [1, 1]} : vector<24x128xf32> to vector<1x1xf32>
    %squeeze3A_796 = vector.extract %slice3A_795[0, 0] : f32 from vector<1x1xf32>
    %slice3A_797 = vector.extract_strided_slice %get3A_41 {offsets = [15, 6], sizes = [1, 1], strides = [1, 1]} : vector<24x128xf32> to vector<1x1xf32>
    %squeeze3A_798 = vector.extract %slice3A_797[0, 0] : f32 from vector<1x1xf32>
    %sub3A_799 = vector.broadcast %squeeze3A_786 : f32 to vector<256x256xf32>
    %sub3A_800 = arith.subf %mul3A_29, %sub3A_799 : vector<256x256xf32>
    %sub3A_801 = vector.broadcast %squeeze3A_788 : f32 to vector<256x256xf32>
    %sub3A_802 = arith.subf %mul3A_36, %sub3A_801 : vector<256x256xf32>
    %cos3A_803 = math.cos %squeeze3A_798 : f32
    %sin3A_804 = math.sin %squeeze3A_798 : f32
    %mul3A_805 = vector.broadcast %cos3A_803 : f32 to vector<256x256xf32>
    %mul3A_806 = arith.mulf %sub3A_800, %mul3A_805 : vector<256x256xf32>
    %mul3A_807 = vector.broadcast %sin3A_804 : f32 to vector<256x256xf32>
    %mul3A_808 = arith.mulf %sub3A_802, %mul3A_807 : vector<256x256xf32>
    %add3A_809 = arith.addf %mul3A_806, %mul3A_808 : vector<256x256xf32>
    %mul3A_810 = vector.broadcast %cos3A_803 : f32 to vector<256x256xf32>
    %mul3A_811 = arith.mulf %sub3A_802, %mul3A_810 : vector<256x256xf32>
    %mul3A_812 = vector.broadcast %sin3A_804 : f32 to vector<256x256xf32>
    %mul3A_813 = arith.mulf %sub3A_800, %mul3A_812 : vector<256x256xf32>
    %sub3A_814 = arith.subf %mul3A_811, %mul3A_813 : vector<256x256xf32>
    %sub3A_815 = arith.constant 8.000000e-01 : f32
    %sub3A_816 = arith.subf %sub3A_815, %squeeze3A_790 : f32
    %abs3A_817 = math.absf %sub3A_816 : f32
    %mul3A_818 = arith.constant 5.000000e-01 : f32
    %mul3A_819 = arith.mulf %squeeze3A_796, %mul3A_818 : f32
    %le3A_820 = arith.cmpf ole, %abs3A_817, %mul3A_819 : f32
    %abs3A_821 = math.absf %add3A_809 : vector<256x256xf32>
    %mul3A_822 = arith.constant 5.000000e-01 : f32
    %mul3A_823 = arith.mulf %squeeze3A_792, %mul3A_822 : f32
    %le3A_824 = vector.broadcast %mul3A_823 : f32 to vector<256x256xf32>
    %le3A_825 = arith.cmpf ole, %abs3A_821, %le3A_824 : vector<256x256xf32>
    %abs3A_826 = math.absf %sub3A_814 : vector<256x256xf32>
    %mul3A_827 = arith.constant 5.000000e-01 : f32
    %mul3A_828 = arith.mulf %squeeze3A_794, %mul3A_827 : f32
    %le3A_829 = vector.broadcast %mul3A_828 : f32 to vector<256x256xf32>
    %le3A_830 = arith.cmpf ole, %abs3A_826, %le3A_829 : vector<256x256xf32>
    %and3A_831 = arith.andi %le3A_825, %le3A_830 : vector<256x256xi1>
    %and3A_832 = vector.broadcast %le3A_820 : i1 to vector<256x256xi1>
    %and3A_833 = arith.andi %and3A_831, %and3A_832 : vector<256x256xi1>
    %or3A_834 = arith.ori %or3A_784, %and3A_833 : vector<256x256xi1>
    %slice3A_835 = vector.extract_strided_slice %get3A_41 {offsets = [16, 0], sizes = [1, 1], strides = [1, 1]} : vector<24x128xf32> to vector<1x1xf32>
    %squeeze3A_836 = vector.extract %slice3A_835[0, 0] : f32 from vector<1x1xf32>
    %slice3A_837 = vector.extract_strided_slice %get3A_41 {offsets = [16, 1], sizes = [1, 1], strides = [1, 1]} : vector<24x128xf32> to vector<1x1xf32>
    %squeeze3A_838 = vector.extract %slice3A_837[0, 0] : f32 from vector<1x1xf32>
    %slice3A_839 = vector.extract_strided_slice %get3A_41 {offsets = [16, 2], sizes = [1, 1], strides = [1, 1]} : vector<24x128xf32> to vector<1x1xf32>
    %squeeze3A_840 = vector.extract %slice3A_839[0, 0] : f32 from vector<1x1xf32>
    %slice3A_841 = vector.extract_strided_slice %get3A_41 {offsets = [16, 3], sizes = [1, 1], strides = [1, 1]} : vector<24x128xf32> to vector<1x1xf32>
    %squeeze3A_842 = vector.extract %slice3A_841[0, 0] : f32 from vector<1x1xf32>
    %slice3A_843 = vector.extract_strided_slice %get3A_41 {offsets = [16, 4], sizes = [1, 1], strides = [1, 1]} : vector<24x128xf32> to vector<1x1xf32>
    %squeeze3A_844 = vector.extract %slice3A_843[0, 0] : f32 from vector<1x1xf32>
    %slice3A_845 = vector.extract_strided_slice %get3A_41 {offsets = [16, 5], sizes = [1, 1], strides = [1, 1]} : vector<24x128xf32> to vector<1x1xf32>
    %squeeze3A_846 = vector.extract %slice3A_845[0, 0] : f32 from vector<1x1xf32>
    %slice3A_847 = vector.extract_strided_slice %get3A_41 {offsets = [16, 6], sizes = [1, 1], strides = [1, 1]} : vector<24x128xf32> to vector<1x1xf32>
    %squeeze3A_848 = vector.extract %slice3A_847[0, 0] : f32 from vector<1x1xf32>
    %sub3A_849 = vector.broadcast %squeeze3A_836 : f32 to vector<256x256xf32>
    %sub3A_850 = arith.subf %mul3A_29, %sub3A_849 : vector<256x256xf32>
    %sub3A_851 = vector.broadcast %squeeze3A_838 : f32 to vector<256x256xf32>
    %sub3A_852 = arith.subf %mul3A_36, %sub3A_851 : vector<256x256xf32>
    %cos3A_853 = math.cos %squeeze3A_848 : f32
    %sin3A_854 = math.sin %squeeze3A_848 : f32
    %mul3A_855 = vector.broadcast %cos3A_853 : f32 to vector<256x256xf32>
    %mul3A_856 = arith.mulf %sub3A_850, %mul3A_855 : vector<256x256xf32>
    %mul3A_857 = vector.broadcast %sin3A_854 : f32 to vector<256x256xf32>
    %mul3A_858 = arith.mulf %sub3A_852, %mul3A_857 : vector<256x256xf32>
    %add3A_859 = arith.addf %mul3A_856, %mul3A_858 : vector<256x256xf32>
    %mul3A_860 = vector.broadcast %cos3A_853 : f32 to vector<256x256xf32>
    %mul3A_861 = arith.mulf %sub3A_852, %mul3A_860 : vector<256x256xf32>
    %mul3A_862 = vector.broadcast %sin3A_854 : f32 to vector<256x256xf32>
    %mul3A_863 = arith.mulf %sub3A_850, %mul3A_862 : vector<256x256xf32>
    %sub3A_864 = arith.subf %mul3A_861, %mul3A_863 : vector<256x256xf32>
    %sub3A_865 = arith.constant 8.000000e-01 : f32
    %sub3A_866 = arith.subf %sub3A_865, %squeeze3A_840 : f32
    %abs3A_867 = math.absf %sub3A_866 : f32
    %mul3A_868 = arith.constant 5.000000e-01 : f32
    %mul3A_869 = arith.mulf %squeeze3A_846, %mul3A_868 : f32
    %le3A_870 = arith.cmpf ole, %abs3A_867, %mul3A_869 : f32
    %abs3A_871 = math.absf %add3A_859 : vector<256x256xf32>
    %mul3A_872 = arith.constant 5.000000e-01 : f32
    %mul3A_873 = arith.mulf %squeeze3A_842, %mul3A_872 : f32
    %le3A_874 = vector.broadcast %mul3A_873 : f32 to vector<256x256xf32>
    %le3A_875 = arith.cmpf ole, %abs3A_871, %le3A_874 : vector<256x256xf32>
    %abs3A_876 = math.absf %sub3A_864 : vector<256x256xf32>
    %mul3A_877 = arith.constant 5.000000e-01 : f32
    %mul3A_878 = arith.mulf %squeeze3A_844, %mul3A_877 : f32
    %le3A_879 = vector.broadcast %mul3A_878 : f32 to vector<256x256xf32>
    %le3A_880 = arith.cmpf ole, %abs3A_876, %le3A_879 : vector<256x256xf32>
    %and3A_881 = arith.andi %le3A_875, %le3A_880 : vector<256x256xi1>
    %and3A_882 = vector.broadcast %le3A_870 : i1 to vector<256x256xi1>
    %and3A_883 = arith.andi %and3A_881, %and3A_882 : vector<256x256xi1>
    %or3A_884 = arith.ori %or3A_834, %and3A_883 : vector<256x256xi1>
    %slice3A_885 = vector.extract_strided_slice %get3A_41 {offsets = [17, 0], sizes = [1, 1], strides = [1, 1]} : vector<24x128xf32> to vector<1x1xf32>
    %squeeze3A_886 = vector.extract %slice3A_885[0, 0] : f32 from vector<1x1xf32>
    %slice3A_887 = vector.extract_strided_slice %get3A_41 {offsets = [17, 1], sizes = [1, 1], strides = [1, 1]} : vector<24x128xf32> to vector<1x1xf32>
    %squeeze3A_888 = vector.extract %slice3A_887[0, 0] : f32 from vector<1x1xf32>
    %slice3A_889 = vector.extract_strided_slice %get3A_41 {offsets = [17, 2], sizes = [1, 1], strides = [1, 1]} : vector<24x128xf32> to vector<1x1xf32>
    %squeeze3A_890 = vector.extract %slice3A_889[0, 0] : f32 from vector<1x1xf32>
    %slice3A_891 = vector.extract_strided_slice %get3A_41 {offsets = [17, 3], sizes = [1, 1], strides = [1, 1]} : vector<24x128xf32> to vector<1x1xf32>
    %squeeze3A_892 = vector.extract %slice3A_891[0, 0] : f32 from vector<1x1xf32>
    %slice3A_893 = vector.extract_strided_slice %get3A_41 {offsets = [17, 4], sizes = [1, 1], strides = [1, 1]} : vector<24x128xf32> to vector<1x1xf32>
    %squeeze3A_894 = vector.extract %slice3A_893[0, 0] : f32 from vector<1x1xf32>
    %slice3A_895 = vector.extract_strided_slice %get3A_41 {offsets = [17, 5], sizes = [1, 1], strides = [1, 1]} : vector<24x128xf32> to vector<1x1xf32>
    %squeeze3A_896 = vector.extract %slice3A_895[0, 0] : f32 from vector<1x1xf32>
    %slice3A_897 = vector.extract_strided_slice %get3A_41 {offsets = [17, 6], sizes = [1, 1], strides = [1, 1]} : vector<24x128xf32> to vector<1x1xf32>
    %squeeze3A_898 = vector.extract %slice3A_897[0, 0] : f32 from vector<1x1xf32>
    %sub3A_899 = vector.broadcast %squeeze3A_886 : f32 to vector<256x256xf32>
    %sub3A_900 = arith.subf %mul3A_29, %sub3A_899 : vector<256x256xf32>
    %sub3A_901 = vector.broadcast %squeeze3A_888 : f32 to vector<256x256xf32>
    %sub3A_902 = arith.subf %mul3A_36, %sub3A_901 : vector<256x256xf32>
    %cos3A_903 = math.cos %squeeze3A_898 : f32
    %sin3A_904 = math.sin %squeeze3A_898 : f32
    %mul3A_905 = vector.broadcast %cos3A_903 : f32 to vector<256x256xf32>
    %mul3A_906 = arith.mulf %sub3A_900, %mul3A_905 : vector<256x256xf32>
    %mul3A_907 = vector.broadcast %sin3A_904 : f32 to vector<256x256xf32>
    %mul3A_908 = arith.mulf %sub3A_902, %mul3A_907 : vector<256x256xf32>
    %add3A_909 = arith.addf %mul3A_906, %mul3A_908 : vector<256x256xf32>
    %mul3A_910 = vector.broadcast %cos3A_903 : f32 to vector<256x256xf32>
    %mul3A_911 = arith.mulf %sub3A_902, %mul3A_910 : vector<256x256xf32>
    %mul3A_912 = vector.broadcast %sin3A_904 : f32 to vector<256x256xf32>
    %mul3A_913 = arith.mulf %sub3A_900, %mul3A_912 : vector<256x256xf32>
    %sub3A_914 = arith.subf %mul3A_911, %mul3A_913 : vector<256x256xf32>
    %sub3A_915 = arith.constant 8.000000e-01 : f32
    %sub3A_916 = arith.subf %sub3A_915, %squeeze3A_890 : f32
    %abs3A_917 = math.absf %sub3A_916 : f32
    %mul3A_918 = arith.constant 5.000000e-01 : f32
    %mul3A_919 = arith.mulf %squeeze3A_896, %mul3A_918 : f32
    %le3A_920 = arith.cmpf ole, %abs3A_917, %mul3A_919 : f32
    %abs3A_921 = math.absf %add3A_909 : vector<256x256xf32>
    %mul3A_922 = arith.constant 5.000000e-01 : f32
    %mul3A_923 = arith.mulf %squeeze3A_892, %mul3A_922 : f32
    %le3A_924 = vector.broadcast %mul3A_923 : f32 to vector<256x256xf32>
    %le3A_925 = arith.cmpf ole, %abs3A_921, %le3A_924 : vector<256x256xf32>
    %abs3A_926 = math.absf %sub3A_914 : vector<256x256xf32>
    %mul3A_927 = arith.constant 5.000000e-01 : f32
    %mul3A_928 = arith.mulf %squeeze3A_894, %mul3A_927 : f32
    %le3A_929 = vector.broadcast %mul3A_928 : f32 to vector<256x256xf32>
    %le3A_930 = arith.cmpf ole, %abs3A_926, %le3A_929 : vector<256x256xf32>
    %and3A_931 = arith.andi %le3A_925, %le3A_930 : vector<256x256xi1>
    %and3A_932 = vector.broadcast %le3A_920 : i1 to vector<256x256xi1>
    %and3A_933 = arith.andi %and3A_931, %and3A_932 : vector<256x256xi1>
    %or3A_934 = arith.ori %or3A_884, %and3A_933 : vector<256x256xi1>
    %slice3A_935 = vector.extract_strided_slice %get3A_41 {offsets = [18, 0], sizes = [1, 1], strides = [1, 1]} : vector<24x128xf32> to vector<1x1xf32>
    %squeeze3A_936 = vector.extract %slice3A_935[0, 0] : f32 from vector<1x1xf32>
    %slice3A_937 = vector.extract_strided_slice %get3A_41 {offsets = [18, 1], sizes = [1, 1], strides = [1, 1]} : vector<24x128xf32> to vector<1x1xf32>
    %squeeze3A_938 = vector.extract %slice3A_937[0, 0] : f32 from vector<1x1xf32>
    %slice3A_939 = vector.extract_strided_slice %get3A_41 {offsets = [18, 2], sizes = [1, 1], strides = [1, 1]} : vector<24x128xf32> to vector<1x1xf32>
    %squeeze3A_940 = vector.extract %slice3A_939[0, 0] : f32 from vector<1x1xf32>
    %slice3A_941 = vector.extract_strided_slice %get3A_41 {offsets = [18, 3], sizes = [1, 1], strides = [1, 1]} : vector<24x128xf32> to vector<1x1xf32>
    %squeeze3A_942 = vector.extract %slice3A_941[0, 0] : f32 from vector<1x1xf32>
    %slice3A_943 = vector.extract_strided_slice %get3A_41 {offsets = [18, 4], sizes = [1, 1], strides = [1, 1]} : vector<24x128xf32> to vector<1x1xf32>
    %squeeze3A_944 = vector.extract %slice3A_943[0, 0] : f32 from vector<1x1xf32>
    %slice3A_945 = vector.extract_strided_slice %get3A_41 {offsets = [18, 5], sizes = [1, 1], strides = [1, 1]} : vector<24x128xf32> to vector<1x1xf32>
    %squeeze3A_946 = vector.extract %slice3A_945[0, 0] : f32 from vector<1x1xf32>
    %slice3A_947 = vector.extract_strided_slice %get3A_41 {offsets = [18, 6], sizes = [1, 1], strides = [1, 1]} : vector<24x128xf32> to vector<1x1xf32>
    %squeeze3A_948 = vector.extract %slice3A_947[0, 0] : f32 from vector<1x1xf32>
    %sub3A_949 = vector.broadcast %squeeze3A_936 : f32 to vector<256x256xf32>
    %sub3A_950 = arith.subf %mul3A_29, %sub3A_949 : vector<256x256xf32>
    %sub3A_951 = vector.broadcast %squeeze3A_938 : f32 to vector<256x256xf32>
    %sub3A_952 = arith.subf %mul3A_36, %sub3A_951 : vector<256x256xf32>
    %cos3A_953 = math.cos %squeeze3A_948 : f32
    %sin3A_954 = math.sin %squeeze3A_948 : f32
    %mul3A_955 = vector.broadcast %cos3A_953 : f32 to vector<256x256xf32>
    %mul3A_956 = arith.mulf %sub3A_950, %mul3A_955 : vector<256x256xf32>
    %mul3A_957 = vector.broadcast %sin3A_954 : f32 to vector<256x256xf32>
    %mul3A_958 = arith.mulf %sub3A_952, %mul3A_957 : vector<256x256xf32>
    %add3A_959 = arith.addf %mul3A_956, %mul3A_958 : vector<256x256xf32>
    %mul3A_960 = vector.broadcast %cos3A_953 : f32 to vector<256x256xf32>
    %mul3A_961 = arith.mulf %sub3A_952, %mul3A_960 : vector<256x256xf32>
    %mul3A_962 = vector.broadcast %sin3A_954 : f32 to vector<256x256xf32>
    %mul3A_963 = arith.mulf %sub3A_950, %mul3A_962 : vector<256x256xf32>
    %sub3A_964 = arith.subf %mul3A_961, %mul3A_963 : vector<256x256xf32>
    %sub3A_965 = arith.constant 8.000000e-01 : f32
    %sub3A_966 = arith.subf %sub3A_965, %squeeze3A_940 : f32
    %abs3A_967 = math.absf %sub3A_966 : f32
    %mul3A_968 = arith.constant 5.000000e-01 : f32
    %mul3A_969 = arith.mulf %squeeze3A_946, %mul3A_968 : f32
    %le3A_970 = arith.cmpf ole, %abs3A_967, %mul3A_969 : f32
    %abs3A_971 = math.absf %add3A_959 : vector<256x256xf32>
    %mul3A_972 = arith.constant 5.000000e-01 : f32
    %mul3A_973 = arith.mulf %squeeze3A_942, %mul3A_972 : f32
    %le3A_974 = vector.broadcast %mul3A_973 : f32 to vector<256x256xf32>
    %le3A_975 = arith.cmpf ole, %abs3A_971, %le3A_974 : vector<256x256xf32>
    %abs3A_976 = math.absf %sub3A_964 : vector<256x256xf32>
    %mul3A_977 = arith.constant 5.000000e-01 : f32
    %mul3A_978 = arith.mulf %squeeze3A_944, %mul3A_977 : f32
    %le3A_979 = vector.broadcast %mul3A_978 : f32 to vector<256x256xf32>
    %le3A_980 = arith.cmpf ole, %abs3A_976, %le3A_979 : vector<256x256xf32>
    %and3A_981 = arith.andi %le3A_975, %le3A_980 : vector<256x256xi1>
    %and3A_982 = vector.broadcast %le3A_970 : i1 to vector<256x256xi1>
    %and3A_983 = arith.andi %and3A_981, %and3A_982 : vector<256x256xi1>
    %or3A_984 = arith.ori %or3A_934, %and3A_983 : vector<256x256xi1>
    %slice3A_985 = vector.extract_strided_slice %get3A_41 {offsets = [19, 0], sizes = [1, 1], strides = [1, 1]} : vector<24x128xf32> to vector<1x1xf32>
    %squeeze3A_986 = vector.extract %slice3A_985[0, 0] : f32 from vector<1x1xf32>
    %slice3A_987 = vector.extract_strided_slice %get3A_41 {offsets = [19, 1], sizes = [1, 1], strides = [1, 1]} : vector<24x128xf32> to vector<1x1xf32>
    %squeeze3A_988 = vector.extract %slice3A_987[0, 0] : f32 from vector<1x1xf32>
    %slice3A_989 = vector.extract_strided_slice %get3A_41 {offsets = [19, 2], sizes = [1, 1], strides = [1, 1]} : vector<24x128xf32> to vector<1x1xf32>
    %squeeze3A_990 = vector.extract %slice3A_989[0, 0] : f32 from vector<1x1xf32>
    %slice3A_991 = vector.extract_strided_slice %get3A_41 {offsets = [19, 3], sizes = [1, 1], strides = [1, 1]} : vector<24x128xf32> to vector<1x1xf32>
    %squeeze3A_992 = vector.extract %slice3A_991[0, 0] : f32 from vector<1x1xf32>
    %slice3A_993 = vector.extract_strided_slice %get3A_41 {offsets = [19, 4], sizes = [1, 1], strides = [1, 1]} : vector<24x128xf32> to vector<1x1xf32>
    %squeeze3A_994 = vector.extract %slice3A_993[0, 0] : f32 from vector<1x1xf32>
    %slice3A_995 = vector.extract_strided_slice %get3A_41 {offsets = [19, 5], sizes = [1, 1], strides = [1, 1]} : vector<24x128xf32> to vector<1x1xf32>
    %squeeze3A_996 = vector.extract %slice3A_995[0, 0] : f32 from vector<1x1xf32>
    %slice3A_997 = vector.extract_strided_slice %get3A_41 {offsets = [19, 6], sizes = [1, 1], strides = [1, 1]} : vector<24x128xf32> to vector<1x1xf32>
    %squeeze3A_998 = vector.extract %slice3A_997[0, 0] : f32 from vector<1x1xf32>
    %sub3A_999 = vector.broadcast %squeeze3A_986 : f32 to vector<256x256xf32>
    %sub3A_1000 = arith.subf %mul3A_29, %sub3A_999 : vector<256x256xf32>
    %sub3A_1001 = vector.broadcast %squeeze3A_988 : f32 to vector<256x256xf32>
    %sub3A_1002 = arith.subf %mul3A_36, %sub3A_1001 : vector<256x256xf32>
    %cos3A_1003 = math.cos %squeeze3A_998 : f32
    %sin3A_1004 = math.sin %squeeze3A_998 : f32
    %mul3A_1005 = vector.broadcast %cos3A_1003 : f32 to vector<256x256xf32>
    %mul3A_1006 = arith.mulf %sub3A_1000, %mul3A_1005 : vector<256x256xf32>
    %mul3A_1007 = vector.broadcast %sin3A_1004 : f32 to vector<256x256xf32>
    %mul3A_1008 = arith.mulf %sub3A_1002, %mul3A_1007 : vector<256x256xf32>
    %add3A_1009 = arith.addf %mul3A_1006, %mul3A_1008 : vector<256x256xf32>
    %mul3A_1010 = vector.broadcast %cos3A_1003 : f32 to vector<256x256xf32>
    %mul3A_1011 = arith.mulf %sub3A_1002, %mul3A_1010 : vector<256x256xf32>
    %mul3A_1012 = vector.broadcast %sin3A_1004 : f32 to vector<256x256xf32>
    %mul3A_1013 = arith.mulf %sub3A_1000, %mul3A_1012 : vector<256x256xf32>
    %sub3A_1014 = arith.subf %mul3A_1011, %mul3A_1013 : vector<256x256xf32>
    %sub3A_1015 = arith.constant 8.000000e-01 : f32
    %sub3A_1016 = arith.subf %sub3A_1015, %squeeze3A_990 : f32
    %abs3A_1017 = math.absf %sub3A_1016 : f32
    %mul3A_1018 = arith.constant 5.000000e-01 : f32
    %mul3A_1019 = arith.mulf %squeeze3A_996, %mul3A_1018 : f32
    %le3A_1020 = arith.cmpf ole, %abs3A_1017, %mul3A_1019 : f32
    %abs3A_1021 = math.absf %add3A_1009 : vector<256x256xf32>
    %mul3A_1022 = arith.constant 5.000000e-01 : f32
    %mul3A_1023 = arith.mulf %squeeze3A_992, %mul3A_1022 : f32
    %le3A_1024 = vector.broadcast %mul3A_1023 : f32 to vector<256x256xf32>
    %le3A_1025 = arith.cmpf ole, %abs3A_1021, %le3A_1024 : vector<256x256xf32>
    %abs3A_1026 = math.absf %sub3A_1014 : vector<256x256xf32>
    %mul3A_1027 = arith.constant 5.000000e-01 : f32
    %mul3A_1028 = arith.mulf %squeeze3A_994, %mul3A_1027 : f32
    %le3A_1029 = vector.broadcast %mul3A_1028 : f32 to vector<256x256xf32>
    %le3A_1030 = arith.cmpf ole, %abs3A_1026, %le3A_1029 : vector<256x256xf32>
    %and3A_1031 = arith.andi %le3A_1025, %le3A_1030 : vector<256x256xi1>
    %and3A_1032 = vector.broadcast %le3A_1020 : i1 to vector<256x256xi1>
    %and3A_1033 = arith.andi %and3A_1031, %and3A_1032 : vector<256x256xi1>
    %or3A_1034 = arith.ori %or3A_984, %and3A_1033 : vector<256x256xi1>
    %and3A_1035 = arith.andi %ne3A_10, %or3A_1034 : vector<256x256xi1>
    %and3A_1036 = arith.andi %ne3A_24, %or3A_1034 : vector<256x256xi1>
    %and3A_1037 = arith.andi %and3A_1035, %and3A_1036 : vector<256x256xi1>
    %jit3A = arith.constant 1.000000e+00 : f32
    %jit3A_1038 = arith.constant 0.000000e+00 : f32
    %broadcast_in_dim3A_1039 = vector.broadcast %jit3A : f32 to vector<256x256xf32>
    %broadcast_in_dim3A_1040 = vector.broadcast %jit3A_1038 : f32 to vector<256x256xf32>
    %select_n3A = arith.select %and3A_1037, %broadcast_in_dim3A_1039, %broadcast_in_dim3A_1040 : vector<256x256xi1>, vector<256x256xf32>
    %reduce_sum3A = vector.shape_cast %select_n3A : vector<256x256xf32> to vector<1x256x256xf32>
    %reduce_sum3A_1041 = arith.constant dense<0.000000e+00> : vector<1xf32>
    %reduce_sum3A_1042 = vector.multi_reduction <add>, %reduce_sum3A, %reduce_sum3A_1041 [1, 2] : vector<1x256x256xf32> to vector<1xf32>
    %reduce_sum3A_1043 = vector.shape_cast %reduce_sum3A_1042 : vector<1xf32> to vector<1x1x1xf32>
    %reduce_sum3A_1044 = vector.extract %reduce_sum3A_1043[0, 0, 0] : f32 from vector<1x1x1xf32>
    %or3A_1045 = arith.ori %and3A_1035, %and3A_1036 : vector<256x256xi1>
    %jit3A_1046 = arith.constant 1.000000e+00 : f32
    %jit3A_1047 = arith.constant 0.000000e+00 : f32
    %broadcast_in_dim3A_1048 = vector.broadcast %jit3A_1046 : f32 to vector<256x256xf32>
    %broadcast_in_dim3A_1049 = vector.broadcast %jit3A_1047 : f32 to vector<256x256xf32>
    %select_n3A_1050 = arith.select %or3A_1045, %broadcast_in_dim3A_1048, %broadcast_in_dim3A_1049 : vector<256x256xi1>, vector<256x256xf32>
    %reduce_sum3A_1051 = vector.shape_cast %select_n3A_1050 : vector<256x256xf32> to vector<1x256x256xf32>
    %reduce_sum3A_1052 = arith.constant dense<0.000000e+00> : vector<1xf32>
    %reduce_sum3A_1053 = vector.multi_reduction <add>, %reduce_sum3A_1051, %reduce_sum3A_1052 [1, 2] : vector<1x256x256xf32> to vector<1xf32>
    %reduce_sum3A_1054 = vector.shape_cast %reduce_sum3A_1053 : vector<1xf32> to vector<1x1x1xf32>
    %reduce_sum3A_1055 = vector.extract %reduce_sum3A_1054[0, 0, 0] : f32 from vector<1x1x1xf32>
    %broadcast_in_dim3A_1056 = vector.broadcast %reduce_sum3A_1044 : f32 to vector<8x128xf32>
    %swap3A = arith.constant 0 : index
    %swap3A_1057 = arith.constant 0 : index
    %swap3A_1058 = arith.constant 0 : index
    %swap3A_1059 = vector.load %arg6[%swap3A, %swap3A_1057, %swap3A_1058] : memref<1x8x128xf32, #tpu.memory_space<vmem>>, vector<1x8x128xf32>
    %swap3A_1060 = vector.shape_cast %swap3A_1059 : vector<1x8x128xf32> to vector<8x128xf32>
    %swap3A_1061 = vector.shape_cast %broadcast_in_dim3A_1056 : vector<8x128xf32> to vector<1x8x128xf32>
    tpu.vector_store %arg6[%swap3A, %swap3A_1057, %swap3A_1058], %swap3A_1061 {strides = array<i32>} : memref<1x8x128xf32, #tpu.memory_space<vmem>>, vector<1x8x128xf32>,
    %broadcast_in_dim3A_1062 = vector.broadcast %reduce_sum3A_1055 : f32 to vector<8x128xf32>
    %swap3A_1063 = arith.constant 0 : index
    %swap3A_1064 = arith.constant 0 : index
    %swap3A_1065 = arith.constant 0 : index
    %swap3A_1066 = vector.load %arg7[%swap3A_1063, %swap3A_1064, %swap3A_1065] : memref<1x8x128xf32, #tpu.memory_space<vmem>>, vector<1x8x128xf32>
    %swap3A_1067 = vector.shape_cast %swap3A_1066 : vector<1x8x128xf32> to vector<8x128xf32>
    %swap3A_1068 = vector.shape_cast %broadcast_in_dim3A_1062 : vector<8x128xf32> to vector<1x8x128xf32>
    tpu.vector_store %arg7[%swap3A_1063, %swap3A_1064, %swap3A_1065], %swap3A_1068 {strides = array<i32>} : memref<1x8x128xf32, #tpu.memory_space<vmem>>, vector<1x8x128xf32>,
    return
  }
  func.func @transform_0(%arg0: i32) -> (i32, i32, i32) {
    %c0_i32 = arith.constant 0 : i32
    %c0_i32_0 = arith.constant 0 : i32
    %c0_i32_1 = arith.constant 0 : i32
    return %arg0, %c0_i32, %c0_i32_0 : i32, i32, i32
  }
  func.func @transform_1(%arg0: i32) -> (i32, i32, i32) {
    %c0_i32 = arith.constant 0 : i32
    %c0_i32_0 = arith.constant 0 : i32
    %c0_i32_1 = arith.constant 0 : i32
    return %arg0, %c0_i32, %c0_i32_0 : i32, i32, i32
  }
  func.func @transform_2(%arg0: i32) -> (i32, i32, i32) {
    %c0_i32 = arith.constant 0 : i32
    %c0_i32_0 = arith.constant 0 : i32
    %c0_i32_1 = arith.constant 0 : i32
    return %arg0, %c0_i32, %c0_i32_0 : i32, i32, i32
  }
  func.func @transform_3(%arg0: i32) -> (i32, i32, i32) {
    %c0_i32 = arith.constant 0 : i32
    %c0_i32_0 = arith.constant 0 : i32
    %c0_i32_1 = arith.constant 0 : i32
    return %arg0, %c0_i32, %c0_i32_0 : i32, i32, i32
  }
  func.func @transform_4(%arg0: i32) -> (i32, i32, i32) {
    %c0_i32 = arith.constant 0 : i32
    %c0_i32_0 = arith.constant 0 : i32
    %c0_i32_1 = arith.constant 0 : i32
    return %arg0, %c0_i32, %c0_i32_0 : i32, i32, i32
  }
  func.func @transform_5(%arg0: i32) -> (i32, i32, i32) {
    %c0_i32 = arith.constant 0 : i32
    %c0_i32_0 = arith.constant 0 : i32
    %c0_i32_1 = arith.constant 0 : i32
    return %arg0, %c0_i32, %c0_i32_0 : i32, i32, i32
  }
  func.func @transform_6(%arg0: i32) -> (i32, i32, i32) {
    %c0_i32 = arith.constant 0 : i32
    %c0_i32_0 = arith.constant 0 : i32
    %c0_i32_1 = arith.constant 0 : i32
    return %arg0, %c0_i32, %c0_i32_0 : i32, i32, i32
  }
}

</mosaic_0001>

<sc_bundles>
// kernel: kernel.5.cloned.1.call-start
scs
__scs_entry_jumppad:
0x0: {  	(pc) =	sbr.rel $0x88, $3  }
0x1: {  	(tag) =	ssettag $0x0;
	lr =	simm.s32 $0x1  }
0x2: {  	[smem:$0x3F9E] =	sst lr;
	_ =	strace $0xD0000000  }
0x3: {  	_ = 	snop  }
0x4: {  	_ = 	snop  }
0x5: {  	_ = 	snop  }
0x6: {  	_ = 	snop  }
0x7: {  	_ = 	snop  }
__scs_overlays_trampoline_lowered:
0x8: {  	[smem:$0x3FAD] =	sst s0  }
0x9: {  	[smem:$0x3FAE] =	sst s1  }
0xa: {  	[smem:$0x3FAF] =	sst s2  }
0xb: {  	[smem:$0x3FB0] =	sst s3  }
0xc: {  	[smem:$0x3FB1] =	sst s4  }
0xd: {  	[smem:$0x3FB2] =	sst s5  }
0xe: {  	[smem:$0x3FB3] =	sst s6  }
0xf: {  	[smem:$0x3FB4] =	sst s7  }
0x10: {  	[smem:$0x3FB5] =	sst s8  }
0x11: {  	[smem:$0x3FB6] =	sst s9;
	s0 =	simm.s32 @!p0 $0x0  }
0x12: {  	s1 =	sld [smem:$0x3F9C];
	s0 =	simm.s32 @p0 $0x1  }
0x13: {  	[smem:$0x3FB7] =	sst s0;
	s0 =	simm.s32 @!p1 $0x0  }
0x14: {  	s2 =	sld [smem:$0x3F9B];
	s0 =	simm.s32 @p1 $0x1  }
0x15: {  	[smem:$0x3FB8] =	sst s0;
	s0 =	simm.s32 @!p2 $0x0  }
0x16: {  	s3 =	sld [smem:$0x3FDB];
	s0 =	simm.s32 @p2 $0x1  }
0x17: {  	s4 =	simm.s32 $0x1BF5;
	[smem:$0x3FBA] =	sst s0  }
0x18: {  	s0 =	sld [smem:$0x3F9D];
	_ =	swait.ge [sflag:s4], $0x0  }
0x19: {  	s7 =	sld [smem:$0x3F9E]  }
0x1a: {  	s8 =	sadd.s32 $0xFFFFE003, lr  }
0x1b: {  	s9 =	sadd.s32 $0xFFFFFEF7, lr;
	s5 =	simm.s32 $0xFFFFFFFF;
	p2 =	slt.u32 s8, $0xFFFFF086  }
0x1c: {  	p1 =	slt.u32 s9, $0xF7A;
	s5 =	simm.s32 @!p2 $0x0  }
0x1d: {  	s5 =	simm.s32 @p1 $0x1;
	p0 =	seq.s32 s7, s2  }
0x1e: {  	s7 =	smul.u32 @!p0 $0xF7A, s2;
	p2 =	seq.s32 @!p0 s5, $0x0  }
0x1f: {  	s9 =	smul.u32 $0xF7A, s1;
	s8 =	simm.s32 @!p0 $0x1BF5;
	p2 =	por !p2, p0  }
0x20: {  	[sflag:s8] =	ssyncset.s32 @!p0 $0xFFFFF086;
	s6 =	sadd.s32 @!p0 s3, s7;
	s7 =	simm.s32 @!p0 $0x108  }
0x21: {  	s3 =	sadd.s32 s3, s9;
	s6 =	sadd.s32 @!p0 $0x88, s6;
	s7 =	simm.s32 @p2 $0x1082  }
0x22: {  	[simem:s7], [sflag:s8] =	dma.local @!p0 [hbm:s6], $0xF7A  }
0x23: {  	s9 =	sor.u32 $0xD0000000, s2;
	s6 =	simm.s32 $0x108;
	_ =	swait.ge @!p0 [sflag:s8], $0x0  }
0x24: {  	s3 =	sadd.s32 $0x88, s3;
	s6 =	simm.s32 @!p1 $0x1082;
	[sflag:s4] =	ssyncset.s32 $0xFFFFF086  }
0x25: {  	[simem:s6], [sflag:s4] =	dma.local [hbm:s3], $0xF7A  }
0x26: {  	[smem:$0x3F9E] =	sst s1;
	(tag) =	ssettag s2;
	_ =	strace s9  }
0x27: {  	s1 =	sld [smem:$0x3FAE]  }
0x28: {  	s2 =	sld [smem:$0x3FAF]  }
0x29: {  	s4 =	sld [smem:$0x3FB1]  }
0x2a: {  	p0 =	seq.s32 s5, $0x0;
	s5 =	sld [smem:$0x3FB2]  }
0x2b: {  	s6 =	sld [smem:$0x3FB3]  }
0x2c: {  	s7 =	sld [smem:$0x3FB4]  }
0x2d: {  	s3 =	simm.s32 $0x108;
	s8 =	sld [smem:$0x3FB5]  }
0x2e: {  	s3 =	simm.s32 @!p0 $0x1082;
	s9 =	sld [smem:$0x3FB6]  }
0x2f: {  	lr =	sadd.s32 s0, s3;
	s0 =	sld [smem:$0x3FAD]  }
0x30: {  	s3 =	sld [smem:$0x3FB0]  }
0x31: {  	[smem:$0x3FB9] =	sst s10  }
0x32: {  	s10 =	sld [smem:$0x3FB7];
	_ =	sdelay $0x3  }
0x33: {  	p0 =	seq.s32 s10, $0x1;
	s10 =	sld [smem:$0x3FB9];
	_ =	sdelay $0x3  }
0x34: {  	[smem:$0x3FB9] =	sst s10  }
0x35: {  	s10 =	sld [smem:$0x3FB8];
	_ =	sdelay $0x3  }
0x36: {  	p1 =	seq.s32 s10, $0x1;
	s10 =	sld [smem:$0x3FB9];
	_ =	sdelay $0x3  }
0x37: {  	[smem:$0x3FB9] =	sst s10  }
0x38: {  	s10 =	sld [smem:$0x3FBA]  }
0x39: {  	_ = 	snop;
	(pc) =	sbr.ind lr, $3  }
0x3a: {  	_ = 	snop  }
0x3b: {  	_ = 	snop  }
0x3c: {  	p2 =	seq.s32 s10, $0x1;
	s10 =	sld [smem:$0x3FB9]  }
0x3d: {  	_ =	shalt  }
0x3e: {  	_ =	shalt  }
0x3f: {  	_ =	shalt  }
0x40: {  	_ =	shalt  }
0x41: {  	_ =	shalt  }
0x42: {  	_ =	shalt  }
0x43: {  	_ =	shalt  }
0x44: {  	_ =	shalt  }
0x45: {  	_ =	shalt  }
0x46: {  	_ =	shalt  }
0x47: {  	_ =	shalt  }
0x48: {  	_ =	shalt  }
0x49: {  	_ =	shalt  }
0x4a: {  	_ =	shalt  }
0x4b: {  	_ =	shalt  }
0x4c: {  	_ =	shalt  }
0x4d: {  	_ =	shalt  }
0x4e: {  	_ =	shalt  }
0x4f: {  	_ =	shalt  }
0x50: {  	_ =	shalt  }
0x51: {  	_ =	shalt  }
0x52: {  	_ =	shalt  }
0x53: {  	_ =	shalt  }
0x54: {  	_ =	shalt  }
0x55: {  	_ =	shalt  }
0x56: {  	_ =	shalt  }
0x57: {  	_ =	shalt  }
0x58: {  	_ =	shalt  }
0x59: {  	_ =	shalt  }
0x5a: {  	_ =	shalt  }
0x5b: {  	_ =	shalt  }
0x5c: {  	_ =	shalt  }
0x5d: {  	_ =	shalt  }
0x5e: {  	_ =	shalt  }
0x5f: {  	_ =	shalt  }
0x60: {  	_ =	shalt  }
0x61: {  	_ =	shalt  }
0x62: {  	_ =	shalt  }
0x63: {  	_ =	shalt  }
0x64: {  	_ =	shalt  }
0x65: {  	_ =	shalt  }
0x66: {  	_ =	shalt  }
0x67: {  	_ =	shalt  }
0x68: {  	_ =	shalt  }
0x69: {  	_ =	shalt  }
0x6a: {  	_ =	shalt  }
0x6b: {  	_ =	shalt  }
0x6c: {  	_ =	shalt  }
0x6d: {  	_ =	shalt  }
0x6e: {  	_ =	shalt  }
0x6f: {  	_ =	shalt  }
0x70: {  	_ =	shalt  }
0x71: {  	_ =	shalt  }
0x72: {  	_ =	shalt  }
0x73: {  	_ =	shalt  }
0x74: {  	_ =	shalt  }
0x75: {  	_ =	shalt  }
0x76: {  	_ =	shalt  }
0x77: {  	_ =	shalt  }
0x78: {  	_ =	shalt  }
0x79: {  	_ =	shalt  }
0x7a: {  	_ =	shalt  }
0x7b: {  	_ =	shalt  }
0x7c: {  	_ =	shalt  }
0x7d: {  	_ =	shalt  }
0x7e: {  	_ =	shalt  }
0x7f: {  	_ =	shalt  }
0x80: {  	_ =	shalt  }
0x81: {  	_ =	shalt  }
0x82: {  	_ =	shalt  }
0x83: {  	_ =	shalt  }
0x84: {  	_ =	shalt  }
0x85: {  	_ =	shalt  }
0x86: {  	_ =	shalt  }
0x87: {  	_ =	shalt  }
.Lfunc_end0:
.L_simem_size_0:
called_computation_lowered:
.L_overlay_start_0:
0x88: {  	s2 =	sld [smem:$0x3FD9]  }
0x89: {  	s3 =	sld [smem:$0x3FFE];
	_ =	sdelay $0x1  }
0x8a: {  	s1 =	srdreg.scid  }
0x8b: {  	s0 =	sand.u32 $0x1, s1  }
0x8c: {  	s16 =	sshll.u32 s0, $0xA;
	s2 =	sadd.s32 s3, s2  }
0x8d: {  	s2 =	sadd.s32 s2, s16  }
0x8e: {  	[smem:$0x3FC5] =	sst s2  }
0x8f: {  	_ = 	snop  }
0x90: {  	(tm) =	ssettm $0x1  }
0x91: {  	s17 =	sld [smem:$0x3FFB];
	_ =	sdelay $0x3  }
0x92: {  	_ =	strace s17  }
0x93: {  	s2 =	sld [smem:$0x3FFC];
	_ =	sdelay $0x3  }
0x94: {  	_ =	strace s2  }
0x95: {  	s2 =	sld [smem:$0x3FFD];
	_ =	sdelay $0x3  }
0x96: {  	_ =	strace s2  }
0x97: {  	_ =	strace $0x8FFFFFFF  }
0x98: {  	s18 =	sld [smem:$0x3FDB];
	_ =	sdelay $0x1  }
0x99: {  	s19 =	simm.s32 $_scs_section_size  }
0x9a: {  	s4 =	simm.s32 $_size__tile_overlayer_lowered;
	s5 =	simm.s32 $_tile_overlayer_lowered  }
0x9b: {  	s22 =	simm.s32 $0x1BFF;
	s21 =	sshll.u32 s5, $0x1;
	s2 =	sadd.s32 s19, s18  }
0x9c: {  	s6 =	simm.s32 $0x0;
	s20 =	sshll.u32 s4, $0x1;
	s4 =	sadd.s32 s21, s2  }
0x9d: {  	[timem:s6], [sflag:s22] =	dma.local [hbm:s4], s20  }
0x9e: {  	_ =	swait.ge [sflag:s22], s20  }
0x9f: {  	s3 =	ssub.s32 $0x0, s20;
	[sflag:s22] =	ssyncset.done $0x0  }
0xa0: {  	[sflag:s22] =	ssyncadd.s32 s3;
	_ =	sdelay $0x1  }
0xa1: {  	s23 =	simm.s32 $0x1B8B  }
0xa2: {  	_ =	swait.ge [sflag:s23], $0x1  }
0xa3: {  	[sflag:s23] =	ssyncset.done $0x0  }
0xa4: {  	s25 =	simm.s32 $0x1B8E;
	s24 =	sld [smem:$0x3FFE];
	[sflag:s23] =	ssyncadd.s32 $0xFFFFFFFF  }
0xa5: {  	s26 =	simm.s32 $execute0_lowered;
	[smem:$0x3FD2] =	sst s25  }
0xa6: {  	s4 =	sshll.u32 s26, $0x1;
	_ =	strace $0x80000046;
	[dreg:$0x1] =	wrdreg $0xFFFFFFFF  }
0xa7: {  	s28 =	simm.s32 $_size_execute0_lowered;
	s2 =	sadd.s32 s2, s4;
	[dreg:$0x0] =	wrdreg $0x0  }
0xa8: {  	s4 =	sshll.u32 s28, $0x1;
	[dreg:$0x2] =	wrdreg s2  }
0xa9: {  	[dreg:$0x3] =	wrdreg s4  }
0xaa: {  	[dreg:$0x4] =	wrdreg $0xC0  }
0xab: {  	_ =	task [dreg:s6], $0x5FFFF  }
0xac: {  	[dreg:$0x1] =	wrdreg $0xFFFFFFFF  }
0xad: {  	[dreg:$0x0] =	wrdreg $0x60  }
0xae: {  	[dreg:$0x2] =	wrdreg s24  }
0xaf: {  	[dreg:$0x3] =	wrdreg $0x9  }
0xb0: {  	_ =	task.clear_ibuf [dreg:s6], $0x4FFFF;
	_ =	strace $0x90000046  }
0xb1: {  	s29 =	simm.s32 $0x9;
	_ =	strace $0x80000048  }
0xb2: {  	_ =	swait.ge [sflag:s29], $0x1  }
0xb3: {  	[sflag:s29] =	ssyncadd.s32 $0xFFFFFFFF  }
0xb4: {  	_ =	strace $0x90000048  }
0xb5: {  	_ =	sfence  }
0xb6: {  	s30 =	sld [smem:$0x0];
	_ =	sdelay $0x2  }
0xb7: {  	s31 =	sshll.u32 s1, $0xD;
	s1 =	sshrl.u32 s1, $0x2  }
0xb8: {  	s3 =	sand.u32 $0x4000, s31;
	s1 =	sadd.s32 s1, s30  }
0xb9: {  	s0 =	sor.u32 s3, s0;
	s1 =	sshll.u32 s1, $0x11  }
0xba: {  	s0 =	sor.u32 s1, s0  }
0xbb: {  	s0 =	sadd.s32 $0x8F2B, s0  }
0xbc: {  	[sflag:s0] =	ssyncadd.remote.s32 $0x1  }
0xbd: {  	_ =	sfence.sel $0xFFFF  }
0xbe: {  	[dreg:$0x0] =	wrdreg $0xFFFFFFFF;
	(pc) =	sbr.abs _section_cstart, $3  }
0xbf: {  	[dreg:$0x1] =	wrdreg $0xFFFFFFFF  }
0xc0: {  	_ =	task.clear_ibuf [dreg:s6], $0x2FFFF;
	_ =	strace $0x9FFFFFFF  }
0xc1: {  	(tm) =	ssettm $0x7FFFFFFF  }
tec
execute0_lowered:
.L_overlay_start_1:
0x0: {  	(tag) =	ssettag $0x1  }
0x1: {  	s2 =	srdreg.scid  }
0x2: {  	s0 =	rddreg [dreg:$0x0];
	s12 =	stileid.u32;
	s2 =	sand.u32 $0x1, s2  }
0x3: {  	s1 =	simm.s32 $0x0;
	s5 =	sshll.u32 s12, $0xC;
	s6 =	sshll.u32 s2, $0xB  }
0x4: {  	[smem:$0x7FF] =	sst s1;
	s5 =	sor.u32 s6, s5  }
0x5: {  	s3 =	sadd.s32 $0x221000, s0;
	s4 =	sadd.s32 $0x1000, s0;
	s8 =	sor.u32 $0xE0000, s5  }
0x6: {  	s7 =	sadd.s32 $0x421000, s0;
	_ =	strace $0x80000047;
	s14 =	sadd.s32 s3, s8  }
0x7: {  	s15 =	sor.u32 $0xF0000, s5;
	s16 =	sadd.s32 s4, s8;
	[dreg:$0x2] =	wrdreg s14  }
0x8: {  	s0 =	sadd.s32 $0x425000, s0;
	s17 =	sadd.s32 s3, s15;
	[dreg:$0x3] =	wrdreg s16  }
0x9: {  	s18 =	sshrl.u32 s5, $0x2;
	s19 =	sadd.s32 s4, s15;
	[dreg:$0x4] =	wrdreg s17  }
0xa: {  	s2 =	ssub.s32 $0x2, s2;
	s20 =	sadd.s32 s7, s18;
	[dreg:$0x5] =	wrdreg s19  }
0xb: {  	s21 =	sadd.s32 s5, s3;
	s22 =	sadd.s32 s0, s18;
	[dreg:$0x6] =	wrdreg s20  }
0xc: {  	s24 =	sor.u32 $0x1F0000, s5;
	s23 =	sadd.s32 $0x1E0000, s21;
	[dreg:$0x7] =	wrdreg s22  }
0xd: {  	s13 =	sshrl.u32 s2, $0x1;
	s25 =	sadd.s32 s4, s24;
	[dreg:$0x8] =	wrdreg s23  }
0xe: {  	s2 =	ssub.s32 s2, s13;
	s28 =	sadd.s32 s3, s24;
	[dreg:$0x9] =	wrdreg s25  }
0xf: {  	s4 =	sadd.s32 s5, s4;
	s31 =	smax.u32 s2, $0x1;
	[dreg:$0xa] =	wrdreg s28  }
0x10: {  	s26 =	sor.u32 $0x10, s18;
	s29 =	sadd.s32 $0x200000, s4;
	[dreg:$0xe] =	wrdreg s31  }
0x11: {  	s30 =	sadd.s32 s7, s26;
	[dreg:$0xb] =	wrdreg s29  }
0x12: {  	s1 =	simm.s32 $0x0;
	s0 =	sadd.s32 s0, s26;
	[dreg:$0xc] =	wrdreg s30  }
0x13: {  	s15 =	simm.s32 $0x10800;
	s14 =	simm.s32 $0x10000;
	[dreg:$0xd] =	wrdreg s0  }
.LBB2_1:
0x14: {  	[dreg:$0xf] =	wrdreg s1  }
0x15: {  	s16 =	simm.s32 $0x0;
	s0 =	rddreg [dreg:$0x2]  }
0x16: {  	[tilespmem:s16], [sflag:$0x1] =	stream.linear.gather [hbm4b:s0+s16], $0x4000, $0x38;
	[tilespmem:$0x11000] =	vst v63  }
0x17: {  	s17 =	rddreg [dreg:$0x3];
	s2 =	simm.s32 $0x8000  }
0x18: {  	[tilespmem:s2], [sflag:$0x3] =	stream.linear.gather [hbm4b:s17+s16], $0x4000, $0x38;
	[tilespmem:$0x11000] =	vst v63  }
0x19: {  	s18 =	rddreg [dreg:$0x4];
	s19 =	simm.s32 $0x4000  }
0x1a: {  	[tilespmem:s19], [sflag:$0x2] =	stream.linear.gather [hbm4b:s18+s16], $0x4000, $0x38;
	[tilespmem:$0x11000] =	vst v63  }
0x1b: {  	s20 =	rddreg [dreg:$0x5];
	s21 =	simm.s32 $0xC000;
	s22 =	simm.s32 $0x1  }
0x1c: {  	[tilespmem:s21], [sflag:$0x4] =	stream.linear.gather [hbm4b:s20+s16], $0x4000, $0x38;
	[tilespmem:$0x11000] =	vst v63  }
0x1d: {  	_ =	swait.ge [sflag:s22], $0x4000  }
0x1e: {  	s6 =	simm.s32 $0x3;
	p0 =	por $0x0, $0x0;
	[sflag:s22] =	ssyncset.done $0x0  }
0x1f: {  	s5 =	simm.s32 $0x1;
	s0 =	simm.s32 $0x0;
	[sflag:s22] =	ssyncadd.s32 $0xFFFFC000  }
0x20: {  	s4 =	sand.u32 $0x3C00, s16;
	s3 =	sand.u32 $0x40, s0;
	_ =	swait.ge [sflag:s6], $0x4000  }
0x21: {  	s5 =	simm.s32 @!p0 $0x0;
	s2 =	sor.u32 $0x30, s3;
	[sflag:s6] =	ssyncset.done $0x0  }
0x22: {  	s5 =	sshll.u32 s5, $0x6;
	s23 =	sor.u32 s2, s4;
	[sflag:s6] =	ssyncadd.s32 $0xFFFFC000  }
0x23: {  	s5 =	sadd.s32 $0x0, s5;
	v50 =	vld [tilespmem:s23+$0x8000]  }
0x24: {  	s11 =	sadd.s32 $0x10, s5;
	v14 =	vld [tilespmem:s23+$0x8080]  }
0x25: {  	s12 =	sor.u32 $0x200, s11;
	v2 =	vld [tilespmem:s23+$0x8100]  }
0x26: {  	s7 =	sadd.s32 $0x30, s5;
	v0 =	vld [tilespmem:s12+$0x0]  }
0x27: {  	s8 =	sor.u32 $0x200, s7;
	v3 =	vld [tilespmem:s23+$0x8180]  }
0x28: {  	s9 =	sor.u32 $0x280, s7;
	v4 =	vld [tilespmem:s8+$0x8000]  }
0x29: {  	s10 =	sor.u32 $0x300, s7;
	v5 =	vld [tilespmem:s9+$0x8000]  }
0x2a: {  	s7 =	sor.u32 $0x380, s7;
	v6 =	vld [tilespmem:s10+$0x8000]  }
0x2b: {  	v7 =	vld [tilespmem:s7+$0x8000];
	[tilespmem:$0x1FF70] =	vst v0  }
0x2c: {  	v9 =	vld [tilespmem:s23+$0x0]  }
0x2d: {  	v10 =	vld [tilespmem:s23+$0x80]  }
0x2e: {  	v11 =	vld [tilespmem:s23+$0x100]  }
0x2f: {  	s13 =	sor.u32 $0x280, s11;
	v12 =	vld [tilespmem:s23+$0x180]  }
0x30: {  	s24 =	sor.u32 $0x300, s11;
	v13 =	vld [tilespmem:s13+$0x0]  }
0x31: {  	v56 =	vld [tilespmem:s24+$0x0]  }
0x32: {  	v15 =	vld [tilespmem:s8+$0x0]  }
0x33: {  	v16 =	vld [tilespmem:s9+$0x0]  }
0x34: {  	v17 =	vld [tilespmem:s10+$0x0]  }
0x35: {  	s25 =	sor.u32 $0x380, s11;
	v18 =	vld [tilespmem:s7+$0x0]  }
0x36: {  	v19 =	vld [tilespmem:s25+$0x0]  }
0x37: {  	v20 =	vld [tilespmem:s12+$0x8000]  }
0x38: {  	v21 =	vld [tilespmem:s13+$0x8000]  }
0x39: {  	s26 =	sadd.s32 $0x20, s5;
	v22 =	vld [tilespmem:s24+$0x8000]  }
0x3a: {  	s28 =	sor.u32 $0x200, s26;
	v23 =	vld [tilespmem:s25+$0x8000]  }
0x3b: {  	s29 =	sor.u32 $0x280, s26;
	v58 =	vld [tilespmem:s28+$0x0]  }
0x3c: {  	s1 =	sor.u32 $0x300, s26;
	v25 =	vld [tilespmem:s29+$0x0]  }
0x3d: {  	v26 =	vld [tilespmem:s1+$0x0]  }
0x3e: {  	v28 =	vld [tilespmem:s28+$0x8000]  }
0x3f: {  	v29 =	vld [tilespmem:s29+$0x8000]  }
0x40: {  	s11 =	sor.u32 $0x280, s5;
	v30 =	vld [tilespmem:s1+$0x8000]  }
0x41: {  	s17 =	sor.u32 $0x20, s3;
	v33 =	vld [tilespmem:s11+$0x0]  }
0x42: {  	s18 =	sor.u32 s17, s4;
	v37 =	vld [tilespmem:s11+$0x8000]  }
0x43: {  	v48 =	vld [tilespmem:s18+$0x0]  }
0x44: {  	v49 =	vld [tilespmem:s18+$0x80]  }
0x45: {  	s7 =	sor.u32 $0x380, s26;
	v0 =	vld [tilespmem:s18+$0x100]  }
0x46: {  	v27 =	vld [tilespmem:s7+$0x0]  }
0x47: {  	s10 =	sor.u32 $0x200, s5;
	v31 =	vld [tilespmem:s7+$0x8000]  }
0x48: {  	s12 =	sor.u32 $0x300, s5;
	v32 =	vld [tilespmem:s10+$0x0]  }
0x49: {  	s5 =	sor.u32 $0x380, s5;
	v34 =	vld [tilespmem:s12+$0x0]  }
0x4a: {  	v35 =	vld [tilespmem:s5+$0x0]  }
0x4b: {  	v36 =	vld [tilespmem:s10+$0x8000]  }
0x4c: {  	s16 =	sor.u32 $0x10, s3;
	v38 =	vld [tilespmem:s12+$0x8000]  }
0x4d: {  	s13 =	sor.u32 s16, s4;
	v39 =	vld [tilespmem:s5+$0x8000]  }
0x4e: {  	v40 =	vld [tilespmem:s13+$0x0]  }
0x4f: {  	v41 =	vld [tilespmem:s13+$0x80]  }
0x50: {  	v42 =	vld [tilespmem:s13+$0x100]  }
0x51: {  	v43 =	vld [tilespmem:s13+$0x180]  }
0x52: {  	v44 =	vld [tilespmem:s13+$0x8000]  }
0x53: {  	v45 =	vld [tilespmem:s13+$0x8080]  }
0x54: {  	v46 =	vld [tilespmem:s13+$0x8100]  }
0x55: {  	s4 =	sor.u32 s3, s4;
	v47 =	vld [tilespmem:s13+$0x8180];
	[tilespmem:$0x1FF80] =	vst v0  }
0x56: {  	v0 =	vld [tilespmem:s4+$0x0]  }
0x57: {  	v51 =	vld [tilespmem:s18+$0x180]  }
0x58: {  	v60 =	vld [tilespmem:s18+$0x8000]  }
0x59: {  	v53 =	vld [tilespmem:s18+$0x8080]  }
0x5a: {  	v54 =	vld [tilespmem:s18+$0x8100]  }
0x5b: {  	v55 =	vld [tilespmem:s18+$0x8180];
	[tilespmem:$0x1FF90] =	vst v0  }
0x5c: {  	v0 =	vld [tilespmem:s4+$0x100];
	_ =	sdelay $0x4  }
0x5d: {  	v57 =	vld [tilespmem:s4+$0x80];
	[tilespmem:$0x1FFA0] =	vst v0  }
0x5e: {  	v0 =	vld [tilespmem:s4+$0x180];
	_ =	sdelay $0x4  }
0x5f: {  	[tilespmem:$0x1FFB0] =	vst v0  }
0x60: {  	v0 =	vld [tilespmem:s4+$0x8000];
	_ =	sdelay $0x1  }
0x61: {  	v14 =	vadd.f32 v14, v50;
	v2 =	vadd.f32 v3, v2  }
0x62: {  	v4 =	vadd.f32 v5, v4;
	v5 =	vadd.f32 v7, v6  }
0x63: {  	v50 =	vld [tilespmem:$0x1FF70]  }
0x64: {  	s30 =	simm.s32 $0x40;
	v2 =	vadd.f32 v2, v14;
	v4 =	vadd.f32 v5, v4;
	[tilespmem:$0x1FFC0] =	vst v0  }
0x65: {  	s31 =	simm.s32 $0x200;
	s18 =	sand.u32 $0x40, s30;
	v61 =	vld [tilespmem:s4+$0x8080]  }
0x66: {  	s26 =	sand.u32 $0x3C00, s31;
	v2 =	vadd.f32 v4, v2;
	v9 =	vadd.f32 v10, v9;
	s3 =	sor.u32 $0x30, s18;
	v62 =	vld [tilespmem:s4+$0x8100]  }
0x67: {  	p0 =	por !p0, !p0;
	s5 =	simm.s32 $0x1;
	v10 =	vadd.f32 v12, v11;
	v12 =	vadd.f32 v16, v15;
	s19 =	sor.u32 s3, s26;
	v63 =	vld [tilespmem:s4+$0x8180]  }
0x68: {  	s5 =	simm.s32 @!p0 $0x0;
	v14 =	vadd.f32 v18, v17;
	v13 =	vadd.f32 v13, v50;
	v59 =	vld [tilespmem:s19+$0x0]  }
0x69: {  	s20 =	sshll.u32 s5, $0x6;
	v56 =	vadd.f32 v19, v56;
	v21 =	vadd.f32 v21, v20;
	v52 =	vld [tilespmem:s19+$0x8000]  }
0x6a: {  	v23 =	vadd.f32 v23, v22;
	v25 =	vadd.f32 v25, v58;
	s4 =	sadd.s32 $0x200, s20;
	v24 =	vld [tilespmem:s19+$0x8080]  }
0x6b: {  	v29 =	vadd.f32 v29, v28;
	v50 =	vadd.f32 v31, v30;
	v8 =	vld [tilespmem:s19+$0x8100];
	s21 =	sadd.s32 $0x30, s4  }
0x6c: {  	v9 =	vadd.f32 v10, v9;
	v12 =	vadd.f32 v14, v12;
	v0 =	vld [tilespmem:s19+$0x8180];
	s22 =	sor.u32 $0x200, s21  }
0x6d: {  	v58 =	vadd.f32 v35, v34;
	v4 =	vadd.f32 v56, v13;
	v1 =	vld [tilespmem:s22+$0x8000];
	[tilespmem:$0x1FFD0] =	vst v59  }
0x6e: {  	v56 =	vadd.f32 v33, v32;
	v9 =	vadd.f32 v12, v9;
	v59 =	vld [tilespmem:s19+$0x80]  }
0x6f: {  	v12 =	vadd.f32 v23, v21;
	v21 =	vadd.f32 v50, v29;
	v50 =	vld [tilespmem:$0x1FF80];
	_ =	sdelay $0x1  }
0x70: {  	v18 =	vadd.f32 v58, v56;
	v56 =	vld [tilespmem:$0x1FF90];
	_ =	sdelay $0x1  }
0x71: {  	[tilespmem:$0x1FFE0] =	vst v59  }
0x72: {  	v49 =	vadd.f32 v49, v48;
	v28 =	vadd.f32 v51, v50;
	v59 =	vld [tilespmem:s19+$0x100]  }
0x73: {  	v44 =	vadd.f32 v45, v44;
	v45 =	vadd.f32 v47, v46  }
0x74: {  	v22 =	vadd.f32 v28, v49;
	v28 =	vadd.f32 v57, v56;
	v57 =	vld [tilespmem:$0x1FFA0]  }
0x75: {  	v47 =	vadd.f32 v45, v44;
	v58 =	vld [tilespmem:$0x1FFB0]  }
0x76: {  	v53 =	vadd.f32 v53, v60;
	v60 =	vld [tilespmem:$0x1FFC0]  }
0x77: {  	v12 =	vadd.f32 v12, v47;
	v47 =	vld [tilespmem:$0x1FFE0];
	[tilespmem:$0x1FFF0] =	vst v59  }
0x78: {  	v59 =	vld [tilespmem:s19+$0x180]  }
0x79: {  	s23 =	sor.u32 $0x280, s21;
	v3 =	vld [tilespmem:s22+$0x0]  }
0x7a: {  	s24 =	sor.u32 $0x300, s21;
	v6 =	vld [tilespmem:s23+$0x8000]  }
0x7b: {  	v7 =	vld [tilespmem:s24+$0x8000]  }
0x7c: {  	v5 =	vld [tilespmem:s23+$0x0]  }
0x7d: {  	s25 =	sadd.s32 $0x10, s4;
	s5 =	sor.u32 $0x380, s21;
	v11 =	vld [tilespmem:s24+$0x0]  }
0x7e: {  	s28 =	sor.u32 $0x200, s25;
	v15 =	vld [tilespmem:s5+$0x8000]  }
0x7f: {  	v10 =	vld [tilespmem:s28+$0x0]  }
0x80: {  	v14 =	vld [tilespmem:s5+$0x0]  }
0x81: {  	s29 =	sor.u32 $0x280, s25;
	v19 =	vld [tilespmem:s28+$0x8000]  }
0x82: {  	v13 =	vld [tilespmem:s29+$0x0]  }
0x83: {  	s1 =	sor.u32 $0x300, s25;
	v16 =	vld [tilespmem:s29+$0x8000]  }
0x84: {  	v27 =	vadd.f32 v27, v26;
	v20 =	vld [tilespmem:s1+$0x0]  }
0x85: {  	s6 =	sor.u32 $0x380, s25;
	v23 =	vld [tilespmem:s1+$0x8000]  }
0x86: {  	v17 =	vadd.f32 v27, v25;
	s7 =	sadd.s32 $0x20, s4;
	v25 =	vld [tilespmem:s6+$0x0]  }
0x87: {  	s8 =	sor.u32 $0x200, s7;
	v26 =	vld [tilespmem:s6+$0x8000]  }
0x88: {  	v29 =	vld [tilespmem:s8+$0x0]  }
0x89: {  	s9 =	sor.u32 $0x280, s7;
	v32 =	vld [tilespmem:s8+$0x8000]  }
0x8a: {  	v35 =	vld [tilespmem:s9+$0x0]  }
0x8b: {  	s10 =	sor.u32 $0x300, s7;
	v30 =	vld [tilespmem:s9+$0x8000]  }
0x8c: {  	v37 =	vadd.f32 v37, v36;
	v39 =	vadd.f32 v39, v38;
	v31 =	vld [tilespmem:s10+$0x0]  }
0x8d: {  	v41 =	vadd.f32 v41, v40;
	v43 =	vadd.f32 v43, v42;
	s11 =	sor.u32 $0x200, s4;
	v34 =	vld [tilespmem:s10+$0x8000]  }
0x8e: {  	v27 =	vadd.f32 v39, v37;
	v39 =	vld [tilespmem:s11+$0x0]  }
0x8f: {  	v46 =	vadd.f32 v43, v41;
	s12 =	sor.u32 $0x280, s4;
	v40 =	vld [tilespmem:s11+$0x8000]  }
0x90: {  	s13 =	sor.u32 $0x300, s4;
	v41 =	vadd.f32 v61, v60;
	v61 =	vadd.f32 v63, v62;
	v62 =	vld [tilespmem:s12+$0x0]  }
0x91: {  	v55 =	vadd.f32 v55, v54;
	v63 =	vld [tilespmem:s13+$0x0]  }
0x92: {  	v37 =	vadd.f32 v58, v57;
	v0 =	vadd.f32 v0, v8;
	v8 =	vld [tilespmem:s12+$0x8000]  }
0x93: {  	v36 =	vadd.f32 v55, v53;
	s20 =	sor.u32 $0x10, s18;
	v45 =	vld [tilespmem:s13+$0x8000]  }
0x94: {  	v4 =	vadd.f32 v4, v46;
	v28 =	vadd.f32 v37, v28;
	s21 =	sor.u32 s20, s26;
	v48 =	vld [tilespmem:$0x1FFF0]  }
0x95: {  	v21 =	vadd.f32 v21, v36;
	v24 =	vadd.f32 v24, v52;
	v49 =	vld [tilespmem:s21+$0x80]  }
0x96: {  	v17 =	vadd.f32 v17, v22;
	v18 =	vadd.f32 v18, v28;
	v50 =	vld [tilespmem:s21+$0x180]  }
0x97: {  	v42 =	vadd.f32 v61, v41;
	v0 =	vadd.f32 v0, v24;
	v53 =	vld [tilespmem:s21+$0x8080]  }
0x98: {  	v1 =	vadd.f32 v6, v1;
	v6 =	vadd.f32 v15, v7;
	v7 =	vld [tilespmem:$0x1FFD0]  }
0x99: {  	v27 =	vadd.f32 v27, v42;
	s5 =	sor.u32 $0x380, s7;
	v54 =	vld [tilespmem:s21+$0x8100];
	v24 =	vadd.f32 v59, v48  }
0x9a: {  	v33 =	vld [tilespmem:s5+$0x0];
	v3 =	vadd.f32 v5, v3;
	v5 =	vadd.f32 v14, v11  }
0x9b: {  	s0 =	sand.u32 $0x780, s0;
	s19 =	sor.u32 $0x380, s4;
	v38 =	vld [tilespmem:s5+$0x8000];
	v10 =	vadd.f32 v13, v10;
	v51 =	vadd.f32 v25, v20  }
0x9c: {  	s2 =	sor.u32 s0, s2;
	v44 =	vld [tilespmem:s19+$0x0];
	v16 =	vadd.f32 v16, v19;
	v52 =	vadd.f32 v26, v23  }
0x9d: {  	v46 =	vld [tilespmem:s19+$0x8000];
	[tilespmem:s2+$0x10000] =	vst v9;
	v9 =	vadd.f32 v30, v32;
	v7 =	vadd.f32 v47, v7  }
0x9e: {  	v11 =	vld [tilespmem:s21+$0x100];
	v58 =	vadd.f32 v62, v39;
	v1 =	vadd.f32 v6, v1  }
0x9f: {  	v6 =	vld [tilespmem:s21+$0x0];
	v3 =	vadd.f32 v5, v3;
	v7 =	vadd.f32 v24, v7  }
0xa0: {  	s22 =	sor.u32 $0x20, s18;
	[tilespmem:s2+$0x10800] =	vst v2;
	v2 =	vadd.f32 v33, v31;
	v56 =	vadd.f32 v38, v34;
	v5 =	vld [tilespmem:s21+$0x8000]  }
0xa1: {  	s23 =	sor.u32 s22, s26;
	v60 =	vadd.f32 v44, v63;
	v3 =	vadd.f32 v3, v7;
	v7 =	vld [tilespmem:s21+$0x8180]  }
0xa2: {  	v55 =	vld [tilespmem:s23+$0x0];
	v1 =	vadd.f32 v1, v0;
	v0 =	vadd.f32 v35, v29  }
0xa3: {  	s24 =	sor.u32 s0, s16;
	v59 =	vld [tilespmem:s23+$0x100];
	v10 =	vadd.f32 v51, v10;
	v16 =	vadd.f32 v52, v16  }
0xa4: {  	[tilespmem:s24+$0x10000] =	vst v4;
	v2 =	vadd.f32 v2, v0;
	v0 =	vadd.f32 v56, v9;
	v9 =	vld [tilespmem:s23+$0x180]  }
0xa5: {  	s25 =	sand.u32 $0x780, s30;
	s0 =	sor.u32 s0, s17;
	v57 =	vld [tilespmem:s23+$0x80];
	[tilespmem:s24+$0x10800] =	vst v12;
	v4 =	vadd.f32 v49, v6;
	v6 =	vadd.f32 v50, v11  }
0xa6: {  	s28 =	sor.u32 s25, s3;
	v61 =	vld [tilespmem:s23+$0x8000];
	[tilespmem:s0+$0x10000] =	vst v17;
	v5 =	vadd.f32 v53, v5;
	v11 =	vadd.f32 v7, v54  }
0xa7: {  	v62 =	vld [tilespmem:s23+$0x8080];
	[tilespmem:s28+$0x10800] =	vst v1;
	v1 =	vadd.f32 v8, v40;
	v6 =	vadd.f32 v6, v4  }
0xa8: {  	v8 =	vadd.f32 v46, v45;
	v4 =	vld [tilespmem:s23+$0x8100];
	[tilespmem:s28+$0x10000] =	vst v3;
	v3 =	vadd.f32 v11, v5  }
0xa9: {  	[tilespmem:s0+$0x10800] =	vst v21;
	s2 =	sor.u32 s18, s26;
	v63 =	vadd.f32 v9, v59;
	v7 =	vld [tilespmem:s23+$0x8180];
	v5 =	vadd.f32 v10, v6  }
0xaa: {  	[tilespmem:s14+$0x0] =	vst v18;
	v9 =	vld [tilespmem:s2+$0x80];
	v10 =	vadd.f32 v57, v55;
	v11 =	vadd.f32 v16, v3  }
0xab: {  	s29 =	sor.u32 s25, s20;
	[tilespmem:s15+$0x0] =	vst v27;
	v6 =	vld [tilespmem:s2+$0x0]  }
0xac: {  	v1 =	vadd.f32 v8, v1;
	v8 =	vld [tilespmem:s2+$0x180];
	[tilespmem:s29+$0x10800] =	vst v11;
	v11 =	vadd.f32 v63, v10  }
0xad: {  	s16 =	simm.s32 $0x10000;
	s17 =	sor.u32 s25, s22;
	s0 =	simm.s32 $0x10800;
	v3 =	vadd.f32 v60, v58;
	[tilespmem:s29+$0x10000] =	vst v5;
	v5 =	vld [tilespmem:s2+$0x100];
	v10 =	vadd.f32 v62, v61  }
.LBB2_2:
0xae: {  	s30 =	sadd.s32 $0x40, s30;
	v12 =	vld [tilespmem:s2+$0x8000];
	v2 =	vadd.f32 v2, v11;
	v4 =	vadd.f32 v7, v4;
	s31 =	sadd.s32 $0x200, s31  }
0xaf: {  	s16 =	sadd.s32 $0x40, s16;
	p0 =	por !p0, !p0;
	s3 =	sand.u32 $0x40, s30;
	v7 =	vld [tilespmem:s2+$0x8080]  }
0xb0: {  	s4 =	simm.s32 $0x1;
	s7 =	sand.u32 $0x3C00, s31;
	s6 =	sor.u32 $0x30, s3;
	v6 =	vadd.f32 v9, v6;
	v9 =	vld [tilespmem:s2+$0x8100];
	v4 =	vadd.f32 v4, v10;
	[tilespmem:s17+$0x10000] =	vst v2  }
0xb1: {  	s4 =	simm.s32 @!p0 $0x0;
	s5 =	sor.u32 $0x10, s3;
	s24 =	sor.u32 s6, s7;
	v2 =	vld [tilespmem:s2+$0x8180]  }
0xb2: {  	s12 =	sor.u32 $0x20, s3;
	s2 =	sshll.u32 s4, $0x6;
	s4 =	sor.u32 s5, s7;
	v10 =	vld [tilespmem:s24+$0x8000];
	v5 =	vadd.f32 v8, v5;
	v0 =	vadd.f32 v0, v4  }
0xb3: {  	s26 =	sadd.s32 s2, s31;
	s2 =	sor.u32 s3, s7;
	s3 =	sor.u32 s12, s7;
	v4 =	vld [tilespmem:s24+$0x8080]  }
0xb4: {  	s7 =	sadd.s32 $0x10, s26;
	s8 =	sadd.s32 $0x20, s26;
	s18 =	sadd.s32 $0x30, s26;
	v8 =	vld [tilespmem:s24+$0x8100];
	v5 =	vadd.f32 v5, v6;
	v6 =	vadd.f32 v7, v12;
	[tilespmem:s17+$0x10800] =	vst v0  }
0xb5: {  	s23 =	sor.u32 $0x200, s7;
	s14 =	sor.u32 $0x280, s7;
	s17 =	sor.u32 $0x200, s18;
	v0 =	vld [tilespmem:s24+$0x8180]  }
0xb6: {  	s15 =	sor.u32 $0x300, s7;
	s13 =	sor.u32 $0x380, s7;
	s1 =	sor.u32 $0x280, s18;
	v7 =	vld [tilespmem:s17+$0x8000];
	v3 =	vadd.f32 v3, v5;
	v2 =	vadd.f32 v2, v9  }
0xb7: {  	s11 =	sor.u32 $0x200, s8;
	s10 =	sor.u32 $0x280, s8;
	s19 =	sor.u32 $0x300, s18;
	v5 =	vld [tilespmem:s1+$0x8000]  }
0xb8: {  	s9 =	sor.u32 $0x300, s8;
	s8 =	sor.u32 $0x380, s8;
	s20 =	sor.u32 $0x380, s18;
	v9 =	vld [tilespmem:s19+$0x8000];
	v2 =	vadd.f32 v2, v6;
	[tilespmem:s16+$0x0] =	vst v3  }
0xb9: {  	s28 =	sor.u32 $0x280, s26;
	s7 =	sor.u32 $0x200, s26;
	s18 =	sor.u32 $0x300, s26;
	v3 =	vld [tilespmem:s20+$0x8000]  }
0xba: {  	p1 =	slt.u32 s30, $0x7C0;
	s26 =	sor.u32 $0x380, s26;
	v6 =	vld [tilespmem:s23+$0x0];
	v1 =	vadd.f32 v1, v2  }
0xbb: {  	s0 =	sadd.s32 $0x40, s0;
	v2 =	vld [tilespmem:s14+$0x0]  }
0xbc: {  	v11 =	vld [tilespmem:s15+$0x0];
	[tilespmem:s0+$0x0] =	vst v1  }
0xbd: {  	v4 =	vadd.f32 v4, v10;
	v0 =	vadd.f32 v0, v8;
	v1 =	vld [tilespmem:s24+$0x0]  }
0xbe: {  	v5 =	vadd.f32 v5, v7;
	v8 =	vld [tilespmem:s24+$0x80];
	v3 =	vadd.f32 v3, v9  }
0xbf: {  	v7 =	vld [tilespmem:s24+$0x100]  }
0xc0: {  	v0 =	vadd.f32 v0, v4;
	v9 =	vld [tilespmem:s24+$0x180];
	v3 =	vadd.f32 v3, v5  }
0xc1: {  	v2 =	vadd.f32 v2, v6;
	v4 =	vld [tilespmem:s17+$0x0]  }
0xc2: {  	s24 =	sand.u32 $0x780, s30;
	v5 =	vld [tilespmem:s1+$0x0];
	v0 =	vadd.f32 v3, v0  }
0xc3: {  	s5 =	sor.u32 s24, s5;
	s17 =	sor.u32 s24, s12;
	s1 =	sor.u32 s24, s6;
	v1 =	vadd.f32 v8, v1;
	v3 =	vld [tilespmem:s19+$0x0]  }
0xc4: {  	v6 =	vld [tilespmem:s20+$0x0];
	[tilespmem:s1+$0x10800] =	vst v0  }
0xc5: {  	v0 =	vld [tilespmem:s13+$0x0];
	v7 =	vadd.f32 v9, v7  }
0xc6: {  	v8 =	vld [tilespmem:s23+$0x8000]  }
0xc7: {  	v9 =	vld [tilespmem:s14+$0x8000];
	v1 =	vadd.f32 v7, v1;
	v4 =	vadd.f32 v5, v4  }
0xc8: {  	v5 =	vld [tilespmem:s15+$0x8000]  }
0xc9: {  	v7 =	vld [tilespmem:s13+$0x8000];
	v3 =	vadd.f32 v6, v3  }
0xca: {  	v0 =	vadd.f32 v0, v11;
	v6 =	vld [tilespmem:s11+$0x0]  }
0xcb: {  	v10 =	vld [tilespmem:s10+$0x0];
	v3 =	vadd.f32 v3, v4  }
0xcc: {  	v4 =	vadd.f32 v0, v2;
	v0 =	vadd.f32 v9, v8;
	v2 =	vld [tilespmem:s9+$0x0]  }
0xcd: {  	v8 =	vld [tilespmem:s8+$0x0];
	v1 =	vadd.f32 v3, v1  }
0xce: {  	v3 =	vadd.f32 v7, v5;
	v5 =	vld [tilespmem:s11+$0x8000]  }
0xcf: {  	v7 =	vld [tilespmem:s10+$0x8000];
	[tilespmem:s1+$0x10000] =	vst v1  }
0xd0: {  	v9 =	vadd.f32 v3, v0;
	v0 =	vadd.f32 v10, v6;
	v1 =	vld [tilespmem:s9+$0x8000]  }
0xd1: {  	v3 =	vld [tilespmem:s8+$0x8000]  }
0xd2: {  	v6 =	vld [tilespmem:s7+$0x0];
	v2 =	vadd.f32 v8, v2  }
0xd3: {  	v8 =	vld [tilespmem:s28+$0x0]  }
0xd4: {  	v10 =	vld [tilespmem:s18+$0x0];
	v2 =	vadd.f32 v2, v0;
	v0 =	vadd.f32 v7, v5  }
0xd5: {  	v5 =	vld [tilespmem:s26+$0x0]  }
0xd6: {  	v7 =	vld [tilespmem:s7+$0x8000];
	v1 =	vadd.f32 v3, v1  }
0xd7: {  	v11 =	vld [tilespmem:s28+$0x8000]  }
0xd8: {  	v3 =	vadd.f32 v8, v6;
	v6 =	vld [tilespmem:s18+$0x8000];
	v0 =	vadd.f32 v1, v0  }
0xd9: {  	v1 =	vld [tilespmem:s26+$0x8000]  }
0xda: {  	v5 =	vadd.f32 v5, v10;
	v8 =	vld [tilespmem:s4+$0x0]  }
0xdb: {  	v10 =	vld [tilespmem:s4+$0x80]  }
0xdc: {  	v3 =	vadd.f32 v5, v3;
	v5 =	vadd.f32 v11, v7;
	v7 =	vld [tilespmem:s4+$0x100]  }
0xdd: {  	v11 =	vld [tilespmem:s4+$0x180]  }
0xde: {  	v1 =	vadd.f32 v1, v6;
	v6 =	vld [tilespmem:s4+$0x8000]  }
0xdf: {  	v12 =	vld [tilespmem:s4+$0x8080]  }
0xe0: {  	v1 =	vadd.f32 v1, v5;
	v5 =	vadd.f32 v10, v8;
	v8 =	vld [tilespmem:s4+$0x8100]  }
0xe1: {  	v10 =	vld [tilespmem:s4+$0x8180]  }
0xe2: {  	v7 =	vadd.f32 v11, v7;
	v11 =	vld [tilespmem:s3+$0x0]  }
0xe3: {  	v13 =	vld [tilespmem:s3+$0x80]  }
0xe4: {  	v5 =	vadd.f32 v7, v5;
	v6 =	vadd.f32 v12, v6;
	v12 =	vld [tilespmem:s3+$0x100]  }
0xe5: {  	v14 =	vld [tilespmem:s3+$0x180]  }
0xe6: {  	v4 =	vadd.f32 v4, v5;
	v5 =	vadd.f32 v10, v8;
	v8 =	vld [tilespmem:s3+$0x8000]  }
0xe7: {  	v10 =	vld [tilespmem:s3+$0x8080]  }
0xe8: {  	v5 =	vadd.f32 v5, v6;
	[tilespmem:s5+$0x10000] =	vst v4;
	v11 =	vadd.f32 v13, v11;
	v4 =	vld [tilespmem:s3+$0x8100]  }
.Ltmp0:
0xe9: {  	v7 =	vld [tilespmem:s3+$0x8180];
	(pc) =	sbr.rel @p1 .LBB2_2-.Ltmp0, $4  }
0xea: {  	v6 =	vld [tilespmem:s2+$0x0];
	v13 =	vadd.f32 v9, v5;
	v12 =	vadd.f32 v14, v12  }
0xeb: {  	v9 =	vld [tilespmem:s2+$0x80]  }
0xec: {  	v5 =	vld [tilespmem:s2+$0x100];
	[tilespmem:s5+$0x10800] =	vst v13;
	v11 =	vadd.f32 v12, v11;
	v10 =	vadd.f32 v10, v8  }
0xed: {  	v8 =	vld [tilespmem:s2+$0x180]  }
0xee: {  	v12 =	vld [tilespmem:s2+$0x8000]  }
0xef: {  	v13 =	vld [tilespmem:s2+$0x8080]  }
0xf0: {  	v14 =	vld [tilespmem:s2+$0x8100]  }
0xf1: {  	v15 =	vld [tilespmem:s2+$0x8180];
	_ =	sdelay $0x1  }
0xf2: {  	v4 =	vadd.f32 v7, v4  }
0xf3: {  	v6 =	vadd.f32 v9, v6  }
0xf4: {  	v4 =	vadd.f32 v4, v10;
	v5 =	vadd.f32 v8, v5  }
0xf5: {  	v7 =	vadd.f32 v13, v12;
	v8 =	vadd.f32 v15, v14  }
0xf6: {  	v2 =	vadd.f32 v2, v11;
	v5 =	vadd.f32 v5, v6  }
0xf7: {  	v0 =	vadd.f32 v0, v4;
	v4 =	vadd.f32 v8, v7  }
0xf8: {  	[tilespmem:s17+$0x10000] =	vst v2;
	v2 =	vadd.f32 v3, v5  }
0xf9: {  	s1 =	sadd.s32 $0x40, s16;
	[tilespmem:s17+$0x10800] =	vst v0;
	v0 =	vadd.f32 v1, v4  }
0xfa: {  	s0 =	sadd.s32 $0x40, s0;
	[tilespmem:s1+$0x0] =	vst v2  }
0xfb: {  	s7 =	simm.s32 $0x2;
	[tilespmem:s0+$0x0] =	vst v0  }
0xfc: {  	_ =	swait.ge [sflag:s7], $0x4000  }
0xfd: {  	[sflag:s7] =	ssyncset.done $0x0  }
0xfe: {  	s8 =	simm.s32 $0x4;
	[sflag:s7] =	ssyncadd.s32 $0xFFFFC000  }
0xff: {  	s2 =	simm.s32 $0x0;
	_ =	swait.ge [sflag:s8], $0x4000  }
0x100: {  	s30 =	simm.s32 $0x10000;
	s0 =	simm.s32 $0x0;
	[sflag:s8] =	ssyncset.done $0x0  }
0x101: {  	s4 =	sand.u32 $0x40, s2;
	s3 =	sand.u32 $0x3C00, s0;
	[sflag:s8] =	ssyncadd.s32 $0xFFFFC000  }
0x102: {  	p0 =	por $0x0, $0x0;
	s5 =	simm.s32 $0x1;
	s9 =	sor.u32 s4, s3;
	v0 =	vld [tilespmem:s30+$0x0]  }
0x103: {  	s5 =	simm.s32 @!p0 $0x0;
	v1 =	vld [tilespmem:s9+$0x4000]  }
0x104: {  	s5 =	sshll.u32 s5, $0x6;
	v2 =	vld [tilespmem:s9+$0x4080]  }
0x105: {  	s5 =	sadd.s32 $0x0, s5;
	v3 =	vld [tilespmem:s9+$0x4100]  }
0x106: {  	s6 =	sor.u32 $0x200, s5;
	v4 =	vld [tilespmem:s9+$0x4180]  }
0x107: {  	s7 =	sor.u32 $0x280, s5;
	v5 =	vld [tilespmem:s6+$0x4000]  }
0x108: {  	v6 =	vld [tilespmem:s7+$0x4000]  }
0x109: {  	v7 =	vld [tilespmem:s9+$0xC000]  }
0x10a: {  	v8 =	vld [tilespmem:s9+$0xC080]  }
0x10b: {  	v9 =	vld [tilespmem:s9+$0xC100]  }
0x10c: {  	s10 =	sor.u32 $0x300, s5;
	v10 =	vld [tilespmem:s9+$0xC180]  }
0x10d: {  	v11 =	vld [tilespmem:s10+$0x4000]  }
0x10e: {  	s11 =	sor.u32 $0x380, s5;
	v12 =	vld [tilespmem:s6+$0xC000]  }
0x10f: {  	v13 =	vld [tilespmem:s11+$0x4000]  }
0x110: {  	v14 =	vld [tilespmem:s7+$0xC000]  }
0x111: {  	s12 =	sadd.s32 $0x10, s5;
	v15 =	vld [tilespmem:s10+$0xC000]  }
0x112: {  	s13 =	sor.u32 $0x200, s12;
	v16 =	vld [tilespmem:s11+$0xC000]  }
0x113: {  	s16 =	sadd.s32 $0x20, s5;
	v17 =	vld [tilespmem:s13+$0x4000]  }
0x114: {  	s17 =	sor.u32 $0x200, s16;
	v18 =	vld [tilespmem:s13+$0xC000]  }
0x115: {  	s19 =	sor.u32 $0x300, s16;
	v19 =	vld [tilespmem:s17+$0xC000]  }
0x116: {  	s5 =	sadd.s32 $0x30, s5;
	v21 =	vld [tilespmem:s19+$0x4000]  }
0x117: {  	s20 =	sor.u32 $0x200, s5;
	v23 =	vld [tilespmem:s19+$0xC000]  }
0x118: {  	v25 =	vld [tilespmem:s20+$0x4000]  }
0x119: {  	s21 =	sor.u32 $0x280, s5;
	v26 =	vld [tilespmem:s20+$0xC000]  }
0x11a: {  	s22 =	sor.u32 $0x300, s5;
	v27 =	vld [tilespmem:s21+$0x4000]  }
0x11b: {  	s23 =	sor.u32 $0x380, s5;
	v28 =	vld [tilespmem:s22+$0x4000]  }
0x11c: {  	v29 =	vld [tilespmem:s23+$0x4000]  }
0x11d: {  	v30 =	vld [tilespmem:s21+$0xC000]  }
0x11e: {  	s24 =	sor.u32 $0x10, s4;
	v31 =	vld [tilespmem:s22+$0xC000]  }
0x11f: {  	s25 =	sor.u32 s24, s3;
	v32 =	vld [tilespmem:s23+$0xC000]  }
0x120: {  	s26 =	sor.u32 $0x20, s4;
	v33 =	vld [tilespmem:s25+$0x4000]  }
0x121: {  	s28 =	sor.u32 s26, s3;
	v34 =	vld [tilespmem:s25+$0x4080]  }
0x122: {  	v50 =	vld [tilespmem:s28+$0x4000]  }
0x123: {  	v51 =	vld [tilespmem:s28+$0x4180]  }
0x124: {  	s4 =	sor.u32 $0x30, s4;
	v54 =	vld [tilespmem:s28+$0xC100]  }
0x125: {  	s3 =	sor.u32 s4, s3;
	v55 =	vld [tilespmem:s28+$0xC180]  }
0x126: {  	s6 =	sor.u32 $0x380, s16;
	v58 =	vld [tilespmem:s3+$0x4000]  }
0x127: {  	s14 =	sor.u32 $0x280, s12;
	v24 =	vld [tilespmem:s6+$0xC000]  }
0x128: {  	s15 =	sor.u32 $0x300, s12;
	v1 =	vadd.f32 v2, v1;
	v2 =	vadd.f32 v4, v3;
	v3 =	vld [tilespmem:s14+$0x4000]  }
0x129: {  	s7 =	sor.u32 $0x380, s12;
	v4 =	vadd.f32 v6, v5;
	v6 =	vld [tilespmem:s15+$0x4000]  }
0x12a: {  	v5 =	vadd.f32 v13, v11;
	v11 =	vld [tilespmem:s7+$0x4000]  }
0x12b: {  	v13 =	vld [tilespmem:s17+$0x4000]  }
0x12c: {  	v7 =	vadd.f32 v8, v7;
	v8 =	vadd.f32 v10, v9;
	v9 =	vld [tilespmem:s25+$0x4100]  }
0x12d: {  	v10 =	vadd.f32 v14, v12;
	v14 =	vld [tilespmem:s25+$0x4180]  }
0x12e: {  	v12 =	vadd.f32 v16, v15;
	v15 =	vld [tilespmem:s25+$0xC000]  }
0x12f: {  	v1 =	vadd.f32 v2, v1;
	v2 =	vadd.f32 v5, v4;
	v4 =	vld [tilespmem:s14+$0xC000]  }
0x130: {  	v5 =	vld [tilespmem:s15+$0xC000]  }
0x131: {  	v7 =	vadd.f32 v8, v7;
	v8 =	vadd.f32 v12, v10;
	v10 =	vld [tilespmem:s25+$0xC080]  }
0x132: {  	v12 =	vld [tilespmem:s25+$0xC100]  }
0x133: {  	v56 =	vadd.f32 v30, v26;
	v1 =	vadd.f32 v2, v1;
	v2 =	vld [tilespmem:s7+$0xC000]  }
0x134: {  	v57 =	vadd.f32 v32, v31;
	v7 =	vadd.f32 v8, v7;
	v8 =	vld [tilespmem:s25+$0xC180]  }
0x135: {  	v59 =	vadd.f32 v34, v33;
	v6 =	vadd.f32 v11, v6;
	v11 =	vld [tilespmem:s28+$0x4080]  }
0x136: {  	s18 =	sor.u32 $0x280, s16;
	v3 =	vadd.f32 v3, v17;
	v9 =	vadd.f32 v14, v9;
	v14 =	vld [tilespmem:s3+$0x4080]  }
0x137: {  	v52 =	vadd.f32 v24, v23;
	v0 =	vadd.f32 v0, v1;
	v1 =	vld [tilespmem:s18+$0x4000]  }
0x138: {  	v22 =	vld [tilespmem:s6+$0x4000];
	v4 =	vadd.f32 v4, v18;
	v3 =	vadd.f32 v6, v3  }
0x139: {  	s31 =	simm.s32 $0x10800;
	v10 =	vadd.f32 v10, v15;
	v9 =	vadd.f32 v9, v59;
	[tilespmem:s30+$0x0] =	vst v0;
	v0 =	vld [tilespmem:s18+$0xC000]  }
0x13a: {  	v18 =	vadd.f32 v55, v54;
	v20 =	vld [tilespmem:s31+$0x0];
	v2 =	vadd.f32 v2, v5  }
0x13b: {  	v5 =	vld [tilespmem:s28+$0x4100];
	v8 =	vadd.f32 v8, v12;
	v11 =	vadd.f32 v11, v50  }
0x13c: {  	v53 =	vld [tilespmem:s28+$0xC000];
	v14 =	vadd.f32 v14, v58;
	v1 =	vadd.f32 v1, v13  }
0x13d: {  	v13 =	vadd.f32 v22, v21;
	v4 =	vadd.f32 v2, v4;
	v2 =	vld [tilespmem:s28+$0xC080]  }
0x13e: {  	v15 =	vld [tilespmem:s3+$0x4180];
	v60 =	vadd.f32 v8, v10;
	v0 =	vadd.f32 v0, v19  }
0x13f: {  	v12 =	vld [tilespmem:s3+$0x4100];
	v6 =	vadd.f32 v13, v1;
	v1 =	vadd.f32 v29, v28  }
0x140: {  	v61 =	vld [tilespmem:s3+$0xC000];
	v7 =	vadd.f32 v7, v20;
	v5 =	vadd.f32 v51, v5  }
0x141: {  	v62 =	vld [tilespmem:s3+$0xC080];
	v13 =	vadd.f32 v52, v0;
	v0 =	vadd.f32 v27, v25  }
0x142: {  	s29 =	sand.u32 $0x780, s2;
	v8 =	vld [tilespmem:s3+$0xC100];
	v63 =	vadd.f32 v2, v53;
	v2 =	vadd.f32 v3, v9  }
0x143: {  	s18 =	sor.u32 s29, s24;
	v10 =	vld [tilespmem:s3+$0xC180];
	v3 =	vadd.f32 v4, v60;
	v4 =	vadd.f32 v5, v11  }
0x144: {  	v12 =	vadd.f32 v15, v12;
	v11 =	vld [tilespmem:s18+$0x10000];
	v5 =	vadd.f32 v18, v63  }
0x145: {  	s17 =	sor.u32 s29, s26;
	v9 =	vld [tilespmem:s18+$0x10800];
	v1 =	vadd.f32 v1, v0;
	v4 =	vadd.f32 v6, v4  }
0x146: {  	v6 =	vld [tilespmem:s17+$0x10000];
	v5 =	vadd.f32 v13, v5;
	v13 =	vadd.f32 v12, v14  }
0x147: {  	s16 =	sor.u32 s29, s4;
	[tilespmem:s31+$0x0] =	vst v7;
	v7 =	vld [tilespmem:s17+$0x10800];
	v0 =	vadd.f32 v57, v56;
	v12 =	vadd.f32 v62, v61  }
.LBB2_4:
0x148: {  	s2 =	sadd.s32 $0x40, s2;
	v1 =	vadd.f32 v1, v13;
	v8 =	vadd.f32 v10, v8;
	v10 =	vld [tilespmem:s16+$0x10000];
	s0 =	sadd.s32 $0x200, s0;
	s30 =	sadd.s32 $0x40, s30  }
0x149: {  	p0 =	por !p0, !p0;
	s1 =	sand.u32 $0x40, s2;
	s5 =	sand.u32 $0x3C00, s0;
	v2 =	vadd.f32 v11, v2;
	v11 =	vld [tilespmem:s16+$0x10800]  }
0x14a: {  	s3 =	simm.s32 $0x1;
	s12 =	sor.u32 s1, s5;
	v13 =	vld [tilespmem:s30+$0x0];
	s7 =	sor.u32 $0x10, s1;
	v3 =	vadd.f32 v3, v9;
	v8 =	vadd.f32 v8, v12  }
0x14b: {  	s3 =	simm.s32 @!p0 $0x0;
	s19 =	sor.u32 $0x20, s1;
	s1 =	sor.u32 $0x30, s1;
	v9 =	vld [tilespmem:s12+$0x4000];
	[tilespmem:s18+$0x10000] =	vst v2;
	v2 =	vadd.f32 v6, v4  }
0x14c: {  	s6 =	sshll.u32 s3, $0x6;
	s4 =	sor.u32 s7, s5;
	s3 =	sor.u32 s19, s5;
	v4 =	vld [tilespmem:s12+$0x4080];
	[tilespmem:s18+$0x10800] =	vst v3;
	v3 =	vadd.f32 v5, v7;
	v0 =	vadd.f32 v0, v8  }
0x14d: {  	s20 =	sand.u32 $0x780, s2;
	s6 =	sadd.s32 s6, s0;
	s26 =	sor.u32 s1, s5;
	v5 =	vld [tilespmem:s12+$0x4100];
	[tilespmem:s17+$0x10000] =	vst v2;
	v1 =	vadd.f32 v10, v1  }
0x14e: {  	s24 =	sor.u32 $0x200, s6;
	s5 =	sadd.s32 $0x10, s6;
	s8 =	sadd.s32 $0x20, s6;
	v2 =	vld [tilespmem:s12+$0x4180];
	[tilespmem:s17+$0x10800] =	vst v3;
	v0 =	vadd.f32 v0, v11  }
0x14f: {  	s21 =	sor.u32 $0x280, s6;
	s22 =	sadd.s32 $0x30, s6;
	s23 =	sor.u32 $0x200, s5;
	v3 =	vld [tilespmem:s24+$0x4000];
	[tilespmem:s16+$0x10000] =	vst v1  }
0x150: {  	s25 =	sor.u32 $0x300, s6;
	s15 =	sor.u32 $0x280, s5;
	s13 =	sor.u32 $0x300, s5;
	v1 =	vld [tilespmem:s21+$0x4000];
	[tilespmem:s16+$0x10800] =	vst v0  }
0x151: {  	s29 =	sor.u32 $0x380, s6;
	s14 =	sor.u32 $0x380, s5;
	s10 =	sor.u32 $0x200, s8;
	v0 =	vld [tilespmem:s25+$0x4000]  }
0x152: {  	s11 =	sor.u32 $0x280, s8;
	s9 =	sor.u32 $0x300, s8;
	s8 =	sor.u32 $0x380, s8;
	v6 =	vld [tilespmem:s29+$0x4000]  }
0x153: {  	s28 =	sor.u32 $0x200, s22;
	s6 =	sor.u32 $0x280, s22;
	s5 =	sor.u32 $0x300, s22;
	v7 =	vld [tilespmem:s12+$0xC000]  }
0x154: {  	s18 =	sor.u32 s20, s7;
	s7 =	sor.u32 $0x380, s22;
	s17 =	sor.u32 s20, s19;
	v8 =	vld [tilespmem:s12+$0xC080]  }
0x155: {  	p1 =	slt.u32 s2, $0x7C0;
	s16 =	sor.u32 s20, s1;
	v10 =	vld [tilespmem:s12+$0xC100]  }
0x156: {  	v4 =	vadd.f32 v4, v9;
	v2 =	vadd.f32 v2, v5;
	v5 =	vld [tilespmem:s12+$0xC180]  }
0x157: {  	v1 =	vadd.f32 v1, v3;
	v0 =	vadd.f32 v6, v0;
	v3 =	vld [tilespmem:s24+$0xC000]  }
0x158: {  	v6 =	vld [tilespmem:s21+$0xC000]  }
0x159: {  	v2 =	vadd.f32 v2, v4;
	v0 =	vadd.f32 v0, v1;
	v1 =	vld [tilespmem:s25+$0xC000]  }
0x15a: {  	v4 =	vld [tilespmem:s29+$0xC000]  }
0x15b: {  	v0 =	vadd.f32 v0, v2;
	v2 =	vld [tilespmem:s23+$0x4000]  }
0x15c: {  	v9 =	vld [tilespmem:s15+$0x4000]  }
0x15d: {  	v0 =	vadd.f32 v13, v0;
	v11 =	vld [tilespmem:s13+$0x4000]  }
0x15e: {  	v7 =	vadd.f32 v8, v7;
	v5 =	vadd.f32 v5, v10;
	v8 =	vld [tilespmem:s14+$0x4000]  }
0x15f: {  	s31 =	sadd.s32 $0x40, s31;
	v3 =	vadd.f32 v6, v3;
	v1 =	vadd.f32 v4, v1;
	[tilespmem:s30+$0x0] =	vst v0;
	v0 =	vld [tilespmem:s23+$0xC000]  }
0x160: {  	v4 =	vld [tilespmem:s31+$0x0]  }
0x161: {  	v5 =	vadd.f32 v5, v7;
	v1 =	vadd.f32 v1, v3;
	v3 =	vld [tilespmem:s15+$0xC000]  }
0x162: {  	v2 =	vadd.f32 v9, v2;
	v6 =	vld [tilespmem:s13+$0xC000]  }
0x163: {  	v1 =	vadd.f32 v1, v5;
	v5 =	vadd.f32 v8, v11;
	v7 =	vld [tilespmem:s14+$0xC000]  }
0x164: {  	v8 =	vld [tilespmem:s10+$0x4000]  }
0x165: {  	v1 =	vadd.f32 v1, v4;
	v2 =	vadd.f32 v5, v2;
	v4 =	vld [tilespmem:s11+$0x4000]  }
0x166: {  	v0 =	vadd.f32 v3, v0;
	v3 =	vld [tilespmem:s9+$0x4000]  }
0x167: {  	[tilespmem:s31+$0x0] =	vst v1;
	v1 =	vld [tilespmem:s8+$0x4000]  }
0x168: {  	v5 =	vadd.f32 v7, v6;
	v6 =	vld [tilespmem:s10+$0xC000]  }
0x169: {  	v7 =	vld [tilespmem:s11+$0xC000]  }
0x16a: {  	v5 =	vadd.f32 v5, v0;
	v0 =	vadd.f32 v4, v8;
	v4 =	vld [tilespmem:s9+$0xC000]  }
0x16b: {  	v8 =	vld [tilespmem:s8+$0xC000]  }
0x16c: {  	v1 =	vadd.f32 v1, v3;
	v3 =	vld [tilespmem:s28+$0x4000]  }
0x16d: {  	v9 =	vld [tilespmem:s6+$0x4000]  }
0x16e: {  	v10 =	vadd.f32 v1, v0;
	v0 =	vadd.f32 v7, v6;
	v1 =	vld [tilespmem:s5+$0x4000]  }
0x16f: {  	v6 =	vld [tilespmem:s7+$0x4000]  }
0x170: {  	v4 =	vadd.f32 v8, v4;
	v7 =	vld [tilespmem:s28+$0xC000]  }
0x171: {  	v8 =	vld [tilespmem:s6+$0xC000]  }
0x172: {  	v12 =	vadd.f32 v4, v0;
	v0 =	vadd.f32 v9, v3;
	v3 =	vld [tilespmem:s5+$0xC000]  }
0x173: {  	v4 =	vld [tilespmem:s7+$0xC000]  }
0x174: {  	v9 =	vld [tilespmem:s4+$0x4000];
	v1 =	vadd.f32 v6, v1  }
0x175: {  	v6 =	vld [tilespmem:s4+$0x4080]  }
0x176: {  	v11 =	vld [tilespmem:s4+$0x4100];
	v1 =	vadd.f32 v1, v0;
	v0 =	vadd.f32 v8, v7  }
0x177: {  	v7 =	vld [tilespmem:s4+$0x4180]  }
0x178: {  	v8 =	vld [tilespmem:s4+$0xC000];
	v3 =	vadd.f32 v4, v3  }
0x179: {  	v4 =	vld [tilespmem:s4+$0xC080]  }
0x17a: {  	v6 =	vadd.f32 v6, v9;
	v9 =	vld [tilespmem:s4+$0xC100];
	v0 =	vadd.f32 v3, v0  }
0x17b: {  	v3 =	vld [tilespmem:s4+$0xC180]  }
0x17c: {  	v7 =	vadd.f32 v7, v11;
	v11 =	vld [tilespmem:s3+$0x4000]  }
0x17d: {  	v13 =	vld [tilespmem:s3+$0x4080]  }
0x17e: {  	v6 =	vadd.f32 v7, v6;
	v4 =	vadd.f32 v4, v8;
	v7 =	vld [tilespmem:s3+$0x4100]  }
0x17f: {  	v8 =	vld [tilespmem:s3+$0x4180]  }
0x180: {  	v2 =	vadd.f32 v2, v6;
	v3 =	vadd.f32 v3, v9;
	v6 =	vld [tilespmem:s3+$0xC000]  }
0x181: {  	v9 =	vld [tilespmem:s3+$0xC080]  }
0x182: {  	v3 =	vadd.f32 v3, v4;
	v4 =	vadd.f32 v13, v11;
	v11 =	vld [tilespmem:s3+$0xC100]  }
0x183: {  	v13 =	vld [tilespmem:s3+$0xC180]  }
0x184: {  	v3 =	vadd.f32 v5, v3;
	v5 =	vadd.f32 v8, v7;
	v7 =	vld [tilespmem:s26+$0x4000]  }
0x185: {  	v8 =	vld [tilespmem:s26+$0x4080]  }
0x186: {  	v4 =	vadd.f32 v5, v4;
	v5 =	vadd.f32 v9, v6;
	v6 =	vld [tilespmem:s26+$0x4100]  }
0x187: {  	v9 =	vld [tilespmem:s26+$0x4180]  }
0x188: {  	v4 =	vadd.f32 v10, v4;
	v10 =	vadd.f32 v13, v11;
	v14 =	vld [tilespmem:s26+$0xC000]  }
0x189: {  	v15 =	vld [tilespmem:s26+$0xC080]  }
0x18a: {  	v5 =	vadd.f32 v10, v5;
	v7 =	vadd.f32 v8, v7;
	v8 =	vld [tilespmem:s26+$0xC100]  }
.Ltmp1:
0x18b: {  	v10 =	vld [tilespmem:s26+$0xC180];
	(pc) =	sbr.rel @p1 .LBB2_4-.Ltmp1, $4  }
0x18c: {  	v11 =	vld [tilespmem:s18+$0x10000];
	v5 =	vadd.f32 v12, v5;
	v12 =	vadd.f32 v9, v6  }
0x18d: {  	v9 =	vld [tilespmem:s18+$0x10800]  }
0x18e: {  	v6 =	vld [tilespmem:s17+$0x10000];
	v13 =	vadd.f32 v12, v7;
	v12 =	vadd.f32 v15, v14  }
0x18f: {  	v7 =	vld [tilespmem:s17+$0x10800]  }
0x190: {  	v8 =	vadd.f32 v10, v8;
	v10 =	vld [tilespmem:s16+$0x10000]  }
0x191: {  	v2 =	vadd.f32 v11, v2;
	v11 =	vld [tilespmem:s16+$0x10800]  }
0x192: {  	v3 =	vadd.f32 v3, v9;
	v8 =	vadd.f32 v8, v12  }
0x193: {  	v1 =	vadd.f32 v1, v13;
	[tilespmem:s18+$0x10000] =	vst v2;
	v2 =	vadd.f32 v6, v4  }
0x194: {  	[tilespmem:s18+$0x10800] =	vst v3;
	v3 =	vadd.f32 v5, v7;
	v0 =	vadd.f32 v0, v8  }
0x195: {  	[tilespmem:s17+$0x10000] =	vst v2;
	v1 =	vadd.f32 v10, v1  }
0x196: {  	[tilespmem:s17+$0x10800] =	vst v3;
	v0 =	vadd.f32 v0, v11  }
0x197: {  	[tilespmem:s16+$0x10000] =	vst v1  }
0x198: {  	s30 =	simm.s32 $0x10000;
	s1 =	simm.s32 $0x80;
	[tilespmem:s16+$0x10800] =	vst v0  }
0x199: {  	s2 =	simm.s32 $0x100;
	s3 =	simm.s32 $0x5;
	s0 =	rddreg [dreg:$0x6]  }
0x19a: {  	[hbm4b:s0+s1] =	stream.strided.scatter [tilespmem:s30], [sflag:$0x5], $0x800, s2, s1, $0x38;
	[tilespmem:$0x11000] =	vst v63  }
0x19b: {  	_ =	swait.ge [sflag:s3], $0x800  }
0x19c: {  	[sflag:s3] =	ssyncset.done $0x0  }
0x19d: {  	s31 =	simm.s32 $0x10800;
	s13 =	rddreg [dreg:$0x7];
	[sflag:s3] =	ssyncadd.s32 $0xFFFFF800  }
0x19e: {  	[hbm4b:s13+s1] =	stream.strided.scatter [tilespmem:s31], [sflag:$0x5], $0x800, s2, s1, $0x38;
	[tilespmem:$0x11000] =	vst v63  }
0x19f: {  	_ =	swait.ge [sflag:s3], $0x800  }
0x1a0: {  	[sflag:s3] =	ssyncset.done $0x0  }
0x1a1: {  	s14 =	simm.s32 $0x0;
	s15 =	rddreg [dreg:$0x8];
	[sflag:s3] =	ssyncadd.s32 $0xFFFFF800  }
0x1a2: {  	[tilespmem:s14], [sflag:$0x1] =	stream.linear.gather [hbm4b:s15+s14], $0x4000, $0x38;
	[tilespmem:$0x11000] =	vst v63  }
0x1a3: {  	s17 =	simm.s32 $0x8000;
	s16 =	rddreg [dreg:$0x9]  }
0x1a4: {  	[tilespmem:s17], [sflag:$0x3] =	stream.linear.gather [hbm4b:s16+s14], $0x4000, $0x38;
	[tilespmem:$0x11000] =	vst v63  }
0x1a5: {  	s19 =	simm.s32 $0x4000;
	s18 =	rddreg [dreg:$0xa]  }
0x1a6: {  	[tilespmem:s19], [sflag:$0x2] =	stream.linear.gather [hbm4b:s18+s14], $0x4000, $0x38;
	[tilespmem:$0x11000] =	vst v63  }
0x1a7: {  	s21 =	simm.s32 $0xC000;
	s22 =	simm.s32 $0x1;
	s20 =	rddreg [dreg:$0xb]  }
0x1a8: {  	[tilespmem:s21], [sflag:$0x4] =	stream.linear.gather [hbm4b:s20+s14], $0x4000, $0x38;
	[tilespmem:$0x11000] =	vst v63  }
0x1a9: {  	_ =	swait.ge [sflag:s22], $0x4000  }
0x1aa: {  	s23 =	simm.s32 $0x3;
	p0 =	por $0x0, $0x0;
	[sflag:s22] =	ssyncset.done $0x0  }
0x1ab: {  	s25 =	sand.u32 $0x3C00, s14;
	s16 =	simm.s32 $0x0;
	[sflag:s22] =	ssyncadd.s32 $0xFFFFC000  }
0x1ac: {  	s1 =	simm.s32 $0x1;
	s24 =	sand.u32 $0x40, s16;
	_ =	swait.ge [sflag:s23], $0x4000  }
0x1ad: {  	s1 =	simm.s32 @!p0 $0x0;
	s17 =	sor.u32 $0x30, s24;
	[sflag:s23] =	ssyncset.done $0x0  }
0x1ae: {  	s1 =	sshll.u32 s1, $0x6;
	s26 =	sor.u32 s17, s25;
	[sflag:s23] =	ssyncadd.s32 $0xFFFFC000  }
0x1af: {  	s1 =	sadd.s32 $0x0, s1;
	v50 =	vld [tilespmem:s26+$0x8000]  }
0x1b0: {  	s8 =	sadd.s32 $0x10, s1;
	v14 =	vld [tilespmem:s26+$0x8080]  }
0x1b1: {  	s9 =	sor.u32 $0x200, s8;
	v2 =	vld [tilespmem:s26+$0x8100]  }
0x1b2: {  	s4 =	sadd.s32 $0x30, s1;
	v0 =	vld [tilespmem:s9+$0x0]  }
0x1b3: {  	s5 =	sor.u32 $0x200, s4;
	v3 =	vld [tilespmem:s26+$0x8180]  }
0x1b4: {  	s6 =	sor.u32 $0x280, s4;
	v4 =	vld [tilespmem:s5+$0x8000]  }
0x1b5: {  	s7 =	sor.u32 $0x300, s4;
	v5 =	vld [tilespmem:s6+$0x8000]  }
0x1b6: {  	s4 =	sor.u32 $0x380, s4;
	v6 =	vld [tilespmem:s7+$0x8000]  }
0x1b7: {  	v7 =	vld [tilespmem:s4+$0x8000];
	[tilespmem:$0x1FED0] =	vst v0  }
0x1b8: {  	v9 =	vld [tilespmem:s26+$0x0]  }
0x1b9: {  	v10 =	vld [tilespmem:s26+$0x80]  }
0x1ba: {  	v11 =	vld [tilespmem:s26+$0x100]  }
0x1bb: {  	s10 =	sor.u32 $0x280, s8;
	v12 =	vld [tilespmem:s26+$0x180]  }
0x1bc: {  	s28 =	sor.u32 $0x300, s8;
	v13 =	vld [tilespmem:s10+$0x0]  }
0x1bd: {  	v56 =	vld [tilespmem:s28+$0x0]  }
0x1be: {  	v15 =	vld [tilespmem:s5+$0x0]  }
0x1bf: {  	v16 =	vld [tilespmem:s6+$0x0]  }
0x1c0: {  	v17 =	vld [tilespmem:s7+$0x0]  }
0x1c1: {  	s29 =	sor.u32 $0x380, s8;
	v18 =	vld [tilespmem:s4+$0x0]  }
0x1c2: {  	v19 =	vld [tilespmem:s29+$0x0]  }
0x1c3: {  	v20 =	vld [tilespmem:s9+$0x8000]  }
0x1c4: {  	v21 =	vld [tilespmem:s10+$0x8000]  }
0x1c5: {  	v22 =	vld [tilespmem:s28+$0x8000]  }
0x1c6: {  	s11 =	sor.u32 $0x280, s1;
	v23 =	vld [tilespmem:s29+$0x8000]  }
0x1c7: {  	s12 =	sor.u32 $0x300, s1;
	v33 =	vld [tilespmem:s11+$0x0]  }
0x1c8: {  	v34 =	vld [tilespmem:s12+$0x0]  }
0x1c9: {  	s18 =	sor.u32 $0x10, s24;
	v37 =	vld [tilespmem:s11+$0x8000]  }
0x1ca: {  	s13 =	sor.u32 s18, s25;
	v38 =	vld [tilespmem:s12+$0x8000]  }
0x1cb: {  	v40 =	vld [tilespmem:s13+$0x0]  }
0x1cc: {  	v41 =	vld [tilespmem:s13+$0x80]  }
0x1cd: {  	v42 =	vld [tilespmem:s13+$0x100]  }
0x1ce: {  	v43 =	vld [tilespmem:s13+$0x180]  }
0x1cf: {  	v44 =	vld [tilespmem:s13+$0x8000]  }
0x1d0: {  	v45 =	vld [tilespmem:s13+$0x8080]  }
0x1d1: {  	v46 =	vld [tilespmem:s13+$0x8100]  }
0x1d2: {  	s10 =	sor.u32 $0x200, s1;
	v47 =	vld [tilespmem:s13+$0x8180]  }
0x1d3: {  	s6 =	sadd.s32 $0x20, s1;
	s1 =	sor.u32 $0x380, s1;
	v32 =	vld [tilespmem:s10+$0x0]  }
0x1d4: {  	v35 =	vld [tilespmem:s1+$0x0]  }
0x1d5: {  	v36 =	vld [tilespmem:s10+$0x8000]  }
0x1d6: {  	s7 =	sor.u32 $0x200, s6;
	v39 =	vld [tilespmem:s1+$0x8000]  }
0x1d7: {  	s8 =	sor.u32 $0x280, s6;
	v58 =	vld [tilespmem:s7+$0x0]  }
0x1d8: {  	s9 =	sor.u32 $0x300, s6;
	v25 =	vld [tilespmem:s8+$0x0]  }
0x1d9: {  	s4 =	sor.u32 $0x380, s6;
	v26 =	vld [tilespmem:s9+$0x0]  }
0x1da: {  	s26 =	sor.u32 $0x20, s24;
	v27 =	vld [tilespmem:s4+$0x0]  }
0x1db: {  	s14 =	sor.u32 s26, s25;
	v28 =	vld [tilespmem:s7+$0x8000]  }
0x1dc: {  	v0 =	vld [tilespmem:s14+$0x100]  }
0x1dd: {  	v29 =	vld [tilespmem:s8+$0x8000]  }
0x1de: {  	v30 =	vld [tilespmem:s9+$0x8000]  }
0x1df: {  	v31 =	vld [tilespmem:s4+$0x8000]  }
0x1e0: {  	v48 =	vld [tilespmem:s14+$0x0]  }
0x1e1: {  	v49 =	vld [tilespmem:s14+$0x80];
	[tilespmem:$0x1FEE0] =	vst v0  }
0x1e2: {  	v0 =	vld [tilespmem:s14+$0x8000];
	_ =	sdelay $0x4  }
0x1e3: {  	s15 =	sor.u32 s24, s25;
	v51 =	vld [tilespmem:s14+$0x180];
	[tilespmem:$0x1FEF0] =	vst v0  }
0x1e4: {  	v0 =	vld [tilespmem:s15+$0x100]  }
0x1e5: {  	v53 =	vld [tilespmem:s14+$0x8080]  }
0x1e6: {  	v54 =	vld [tilespmem:s14+$0x8100]  }
0x1e7: {  	v55 =	vld [tilespmem:s14+$0x8180]  }
0x1e8: {  	v60 =	vld [tilespmem:s15+$0x0]  }
0x1e9: {  	v57 =	vld [tilespmem:s15+$0x80];
	[tilespmem:$0x1FF00] =	vst v0  }
0x1ea: {  	v0 =	vld [tilespmem:s15+$0x180];
	_ =	sdelay $0x4  }
0x1eb: {  	[tilespmem:$0x1FF10] =	vst v0  }
0x1ec: {  	v0 =	vld [tilespmem:s15+$0x8000];
	_ =	sdelay $0x4  }
0x1ed: {  	s0 =	simm.s32 $0x40;
	[tilespmem:$0x1FF20] =	vst v0  }
0x1ee: {  	s2 =	simm.s32 $0x200;
	s28 =	sand.u32 $0x40, s0;
	v61 =	vld [tilespmem:s15+$0x8080]  }
0x1ef: {  	s3 =	sand.u32 $0x3C00, s2;
	s4 =	sor.u32 $0x30, s28;
	v62 =	vld [tilespmem:s15+$0x8100]  }
0x1f0: {  	p0 =	por !p0, !p0;
	s1 =	simm.s32 $0x1;
	s19 =	sor.u32 s4, s3;
	v63 =	vld [tilespmem:s15+$0x8180]  }
0x1f1: {  	s1 =	simm.s32 @!p0 $0x0;
	v59 =	vld [tilespmem:s19+$0x0]  }
0x1f2: {  	s1 =	sshll.u32 s1, $0x6;
	v52 =	vld [tilespmem:s19+$0x8000]  }
0x1f3: {  	s20 =	sadd.s32 $0x200, s1;
	v24 =	vld [tilespmem:s19+$0x8080]  }
0x1f4: {  	s1 =	sadd.s32 $0x30, s20;
	v1 =	vld [tilespmem:s19+$0x8100]  }
0x1f5: {  	s21 =	sor.u32 $0x200, s1;
	v0 =	vld [tilespmem:s19+$0x8180]  }
0x1f6: {  	v8 =	vld [tilespmem:s21+$0x8000];
	[tilespmem:$0x1FF30] =	vst v59  }
0x1f7: {  	v59 =	vld [tilespmem:s19+$0x80];
	_ =	sdelay $0x4  }
0x1f8: {  	[tilespmem:$0x1FF40] =	vst v59  }
0x1f9: {  	v59 =	vld [tilespmem:s19+$0x100];
	_ =	sdelay $0x4  }
0x1fa: {  	[tilespmem:$0x1FF60] =	vst v59  }
0x1fb: {  	v59 =	vld [tilespmem:s19+$0x180];
	_ =	sdelay $0x3  }
0x1fc: {  	v14 =	vadd.f32 v14, v50;
	v50 =	vld [tilespmem:$0x1FED0]  }
0x1fd: {  	v43 =	vadd.f32 v43, v42;
	v42 =	vld [tilespmem:$0x1FF40];
	[tilespmem:$0x1FF50] =	vst v59  }
0x1fe: {  	v2 =	vadd.f32 v3, v2;
	s22 =	sor.u32 $0x280, s1;
	v3 =	vld [tilespmem:s21+$0x0]  }
0x1ff: {  	v4 =	vadd.f32 v5, v4;
	v5 =	vadd.f32 v7, v6;
	s23 =	sor.u32 $0x300, s1;
	v6 =	vld [tilespmem:s22+$0x8000]  }
0x200: {  	v7 =	vld [tilespmem:s23+$0x8000]  }
0x201: {  	v2 =	vadd.f32 v2, v14;
	v4 =	vadd.f32 v5, v4;
	v5 =	vld [tilespmem:s22+$0x0]  }
0x202: {  	v9 =	vadd.f32 v10, v9;
	v10 =	vadd.f32 v12, v11;
	s24 =	sadd.s32 $0x10, s20;
	s1 =	sor.u32 $0x380, s1;
	v11 =	vld [tilespmem:s23+$0x0]  }
0x203: {  	v12 =	vadd.f32 v16, v15;
	v14 =	vadd.f32 v18, v17;
	s25 =	sor.u32 $0x200, s24;
	v15 =	vld [tilespmem:s1+$0x8000]  }
0x204: {  	v9 =	vadd.f32 v10, v9;
	v10 =	vld [tilespmem:s25+$0x0]  }
0x205: {  	v12 =	vadd.f32 v14, v12;
	v14 =	vld [tilespmem:s1+$0x0]  }
0x206: {  	s29 =	sor.u32 $0x280, s24;
	v59 =	vadd.f32 v19, v56;
	v19 =	vld [tilespmem:s25+$0x8000]  }
0x207: {  	v21 =	vadd.f32 v21, v20;
	v23 =	vadd.f32 v23, v22;
	s7 =	sor.u32 $0x300, s24;
	v16 =	vld [tilespmem:s29+$0x8000]  }
0x208: {  	v25 =	vadd.f32 v25, v58;
	v27 =	vadd.f32 v27, v26;
	v20 =	vld [tilespmem:s7+$0x0]  }
0x209: {  	s6 =	sor.u32 $0x380, s24;
	v9 =	vadd.f32 v12, v9;
	v12 =	vadd.f32 v23, v21;
	v23 =	vld [tilespmem:s7+$0x8000]  }
0x20a: {  	s8 =	sadd.s32 $0x20, s20;
	v17 =	vadd.f32 v27, v25;
	v25 =	vld [tilespmem:s6+$0x0]  }
0x20b: {  	s9 =	sor.u32 $0x200, s8;
	v26 =	vld [tilespmem:s6+$0x8000]  }
0x20c: {  	v13 =	vadd.f32 v13, v50;
	v50 =	vadd.f32 v29, v28;
	v29 =	vld [tilespmem:s9+$0x0]  }
0x20d: {  	v37 =	vadd.f32 v37, v36;
	s10 =	sor.u32 $0x280, s8;
	v58 =	vadd.f32 v33, v32;
	v32 =	vld [tilespmem:s9+$0x8000]  }
0x20e: {  	v39 =	vadd.f32 v39, v38;
	s11 =	sor.u32 $0x300, s8;
	v56 =	vadd.f32 v31, v30;
	v30 =	vld [tilespmem:s10+$0x8000]  }
0x20f: {  	s12 =	sor.u32 $0x200, s20;
	v31 =	vld [tilespmem:s11+$0x0]  }
0x210: {  	v41 =	vadd.f32 v41, v40;
	s13 =	sor.u32 $0x280, s20;
	v27 =	vadd.f32 v39, v37;
	v39 =	vld [tilespmem:s12+$0x0]  }
0x211: {  	v44 =	vadd.f32 v45, v44;
	v45 =	vadd.f32 v47, v46;
	s15 =	sor.u32 $0x10, s28;
	v40 =	vld [tilespmem:s13+$0x0]  }
0x212: {  	v46 =	vadd.f32 v43, v41;
	s19 =	sor.u32 s15, s3;
	v43 =	vld [tilespmem:s12+$0x8000]  }
0x213: {  	v47 =	vadd.f32 v45, v44;
	v44 =	vld [tilespmem:s19+$0x180]  }
0x214: {  	v45 =	vld [tilespmem:$0x1FF50]  }
0x215: {  	s5 =	sor.u32 $0x380, s20;
	v49 =	vadd.f32 v49, v48;
	v48 =	vld [tilespmem:s19+$0x8080]  }
0x216: {  	v24 =	vadd.f32 v24, v52;
	v52 =	vld [tilespmem:s5+$0x0]  }
0x217: {  	v2 =	vadd.f32 v4, v2;
	v4 =	vadd.f32 v59, v13;
	v13 =	vld [tilespmem:s29+$0x0]  }
0x218: {  	s1 =	sor.u32 $0x380, s8;
	v59 =	vadd.f32 v35, v34;
	v35 =	vld [tilespmem:s10+$0x0]  }
0x219: {  	v33 =	vld [tilespmem:s1+$0x0]  }
0x21a: {  	v0 =	vadd.f32 v0, v1;
	v21 =	vadd.f32 v56, v50;
	v50 =	vld [tilespmem:$0x1FEE0]  }
0x21b: {  	v12 =	vadd.f32 v12, v47;
	v55 =	vadd.f32 v55, v54;
	v34 =	vld [tilespmem:s11+$0x8000]  }
0x21c: {  	v0 =	vadd.f32 v0, v24;
	v38 =	vld [tilespmem:s1+$0x8000];
	v56 =	vadd.f32 v57, v60  }
0x21d: {  	s14 =	sor.u32 $0x300, s20;
	v57 =	vld [tilespmem:$0x1FF00];
	v60 =	vadd.f32 v63, v62;
	v18 =	vadd.f32 v59, v58  }
0x21e: {  	v62 =	vld [tilespmem:s14+$0x8000];
	v4 =	vadd.f32 v4, v46;
	v1 =	vadd.f32 v6, v8  }
0x21f: {  	v58 =	vld [tilespmem:$0x1FF10];
	v6 =	vadd.f32 v15, v7;
	v3 =	vadd.f32 v5, v3  }
0x220: {  	v59 =	vld [tilespmem:$0x1FF20];
	v11 =	vadd.f32 v14, v11;
	v47 =	vadd.f32 v25, v20  }
0x221: {  	v63 =	vld [tilespmem:s19+$0x80];
	v28 =	vadd.f32 v51, v50;
	v10 =	vadd.f32 v13, v10  }
0x222: {  	v51 =	vld [tilespmem:$0x1FEF0];
	v50 =	vadd.f32 v16, v19;
	v54 =	vadd.f32 v33, v31  }
0x223: {  	v46 =	vld [tilespmem:$0x1FF60];
	v1 =	vadd.f32 v6, v1;
	v3 =	vadd.f32 v11, v3  }
0x224: {  	v5 =	vld [tilespmem:s19+$0x8000];
	v22 =	vadd.f32 v28, v49;
	v37 =	vadd.f32 v58, v57  }
0x225: {  	v7 =	vld [tilespmem:s19+$0x0];
	v41 =	vadd.f32 v61, v59;
	v10 =	vadd.f32 v47, v10  }
0x226: {  	v6 =	vld [tilespmem:s19+$0x100];
	v58 =	vadd.f32 v38, v34;
	v0 =	vadd.f32 v1, v0  }
0x227: {  	s21 =	sor.u32 $0x20, s28;
	v11 =	vld [tilespmem:s19+$0x8180];
	v17 =	vadd.f32 v17, v22;
	v36 =	vadd.f32 v53, v51  }
0x228: {  	s23 =	sor.u32 s21, s3;
	v49 =	vld [tilespmem:s19+$0x8100];
	v28 =	vadd.f32 v37, v56;
	v61 =	vadd.f32 v60, v41  }
0x229: {  	v57 =	vld [tilespmem:s23+$0x100];
	v5 =	vadd.f32 v48, v5;
	v36 =	vadd.f32 v55, v36  }
0x22a: {  	v59 =	vld [tilespmem:s23+$0x8000];
	v60 =	vadd.f32 v40, v39;
	v51 =	vadd.f32 v26, v23  }
0x22b: {  	s20 =	sand.u32 $0x780, s16;
	v53 =	vadd.f32 v35, v29;
	v21 =	vadd.f32 v21, v36;
	v36 =	vld [tilespmem:$0x1FF30]  }
0x22c: {  	s22 =	sor.u32 s20, s17;
	v22 =	vld [tilespmem:s13+$0x8000];
	v8 =	vadd.f32 v18, v28;
	v15 =	vadd.f32 v27, v61  }
0x22d: {  	s24 =	sor.u32 s20, s18;
	v27 =	vadd.f32 v45, v46;
	v6 =	vadd.f32 v44, v6;
	v55 =	vld [tilespmem:s5+$0x8000];
	[tilespmem:s22+$0x10800] =	vst v2  }
0x22e: {  	v56 =	vld [tilespmem:s23+$0x0];
	v14 =	vadd.f32 v51, v50;
	[tilespmem:s24+$0x10000] =	vst v4;
	v4 =	vadd.f32 v63, v7  }
0x22f: {  	[tilespmem:s22+$0x10000] =	vst v9;
	v2 =	vadd.f32 v30, v32;
	v9 =	vld [tilespmem:s23+$0x80];
	v7 =	vadd.f32 v11, v49  }
0x230: {  	s25 =	sand.u32 $0x780, s0;
	s1 =	sor.u32 s20, s26;
	[tilespmem:s24+$0x10800] =	vst v12;
	v11 =	vld [tilespmem:s23+$0x180];
	v4 =	vadd.f32 v6, v4;
	v13 =	vadd.f32 v42, v36  }
0x231: {  	s26 =	sor.u32 s25, s4;
	v37 =	vld [tilespmem:s14+$0x0];
	[tilespmem:s1+$0x10000] =	vst v17;
	v5 =	vadd.f32 v7, v5;
	v2 =	vadd.f32 v58, v2  }
0x232: {  	v61 =	vld [tilespmem:s23+$0x8080];
	[tilespmem:s26+$0x10800] =	vst v0;
	v62 =	vadd.f32 v55, v62;
	v1 =	vadd.f32 v27, v13  }
0x233: {  	[tilespmem:s30+$0x0] =	vst v8;
	v7 =	vld [tilespmem:s23+$0x8180];
	v0 =	vadd.f32 v10, v4;
	v5 =	vadd.f32 v14, v5  }
0x234: {  	s16 =	sor.u32 s28, s3;
	s29 =	sor.u32 s25, s15;
	[tilespmem:s31+$0x0] =	vst v15;
	v4 =	vld [tilespmem:s23+$0x8100];
	v10 =	vadd.f32 v22, v43;
	v3 =	vadd.f32 v3, v1  }
0x235: {  	v6 =	vld [tilespmem:s16+$0x0];
	v63 =	vadd.f32 v9, v56;
	v11 =	vadd.f32 v11, v57;
	[tilespmem:s29+$0x10000] =	vst v0  }
0x236: {  	v9 =	vld [tilespmem:s16+$0x80];
	v0 =	vadd.f32 v62, v10;
	[tilespmem:s26+$0x10000] =	vst v3;
	v3 =	vadd.f32 v52, v37  }
0x237: {  	v8 =	vld [tilespmem:s16+$0x180];
	[tilespmem:s1+$0x10800] =	vst v21;
	v11 =	vadd.f32 v11, v63;
	v1 =	vadd.f32 v54, v53  }
0x238: {  	s17 =	sor.u32 s25, s21;
	[tilespmem:s29+$0x10800] =	vst v5;
	v5 =	vld [tilespmem:s16+$0x100];
	v10 =	vadd.f32 v61, v59;
	v3 =	vadd.f32 v3, v60  }
.LBB2_6:
0x239: {  	s0 =	sadd.s32 $0x40, s0;
	v12 =	vld [tilespmem:s16+$0x8000];
	v1 =	vadd.f32 v1, v11;
	v4 =	vadd.f32 v7, v4;
	s2 =	sadd.s32 $0x200, s2  }
0x23a: {  	s30 =	sadd.s32 $0x40, s30;
	p0 =	por !p0, !p0;
	s1 =	sand.u32 $0x40, s0;
	v7 =	vld [tilespmem:s16+$0x8080]  }
0x23b: {  	s4 =	simm.s32 $0x1;
	s3 =	sand.u32 $0x3C00, s2;
	s28 =	sor.u32 $0x30, s1;
	v6 =	vadd.f32 v9, v6;
	v9 =	vld [tilespmem:s16+$0x8100];
	v4 =	vadd.f32 v4, v10;
	[tilespmem:s17+$0x10000] =	vst v1  }
0x23c: {  	s4 =	simm.s32 @!p0 $0x0;
	s5 =	sor.u32 $0x10, s1;
	s24 =	sor.u32 s28, s3;
	v1 =	vld [tilespmem:s16+$0x8180]  }
0x23d: {  	s6 =	sshll.u32 s4, $0x6;
	s12 =	sor.u32 $0x20, s1;
	s4 =	sor.u32 s5, s3;
	v10 =	vld [tilespmem:s24+$0x8000];
	v5 =	vadd.f32 v8, v5;
	v2 =	vadd.f32 v2, v4  }
0x23e: {  	s19 =	sadd.s32 s6, s2;
	s16 =	sor.u32 s1, s3;
	s3 =	sor.u32 s12, s3;
	v4 =	vld [tilespmem:s24+$0x8080]  }
0x23f: {  	s1 =	sadd.s32 $0x10, s19;
	s6 =	sadd.s32 $0x20, s19;
	s7 =	sadd.s32 $0x30, s19;
	v8 =	vld [tilespmem:s24+$0x8100];
	v5 =	vadd.f32 v5, v6;
	v6 =	vadd.f32 v7, v12;
	[tilespmem:s17+$0x10800] =	vst v2  }
0x240: {  	s23 =	sor.u32 $0x200, s1;
	s14 =	sor.u32 $0x280, s1;
	s17 =	sor.u32 $0x200, s7;
	v2 =	vld [tilespmem:s24+$0x8180]  }
0x241: {  	s15 =	sor.u32 $0x300, s1;
	s13 =	sor.u32 $0x380, s1;
	s1 =	sor.u32 $0x280, s7;
	v7 =	vld [tilespmem:s17+$0x8000];
	v3 =	vadd.f32 v3, v5;
	v1 =	vadd.f32 v1, v9  }
0x242: {  	s11 =	sor.u32 $0x200, s6;
	s10 =	sor.u32 $0x280, s6;
	s20 =	sor.u32 $0x300, s7;
	v5 =	vld [tilespmem:s1+$0x8000]  }
0x243: {  	s9 =	sor.u32 $0x300, s6;
	s8 =	sor.u32 $0x380, s6;
	s21 =	sor.u32 $0x380, s7;
	v9 =	vld [tilespmem:s20+$0x8000];
	v1 =	vadd.f32 v1, v6;
	[tilespmem:s30+$0x0] =	vst v3  }
0x244: {  	s18 =	sor.u32 $0x300, s19;
	s6 =	sor.u32 $0x280, s19;
	s7 =	sor.u32 $0x200, s19;
	v3 =	vld [tilespmem:s21+$0x8000]  }
0x245: {  	p1 =	slt.u32 s0, $0x7C0;
	s26 =	sor.u32 $0x380, s19;
	v6 =	vld [tilespmem:s23+$0x0];
	v0 =	vadd.f32 v0, v1  }
0x246: {  	s31 =	sadd.s32 $0x40, s31;
	v1 =	vld [tilespmem:s14+$0x0]  }
0x247: {  	v11 =	vld [tilespmem:s15+$0x0];
	[tilespmem:s31+$0x0] =	vst v0  }
0x248: {  	v4 =	vadd.f32 v4, v10;
	v2 =	vadd.f32 v2, v8;
	v0 =	vld [tilespmem:s24+$0x0]  }
0x249: {  	v5 =	vadd.f32 v5, v7;
	v8 =	vld [tilespmem:s24+$0x80];
	v3 =	vadd.f32 v3, v9  }
0x24a: {  	v7 =	vld [tilespmem:s24+$0x100]  }
0x24b: {  	v2 =	vadd.f32 v2, v4;
	v9 =	vld [tilespmem:s24+$0x180];
	v3 =	vadd.f32 v3, v5  }
0x24c: {  	v1 =	vadd.f32 v1, v6;
	v4 =	vld [tilespmem:s17+$0x0]  }
0x24d: {  	s19 =	sand.u32 $0x780, s0;
	v5 =	vld [tilespmem:s1+$0x0];
	v2 =	vadd.f32 v3, v2  }
0x24e: {  	s5 =	sor.u32 s19, s5;
	s17 =	sor.u32 s19, s12;
	s1 =	sor.u32 s19, s28;
	v0 =	vadd.f32 v8, v0;
	v3 =	vld [tilespmem:s20+$0x0]  }
0x24f: {  	v6 =	vld [tilespmem:s21+$0x0];
	[tilespmem:s1+$0x10800] =	vst v2  }
0x250: {  	v2 =	vld [tilespmem:s13+$0x0];
	v7 =	vadd.f32 v9, v7  }
0x251: {  	v8 =	vld [tilespmem:s23+$0x8000]  }
0x252: {  	v9 =	vld [tilespmem:s14+$0x8000];
	v0 =	vadd.f32 v7, v0;
	v4 =	vadd.f32 v5, v4  }
0x253: {  	v5 =	vld [tilespmem:s15+$0x8000]  }
0x254: {  	v7 =	vld [tilespmem:s13+$0x8000];
	v3 =	vadd.f32 v6, v3  }
0x255: {  	v2 =	vadd.f32 v2, v11;
	v6 =	vld [tilespmem:s11+$0x0]  }
0x256: {  	v10 =	vld [tilespmem:s10+$0x0];
	v3 =	vadd.f32 v3, v4  }
0x257: {  	v4 =	vadd.f32 v2, v1;
	v1 =	vadd.f32 v9, v8;
	v2 =	vld [tilespmem:s9+$0x0]  }
0x258: {  	v8 =	vld [tilespmem:s8+$0x0];
	v0 =	vadd.f32 v3, v0  }
0x259: {  	v3 =	vadd.f32 v7, v5;
	v5 =	vld [tilespmem:s11+$0x8000]  }
0x25a: {  	v7 =	vld [tilespmem:s10+$0x8000];
	[tilespmem:s1+$0x10000] =	vst v0  }
0x25b: {  	v9 =	vadd.f32 v3, v1;
	v0 =	vadd.f32 v10, v6;
	v3 =	vld [tilespmem:s9+$0x8000]  }
0x25c: {  	v6 =	vld [tilespmem:s8+$0x8000]  }
0x25d: {  	v10 =	vld [tilespmem:s7+$0x0];
	v1 =	vadd.f32 v8, v2  }
0x25e: {  	v2 =	vld [tilespmem:s6+$0x0]  }
0x25f: {  	v8 =	vld [tilespmem:s18+$0x0];
	v1 =	vadd.f32 v1, v0;
	v0 =	vadd.f32 v7, v5  }
0x260: {  	v5 =	vld [tilespmem:s26+$0x0]  }
0x261: {  	v7 =	vld [tilespmem:s7+$0x8000];
	v3 =	vadd.f32 v6, v3  }
0x262: {  	v6 =	vld [tilespmem:s6+$0x8000]  }
0x263: {  	v10 =	vadd.f32 v2, v10;
	v11 =	vld [tilespmem:s18+$0x8000];
	v2 =	vadd.f32 v3, v0  }
0x264: {  	v0 =	vld [tilespmem:s26+$0x8000]  }
0x265: {  	v3 =	vadd.f32 v5, v8;
	v5 =	vld [tilespmem:s4+$0x0]  }
0x266: {  	v8 =	vld [tilespmem:s4+$0x80]  }
0x267: {  	v3 =	vadd.f32 v3, v10;
	v6 =	vadd.f32 v6, v7;
	v7 =	vld [tilespmem:s4+$0x100]  }
0x268: {  	v10 =	vld [tilespmem:s4+$0x180]  }
0x269: {  	v0 =	vadd.f32 v0, v11;
	v11 =	vld [tilespmem:s4+$0x8000]  }
0x26a: {  	v12 =	vld [tilespmem:s4+$0x8080]  }
0x26b: {  	v0 =	vadd.f32 v0, v6;
	v5 =	vadd.f32 v8, v5;
	v6 =	vld [tilespmem:s4+$0x8100]  }
0x26c: {  	v8 =	vld [tilespmem:s4+$0x8180]  }
0x26d: {  	v7 =	vadd.f32 v10, v7;
	v10 =	vld [tilespmem:s3+$0x0]  }
0x26e: {  	v13 =	vld [tilespmem:s3+$0x80]  }
0x26f: {  	v5 =	vadd.f32 v7, v5;
	v7 =	vadd.f32 v12, v11;
	v11 =	vld [tilespmem:s3+$0x100]  }
0x270: {  	v12 =	vld [tilespmem:s3+$0x180]  }
0x271: {  	v4 =	vadd.f32 v4, v5;
	v5 =	vadd.f32 v8, v6;
	v8 =	vld [tilespmem:s3+$0x8000]  }
0x272: {  	v14 =	vld [tilespmem:s3+$0x8080]  }
0x273: {  	v5 =	vadd.f32 v5, v7;
	[tilespmem:s5+$0x10000] =	vst v4;
	v10 =	vadd.f32 v13, v10;
	v4 =	vld [tilespmem:s3+$0x8100]  }
.Ltmp2:
0x274: {  	v7 =	vld [tilespmem:s3+$0x8180];
	(pc) =	sbr.rel @p1 .LBB2_6-.Ltmp2, $4  }
0x275: {  	v6 =	vld [tilespmem:s16+$0x0];
	v13 =	vadd.f32 v9, v5;
	v11 =	vadd.f32 v12, v11  }
0x276: {  	v9 =	vld [tilespmem:s16+$0x80]  }
0x277: {  	v5 =	vld [tilespmem:s16+$0x100];
	[tilespmem:s5+$0x10800] =	vst v13;
	v11 =	vadd.f32 v11, v10;
	v10 =	vadd.f32 v14, v8  }
0x278: {  	v8 =	vld [tilespmem:s16+$0x180]  }
0x279: {  	v12 =	vld [tilespmem:s16+$0x8000]  }
0x27a: {  	v13 =	vld [tilespmem:s16+$0x8080]  }
0x27b: {  	v14 =	vld [tilespmem:s16+$0x8100]  }
0x27c: {  	v15 =	vld [tilespmem:s16+$0x8180];
	_ =	sdelay $0x1  }
0x27d: {  	v4 =	vadd.f32 v7, v4  }
0x27e: {  	v6 =	vadd.f32 v9, v6  }
0x27f: {  	v4 =	vadd.f32 v4, v10;
	v5 =	vadd.f32 v8, v5  }
0x280: {  	v7 =	vadd.f32 v13, v12;
	v8 =	vadd.f32 v15, v14  }
0x281: {  	v1 =	vadd.f32 v1, v11;
	v5 =	vadd.f32 v5, v6  }
0x282: {  	v2 =	vadd.f32 v2, v4;
	v4 =	vadd.f32 v8, v7  }
0x283: {  	[tilespmem:s17+$0x10000] =	vst v1;
	v1 =	vadd.f32 v3, v5  }
0x284: {  	s0 =	sadd.s32 $0x40, s30;
	[tilespmem:s17+$0x10800] =	vst v2;
	v0 =	vadd.f32 v0, v4  }
0x285: {  	s7 =	sadd.s32 $0x40, s31;
	[tilespmem:s0+$0x0] =	vst v1  }
0x286: {  	s8 =	simm.s32 $0x2;
	[tilespmem:s7+$0x0] =	vst v0  }
0x287: {  	_ =	swait.ge [sflag:s8], $0x4000  }
0x288: {  	[sflag:s8] =	ssyncset.done $0x0  }
0x289: {  	s9 =	simm.s32 $0x4;
	[sflag:s8] =	ssyncadd.s32 $0xFFFFC000  }
0x28a: {  	s2 =	simm.s32 $0x0;
	_ =	swait.ge [sflag:s9], $0x4000  }
0x28b: {  	s30 =	simm.s32 $0x10000;
	s0 =	simm.s32 $0x0;
	[sflag:s9] =	ssyncset.done $0x0  }
0x28c: {  	s4 =	sand.u32 $0x40, s2;
	s3 =	sand.u32 $0x3C00, s0;
	[sflag:s9] =	ssyncadd.s32 $0xFFFFC000  }
0x28d: {  	p0 =	por $0x0, $0x0;
	s5 =	simm.s32 $0x1;
	s1 =	sor.u32 s4, s3;
	v0 =	vld [tilespmem:s30+$0x0]  }
0x28e: {  	s5 =	simm.s32 @!p0 $0x0;
	v1 =	vld [tilespmem:s1+$0x4000]  }
0x28f: {  	s5 =	sshll.u32 s5, $0x6;
	v2 =	vld [tilespmem:s1+$0x4080]  }
0x290: {  	s5 =	sadd.s32 $0x0, s5;
	v3 =	vld [tilespmem:s1+$0x4100]  }
0x291: {  	s6 =	sor.u32 $0x200, s5;
	v4 =	vld [tilespmem:s1+$0x4180]  }
0x292: {  	s7 =	sor.u32 $0x280, s5;
	v5 =	vld [tilespmem:s6+$0x4000]  }
0x293: {  	v6 =	vld [tilespmem:s7+$0x4000]  }
0x294: {  	v7 =	vld [tilespmem:s1+$0xC000]  }
0x295: {  	v8 =	vld [tilespmem:s1+$0xC080]  }
0x296: {  	v9 =	vld [tilespmem:s1+$0xC100]  }
0x297: {  	s10 =	sor.u32 $0x300, s5;
	v10 =	vld [tilespmem:s1+$0xC180]  }
0x298: {  	v11 =	vld [tilespmem:s10+$0x4000]  }
0x299: {  	s11 =	sor.u32 $0x380, s5;
	v12 =	vld [tilespmem:s6+$0xC000]  }
0x29a: {  	v13 =	vld [tilespmem:s11+$0x4000]  }
0x29b: {  	v14 =	vld [tilespmem:s7+$0xC000]  }
0x29c: {  	s12 =	sadd.s32 $0x10, s5;
	v15 =	vld [tilespmem:s10+$0xC000]  }
0x29d: {  	s13 =	sor.u32 $0x200, s12;
	v16 =	vld [tilespmem:s11+$0xC000]  }
0x29e: {  	s16 =	sadd.s32 $0x20, s5;
	v17 =	vld [tilespmem:s13+$0x4000]  }
0x29f: {  	s17 =	sor.u32 $0x200, s16;
	v18 =	vld [tilespmem:s13+$0xC000]  }
0x2a0: {  	s19 =	sor.u32 $0x300, s16;
	v19 =	vld [tilespmem:s17+$0xC000]  }
0x2a1: {  	s5 =	sadd.s32 $0x30, s5;
	v21 =	vld [tilespmem:s19+$0x4000]  }
0x2a2: {  	s20 =	sor.u32 $0x200, s5;
	v23 =	vld [tilespmem:s19+$0xC000]  }
0x2a3: {  	v25 =	vld [tilespmem:s20+$0x4000]  }
0x2a4: {  	s21 =	sor.u32 $0x280, s5;
	v26 =	vld [tilespmem:s20+$0xC000]  }
0x2a5: {  	s22 =	sor.u32 $0x300, s5;
	v27 =	vld [tilespmem:s21+$0x4000]  }
0x2a6: {  	s23 =	sor.u32 $0x380, s5;
	v28 =	vld [tilespmem:s22+$0x4000]  }
0x2a7: {  	v29 =	vld [tilespmem:s23+$0x4000]  }
0x2a8: {  	v30 =	vld [tilespmem:s21+$0xC000]  }
0x2a9: {  	s24 =	sor.u32 $0x10, s4;
	v31 =	vld [tilespmem:s22+$0xC000]  }
0x2aa: {  	s25 =	sor.u32 s24, s3;
	v32 =	vld [tilespmem:s23+$0xC000]  }
0x2ab: {  	s26 =	sor.u32 $0x20, s4;
	v33 =	vld [tilespmem:s25+$0x4000]  }
0x2ac: {  	s28 =	sor.u32 s26, s3;
	v34 =	vld [tilespmem:s25+$0x4080]  }
0x2ad: {  	v50 =	vld [tilespmem:s28+$0x4000]  }
0x2ae: {  	v51 =	vld [tilespmem:s28+$0x4180]  }
0x2af: {  	s4 =	sor.u32 $0x30, s4;
	v54 =	vld [tilespmem:s28+$0xC100]  }
0x2b0: {  	s3 =	sor.u32 s4, s3;
	v55 =	vld [tilespmem:s28+$0xC180]  }
0x2b1: {  	s6 =	sor.u32 $0x380, s16;
	v58 =	vld [tilespmem:s3+$0x4000]  }
0x2b2: {  	s14 =	sor.u32 $0x280, s12;
	v24 =	vld [tilespmem:s6+$0xC000]  }
0x2b3: {  	s15 =	sor.u32 $0x300, s12;
	v1 =	vadd.f32 v2, v1;
	v2 =	vadd.f32 v4, v3;
	v3 =	vld [tilespmem:s14+$0x4000]  }
0x2b4: {  	s7 =	sor.u32 $0x380, s12;
	v4 =	vadd.f32 v6, v5;
	v6 =	vld [tilespmem:s15+$0x4000]  }
0x2b5: {  	v5 =	vadd.f32 v13, v11;
	v11 =	vld [tilespmem:s7+$0x4000]  }
0x2b6: {  	v13 =	vld [tilespmem:s17+$0x4000]  }
0x2b7: {  	v7 =	vadd.f32 v8, v7;
	v8 =	vadd.f32 v10, v9;
	v9 =	vld [tilespmem:s25+$0x4100]  }
0x2b8: {  	v10 =	vadd.f32 v14, v12;
	v14 =	vld [tilespmem:s25+$0x4180]  }
0x2b9: {  	v12 =	vadd.f32 v16, v15;
	v15 =	vld [tilespmem:s25+$0xC000]  }
0x2ba: {  	v1 =	vadd.f32 v2, v1;
	v2 =	vadd.f32 v5, v4;
	v4 =	vld [tilespmem:s14+$0xC000]  }
0x2bb: {  	v5 =	vld [tilespmem:s15+$0xC000]  }
0x2bc: {  	v7 =	vadd.f32 v8, v7;
	v8 =	vadd.f32 v12, v10;
	v10 =	vld [tilespmem:s25+$0xC080]  }
0x2bd: {  	v12 =	vld [tilespmem:s25+$0xC100]  }
0x2be: {  	v56 =	vadd.f32 v30, v26;
	v1 =	vadd.f32 v2, v1;
	v2 =	vld [tilespmem:s7+$0xC000]  }
0x2bf: {  	v57 =	vadd.f32 v32, v31;
	v7 =	vadd.f32 v8, v7;
	v8 =	vld [tilespmem:s25+$0xC180]  }
0x2c0: {  	v59 =	vadd.f32 v34, v33;
	v6 =	vadd.f32 v11, v6;
	v11 =	vld [tilespmem:s28+$0x4080]  }
0x2c1: {  	s18 =	sor.u32 $0x280, s16;
	v3 =	vadd.f32 v3, v17;
	v9 =	vadd.f32 v14, v9;
	v14 =	vld [tilespmem:s3+$0x4080]  }
0x2c2: {  	v52 =	vadd.f32 v24, v23;
	v0 =	vadd.f32 v0, v1;
	v1 =	vld [tilespmem:s18+$0x4000]  }
0x2c3: {  	v22 =	vld [tilespmem:s6+$0x4000];
	v4 =	vadd.f32 v4, v18;
	v3 =	vadd.f32 v6, v3  }
0x2c4: {  	s31 =	simm.s32 $0x10800;
	v10 =	vadd.f32 v10, v15;
	v9 =	vadd.f32 v9, v59;
	[tilespmem:s30+$0x0] =	vst v0;
	v0 =	vld [tilespmem:s18+$0xC000]  }
0x2c5: {  	v18 =	vadd.f32 v55, v54;
	v20 =	vld [tilespmem:s31+$0x0];
	v2 =	vadd.f32 v2, v5  }
0x2c6: {  	v5 =	vld [tilespmem:s28+$0x4100];
	v8 =	vadd.f32 v8, v12;
	v11 =	vadd.f32 v11, v50  }
0x2c7: {  	v53 =	vld [tilespmem:s28+$0xC000];
	v14 =	vadd.f32 v14, v58;
	v1 =	vadd.f32 v1, v13  }
0x2c8: {  	v13 =	vadd.f32 v22, v21;
	v4 =	vadd.f32 v2, v4;
	v2 =	vld [tilespmem:s28+$0xC080]  }
0x2c9: {  	v15 =	vld [tilespmem:s3+$0x4180];
	v60 =	vadd.f32 v8, v10;
	v0 =	vadd.f32 v0, v19  }
0x2ca: {  	v12 =	vld [tilespmem:s3+$0x4100];
	v6 =	vadd.f32 v13, v1;
	v1 =	vadd.f32 v29, v28  }
0x2cb: {  	v61 =	vld [tilespmem:s3+$0xC000];
	v7 =	vadd.f32 v7, v20;
	v5 =	vadd.f32 v51, v5  }
0x2cc: {  	v62 =	vld [tilespmem:s3+$0xC080];
	v13 =	vadd.f32 v52, v0;
	v0 =	vadd.f32 v27, v25  }
0x2cd: {  	s29 =	sand.u32 $0x780, s2;
	v8 =	vld [tilespmem:s3+$0xC100];
	v63 =	vadd.f32 v2, v53;
	v2 =	vadd.f32 v3, v9  }
0x2ce: {  	s18 =	sor.u32 s29, s24;
	v10 =	vld [tilespmem:s3+$0xC180];
	v3 =	vadd.f32 v4, v60;
	v4 =	vadd.f32 v5, v11  }
0x2cf: {  	v12 =	vadd.f32 v15, v12;
	v11 =	vld [tilespmem:s18+$0x10000];
	v5 =	vadd.f32 v18, v63  }
0x2d0: {  	s17 =	sor.u32 s29, s26;
	v9 =	vld [tilespmem:s18+$0x10800];
	v1 =	vadd.f32 v1, v0;
	v4 =	vadd.f32 v6, v4  }
0x2d1: {  	v6 =	vld [tilespmem:s17+$0x10000];
	v5 =	vadd.f32 v13, v5;
	v13 =	vadd.f32 v12, v14  }
0x2d2: {  	s16 =	sor.u32 s29, s4;
	[tilespmem:s31+$0x0] =	vst v7;
	v7 =	vld [tilespmem:s17+$0x10800];
	v0 =	vadd.f32 v57, v56;
	v12 =	vadd.f32 v62, v61  }
.LBB2_8:
0x2d3: {  	s2 =	sadd.s32 $0x40, s2;
	v1 =	vadd.f32 v1, v13;
	v8 =	vadd.f32 v10, v8;
	v10 =	vld [tilespmem:s16+$0x10000];
	s0 =	sadd.s32 $0x200, s0;
	s30 =	sadd.s32 $0x40, s30  }
0x2d4: {  	p0 =	por !p0, !p0;
	s1 =	sand.u32 $0x40, s2;
	s5 =	sand.u32 $0x3C00, s0;
	v2 =	vadd.f32 v11, v2;
	v11 =	vld [tilespmem:s16+$0x10800]  }
0x2d5: {  	s3 =	simm.s32 $0x1;
	s12 =	sor.u32 s1, s5;
	v13 =	vld [tilespmem:s30+$0x0];
	s7 =	sor.u32 $0x10, s1;
	v3 =	vadd.f32 v3, v9;
	v8 =	vadd.f32 v8, v12  }
0x2d6: {  	s3 =	simm.s32 @!p0 $0x0;
	s19 =	sor.u32 $0x20, s1;
	s1 =	sor.u32 $0x30, s1;
	v9 =	vld [tilespmem:s12+$0x4000];
	[tilespmem:s18+$0x10000] =	vst v2;
	v2 =	vadd.f32 v6, v4  }
0x2d7: {  	s6 =	sshll.u32 s3, $0x6;
	s4 =	sor.u32 s7, s5;
	s3 =	sor.u32 s19, s5;
	v4 =	vld [tilespmem:s12+$0x4080];
	[tilespmem:s18+$0x10800] =	vst v3;
	v3 =	vadd.f32 v5, v7;
	v0 =	vadd.f32 v0, v8  }
0x2d8: {  	s20 =	sand.u32 $0x780, s2;
	s6 =	sadd.s32 s6, s0;
	s26 =	sor.u32 s1, s5;
	v5 =	vld [tilespmem:s12+$0x4100];
	[tilespmem:s17+$0x10000] =	vst v2;
	v1 =	vadd.f32 v10, v1  }
0x2d9: {  	s21 =	sor.u32 $0x200, s6;
	s5 =	sadd.s32 $0x10, s6;
	s8 =	sadd.s32 $0x20, s6;
	v2 =	vld [tilespmem:s12+$0x4180];
	[tilespmem:s17+$0x10800] =	vst v3;
	v0 =	vadd.f32 v0, v11  }
0x2da: {  	s22 =	sor.u32 $0x280, s6;
	s24 =	sadd.s32 $0x30, s6;
	s23 =	sor.u32 $0x200, s5;
	v3 =	vld [tilespmem:s21+$0x4000];
	[tilespmem:s16+$0x10000] =	vst v1  }
0x2db: {  	s25 =	sor.u32 $0x300, s6;
	s15 =	sor.u32 $0x280, s5;
	s13 =	sor.u32 $0x300, s5;
	v1 =	vld [tilespmem:s22+$0x4000];
	[tilespmem:s16+$0x10800] =	vst v0  }
0x2dc: {  	s29 =	sor.u32 $0x380, s6;
	s14 =	sor.u32 $0x380, s5;
	s10 =	sor.u32 $0x200, s8;
	v0 =	vld [tilespmem:s25+$0x4000]  }
0x2dd: {  	s11 =	sor.u32 $0x280, s8;
	s9 =	sor.u32 $0x300, s8;
	s8 =	sor.u32 $0x380, s8;
	v6 =	vld [tilespmem:s29+$0x4000]  }
0x2de: {  	s28 =	sor.u32 $0x200, s24;
	s6 =	sor.u32 $0x280, s24;
	s5 =	sor.u32 $0x300, s24;
	v7 =	vld [tilespmem:s12+$0xC000]  }
0x2df: {  	s18 =	sor.u32 s20, s7;
	s7 =	sor.u32 $0x380, s24;
	s17 =	sor.u32 s20, s19;
	v8 =	vld [tilespmem:s12+$0xC080]  }
0x2e0: {  	p1 =	slt.u32 s2, $0x7C0;
	s16 =	sor.u32 s20, s1;
	v10 =	vld [tilespmem:s12+$0xC100]  }
0x2e1: {  	v4 =	vadd.f32 v4, v9;
	v2 =	vadd.f32 v2, v5;
	v5 =	vld [tilespmem:s12+$0xC180]  }
0x2e2: {  	v1 =	vadd.f32 v1, v3;
	v0 =	vadd.f32 v6, v0;
	v3 =	vld [tilespmem:s21+$0xC000]  }
0x2e3: {  	v6 =	vld [tilespmem:s22+$0xC000]  }
0x2e4: {  	v2 =	vadd.f32 v2, v4;
	v0 =	vadd.f32 v0, v1;
	v1 =	vld [tilespmem:s25+$0xC000]  }
0x2e5: {  	v4 =	vld [tilespmem:s29+$0xC000]  }
0x2e6: {  	v0 =	vadd.f32 v0, v2;
	v2 =	vld [tilespmem:s23+$0x4000]  }
0x2e7: {  	v9 =	vld [tilespmem:s15+$0x4000]  }
0x2e8: {  	v0 =	vadd.f32 v13, v0;
	v11 =	vld [tilespmem:s13+$0x4000]  }
0x2e9: {  	v7 =	vadd.f32 v8, v7;
	v5 =	vadd.f32 v5, v10;
	v8 =	vld [tilespmem:s14+$0x4000]  }
0x2ea: {  	s31 =	sadd.s32 $0x40, s31;
	v3 =	vadd.f32 v6, v3;
	v1 =	vadd.f32 v4, v1;
	[tilespmem:s30+$0x0] =	vst v0;
	v0 =	vld [tilespmem:s23+$0xC000]  }
0x2eb: {  	v4 =	vld [tilespmem:s31+$0x0]  }
0x2ec: {  	v5 =	vadd.f32 v5, v7;
	v1 =	vadd.f32 v1, v3;
	v3 =	vld [tilespmem:s15+$0xC000]  }
0x2ed: {  	v2 =	vadd.f32 v9, v2;
	v6 =	vld [tilespmem:s13+$0xC000]  }
0x2ee: {  	v1 =	vadd.f32 v1, v5;
	v5 =	vadd.f32 v8, v11;
	v7 =	vld [tilespmem:s14+$0xC000]  }
0x2ef: {  	v8 =	vld [tilespmem:s10+$0x4000]  }
0x2f0: {  	v1 =	vadd.f32 v1, v4;
	v2 =	vadd.f32 v5, v2;
	v4 =	vld [tilespmem:s11+$0x4000]  }
0x2f1: {  	v0 =	vadd.f32 v3, v0;
	v3 =	vld [tilespmem:s9+$0x4000]  }
0x2f2: {  	[tilespmem:s31+$0x0] =	vst v1;
	v1 =	vld [tilespmem:s8+$0x4000]  }
0x2f3: {  	v5 =	vadd.f32 v7, v6;
	v6 =	vld [tilespmem:s10+$0xC000]  }
0x2f4: {  	v7 =	vld [tilespmem:s11+$0xC000]  }
0x2f5: {  	v5 =	vadd.f32 v5, v0;
	v0 =	vadd.f32 v4, v8;
	v4 =	vld [tilespmem:s9+$0xC000]  }
0x2f6: {  	v8 =	vld [tilespmem:s8+$0xC000]  }
0x2f7: {  	v1 =	vadd.f32 v1, v3;
	v3 =	vld [tilespmem:s28+$0x4000]  }
0x2f8: {  	v9 =	vld [tilespmem:s6+$0x4000]  }
0x2f9: {  	v10 =	vadd.f32 v1, v0;
	v0 =	vadd.f32 v7, v6;
	v1 =	vld [tilespmem:s5+$0x4000]  }
0x2fa: {  	v6 =	vld [tilespmem:s7+$0x4000]  }
0x2fb: {  	v4 =	vadd.f32 v8, v4;
	v7 =	vld [tilespmem:s28+$0xC000]  }
0x2fc: {  	v8 =	vld [tilespmem:s6+$0xC000]  }
0x2fd: {  	v12 =	vadd.f32 v4, v0;
	v0 =	vadd.f32 v9, v3;
	v3 =	vld [tilespmem:s5+$0xC000]  }
0x2fe: {  	v4 =	vld [tilespmem:s7+$0xC000]  }
0x2ff: {  	v9 =	vld [tilespmem:s4+$0x4000];
	v1 =	vadd.f32 v6, v1  }
0x300: {  	v6 =	vld [tilespmem:s4+$0x4080]  }
0x301: {  	v11 =	vld [tilespmem:s4+$0x4100];
	v1 =	vadd.f32 v1, v0;
	v0 =	vadd.f32 v8, v7  }
0x302: {  	v7 =	vld [tilespmem:s4+$0x4180]  }
0x303: {  	v8 =	vld [tilespmem:s4+$0xC000];
	v3 =	vadd.f32 v4, v3  }
0x304: {  	v4 =	vld [tilespmem:s4+$0xC080]  }
0x305: {  	v6 =	vadd.f32 v6, v9;
	v9 =	vld [tilespmem:s4+$0xC100];
	v0 =	vadd.f32 v3, v0  }
0x306: {  	v3 =	vld [tilespmem:s4+$0xC180]  }
0x307: {  	v7 =	vadd.f32 v7, v11;
	v11 =	vld [tilespmem:s3+$0x4000]  }
0x308: {  	v13 =	vld [tilespmem:s3+$0x4080]  }
0x309: {  	v6 =	vadd.f32 v7, v6;
	v4 =	vadd.f32 v4, v8;
	v7 =	vld [tilespmem:s3+$0x4100]  }
0x30a: {  	v8 =	vld [tilespmem:s3+$0x4180]  }
0x30b: {  	v2 =	vadd.f32 v2, v6;
	v3 =	vadd.f32 v3, v9;
	v6 =	vld [tilespmem:s3+$0xC000]  }
0x30c: {  	v9 =	vld [tilespmem:s3+$0xC080]  }
0x30d: {  	v3 =	vadd.f32 v3, v4;
	v4 =	vadd.f32 v13, v11;
	v11 =	vld [tilespmem:s3+$0xC100]  }
0x30e: {  	v13 =	vld [tilespmem:s3+$0xC180]  }
0x30f: {  	v3 =	vadd.f32 v5, v3;
	v5 =	vadd.f32 v8, v7;
	v7 =	vld [tilespmem:s26+$0x4000]  }
0x310: {  	v8 =	vld [tilespmem:s26+$0x4080]  }
0x311: {  	v4 =	vadd.f32 v5, v4;
	v5 =	vadd.f32 v9, v6;
	v6 =	vld [tilespmem:s26+$0x4100]  }
0x312: {  	v9 =	vld [tilespmem:s26+$0x4180]  }
0x313: {  	v4 =	vadd.f32 v10, v4;
	v10 =	vadd.f32 v13, v11;
	v14 =	vld [tilespmem:s26+$0xC000]  }
0x314: {  	v15 =	vld [tilespmem:s26+$0xC080]  }
0x315: {  	v5 =	vadd.f32 v10, v5;
	v7 =	vadd.f32 v8, v7;
	v8 =	vld [tilespmem:s26+$0xC100]  }
.Ltmp3:
0x316: {  	v10 =	vld [tilespmem:s26+$0xC180];
	(pc) =	sbr.rel @p1 .LBB2_8-.Ltmp3, $4  }
0x317: {  	v11 =	vld [tilespmem:s18+$0x10000];
	v5 =	vadd.f32 v12, v5;
	v12 =	vadd.f32 v9, v6  }
0x318: {  	v9 =	vld [tilespmem:s18+$0x10800]  }
0x319: {  	v6 =	vld [tilespmem:s17+$0x10000];
	v13 =	vadd.f32 v12, v7;
	v12 =	vadd.f32 v15, v14  }
0x31a: {  	v7 =	vld [tilespmem:s17+$0x10800]  }
0x31b: {  	v8 =	vadd.f32 v10, v8;
	v60 =	vld [tilespmem:s16+$0x10000]  }
0x31c: {  	v61 =	vld [tilespmem:s16+$0x10800];
	v2 =	vadd.f32 v11, v2  }
0x31d: {  	v3 =	vadd.f32 v3, v9;
	v8 =	vadd.f32 v8, v12  }
0x31e: {  	v1 =	vadd.f32 v1, v13;
	[tilespmem:s18+$0x10000] =	vst v2;
	v62 =	vadd.f32 v6, v4  }
0x31f: {  	[tilespmem:s18+$0x10800] =	vst v3;
	v63 =	vadd.f32 v5, v7;
	v0 =	vadd.f32 v0, v8  }
0x320: {  	[tilespmem:s17+$0x10000] =	vst v62;
	v1 =	vadd.f32 v60, v1  }
0x321: {  	[tilespmem:s17+$0x10800] =	vst v63;
	v0 =	vadd.f32 v0, v61  }
0x322: {  	[tilespmem:s16+$0x10000] =	vst v1  }
0x323: {  	s1 =	simm.s32 $0x80;
	s2 =	simm.s32 $0x100;
	[tilespmem:s16+$0x10800] =	vst v0  }
0x324: {  	s14 =	simm.s32 $0x10000;
	s3 =	simm.s32 $0x5;
	s0 =	rddreg [dreg:$0xc]  }
0x325: {  	[hbm4b:s0+s1] =	stream.strided.scatter [tilespmem:s14], [sflag:$0x5], $0x800, s2, s1, $0x38;
	[tilespmem:$0x11000] =	vst v63  }
0x326: {  	_ =	swait.ge [sflag:s3], $0x800  }
0x327: {  	[sflag:s3] =	ssyncset.done $0x0  }
0x328: {  	s15 =	simm.s32 $0x10800;
	s29 =	rddreg [dreg:$0xd];
	[sflag:s3] =	ssyncadd.s32 $0xFFFFF800  }
0x329: {  	[hbm4b:s29+s1] =	stream.strided.scatter [tilespmem:s15], [sflag:$0x5], $0x800, s2, s1, $0x38;
	[tilespmem:$0x11000] =	vst v63  }
0x32a: {  	_ =	swait.ge [sflag:s3], $0x800  }
0x32b: {  	s30 =	rddreg [dreg:$0xf]  }
0x32c: {  	s31 =	rddreg [dreg:$0xe];
	s1 =	sadd.s32 $0x1, s30  }
0x32d: {  	p0 =	sne.s32 s1, s31  }
.Ltmp4:
0x32e: {  	_ = 	snop;
	(pc) =	sbr.rel @p0 .LBB2_1-.Ltmp4, $3  }
0x32f: {  	_ =	sdelay $0x1  }
0x330: {  	[sflag:s3] =	ssyncset.done $0x0  }
0x331: {  	[sflag:s3] =	ssyncadd.s32 $0xFFFFF800  }
0x332: {  	_ =	sfence.sel $0x180000  }
0x333: {  	[bflag:$0x0] =	sbarrier.arrive $0xFFFF  }
0x334: {  	_ =	strace $0x90000047  }
0x335: {  	s0 =	stileid.u32;
	[bflag:$0x2] =	sbarrier.arrive $0xFFFF  }
0x336: {  	p0 =	sne.s32 s0, $0x0;
	s0 =	rddreg [dreg:$0x1]  }
0x337: {  	s0 =	sadd.s32 @!p0 $0x100000, s0  }
0x338: {  	[sflag:s0] =	ssyncadd.tile.s32 @!p0 $0x1;
	_ =	shalt  }
.Lfunc_end2:
_tile_overlayer_lowered:
.L_overlay_start_2:
0x339: {  	(tag) =	ssettag $0x2  }
0x33a: {  	s0 =	rddreg [dreg:$0x0];
	s2 =	stileid.u32  }
0x33b: {  	s1 =	rddreg [dreg:$0x1];
	p0 =	sne.s32 s2, $0x0  }
0x33c: {  	s3 =	rddreg [dreg:$0x2];
	[bflag:$0x3] =	sbarrier.arrive $0xFFFF;
	s2 =	simm.s32 @!p0 $0x1C05  }
0x33d: {  	[timem:s3], [sflag:s2] =	dma.local @!p0 [hbm:s0], s1  }
0x33e: {  	s0 =	simm.s32 @!p0 $0x5  }
0x33f: {  	_ =	swait.ge @!p0 [sflag:s0], s1  }
0x340: {  	s1 =	ssub.s32 @!p0 $0x0, s1;
	[sflag:s0] =	ssyncset.done @!p0 $0x0  }
0x341: {  	[sflag:s0] =	ssyncadd.s32 @!p0 s1  }
0x342: {  	[bflag:$0x3] =	sbarrier.arrive $0xFFFF  }
0x343: {  	_ =	shalt  }

</sc_bundles>
